<compile_context>
chip_gen: v7x
topology: tpu7x:2x2x1
jax: 0.10.2.dev20260603
libtpu: 0.0.44.dev20260713+nightly
codegen_flags: <defaults>
</compile_context>

<pallas_src>
import functools

import jax
import jax.numpy as jnp
from jax import lax
from jax.experimental import pallas as pl
from jax.experimental.pallas import tpu as pltpu
from jax.experimental.pallas import tpu_sc as plsc

N_PAD = 10240
D = 128
DEG_W = 16
CHUNK = 64
NC = 2
NS = 16
L = 16
ROWS_PER_TILE = N_PAD // NS
STAGE_STEPS = ROWS_PER_TILE // CHUNK
DROWS = N_PAD // D
DROWS_ALLOC = 128
DROWS_PER_TILE = DROWS_ALLOC // NS
SPLIT0 = 0.66


def _sc_body(feat, srcs, dsts, oh, sums, degs,
             acc, dacc,
             isA, idA, ihA, ilA, rwA, ohA, smA, smA2,
             isB, idB, ihB, ilB, rwB, ohB, smB, smB2,
             dstage,
             *, cpt_total, cpt0):
    c = lax.axis_index("c")
    s = lax.axis_index("s")
    r0 = s * ROWS_PER_TILE
    rows = rwA

    zero = jnp.zeros((L,), jnp.float32)

    def zbody(i, carry):
        for j in range(D // L):
            rows[i, pl.ds(j * L, L)] = zero
        return carry
    lax.fori_loop(0, CHUNK, zbody, 0)
    for k in range(STAGE_STEPS):
        pltpu.async_copy(rows, acc.at[pl.ds(r0 + k * CHUNK, CHUNK)], smA)
    pltpu.async_copy(rows.at[pl.ds(0, DROWS_PER_TILE)],
                     dacc.at[pl.ds(s * DROWS_PER_TILE, DROWS_PER_TILE)], smA)
    for k in range(STAGE_STEPS):
        pltpu.make_async_copy(rows, acc.at[pl.ds(r0 + k * CHUNK, CHUNK)],
                              smA).wait()
    pltpu.make_async_copy(rows.at[pl.ds(0, DROWS_PER_TILE)],
                          dacc.at[pl.ds(s * DROWS_PER_TILE, DROWS_PER_TILE)],
                          smA).wait()

    plsc.subcore_barrier()

    bufA = (isA, idA, ihA, ilA, rwA, ohA, smA)
    bufB = (isB, idB, ihB, ilB, rwB, ohB, smB)

    def pipeline(base_t, cpt):
        def load_start(ci, buf, sm2):
            ixs, ixd, ixh, ixl, rw, ohr, sm = buf
            b = base_t + ci * CHUNK
            pltpu.async_copy(srcs.at[pl.ds(b, CHUNK)], ixs, sm2)
            pltpu.async_copy(dsts.at[pl.ds(b, CHUNK)], ixd, sm2)
            pltpu.make_async_copy(srcs.at[pl.ds(b, CHUNK)], ixs, sm2).wait()
            pltpu.make_async_copy(dsts.at[pl.ds(b, CHUNK)], ixd, sm2).wait()
            for j in range(CHUNK // L):
                dv = ixd[pl.ds(j * L, L)]
                ixh[pl.ds(j * L, L)] = dv >> 7
                ixl[pl.ds(j * L, L)] = dv & 127
            pltpu.async_copy(feat.at[ixs], rw, sm)
            pltpu.async_copy(oh.at[ixl], ohr, sm)

        def wait_pair(buf):
            ixs, ixd, ixh, ixl, rw, ohr, sm = buf
            pltpu.make_async_copy(feat.at[ixs], rw, sm).wait()
            pltpu.make_async_copy(oh.at[ixl], ohr, sm).wait()

        def scat(buf, sm2):
            ixs, ixd, ixh, ixl, rw, ohr, sm = buf
            pltpu.async_copy(ohr, dacc.at[ixh], sm2, add=True)
            pltpu.sync_copy(rw, acc.at[ixd], add=True)
            pltpu.make_async_copy(ohr, dacc.at[ixh], sm2).wait()

        load_start(0, bufA, smA2)

        def step(i, carry):
            load_start(2 * i + 1, bufB, smB2)
            wait_pair(bufA)
            scat(bufA, smA2)
            load_start(2 * i + 2, bufA, smA2)
            wait_pair(bufB)
            scat(bufB, smB2)
            return carry
        lax.fori_loop(0, cpt // 2 - 1, step, 0)

        load_start(cpt - 1, bufB, smB2)
        wait_pair(bufA)
        scat(bufA, smA2)
        wait_pair(bufB)
        scat(bufB, smB2)

    @pl.when(c == 0)
    def _():
        pipeline(s * cpt_total * CHUNK, cpt0)

    @pl.when(c == 1)
    def _():
        pipeline((s * cpt_total + cpt0) * CHUNK, cpt_total - cpt0)

    plsc.subcore_barrier()

    def sl(k):
        return pl.ds(r0 + k * CHUNK, CHUNK)

    dbufs = (rwA, rwB)
    sin = (smA, smB)
    sout = (smA2, smB2)
    pltpu.async_copy(acc.at[sl(0)], dbufs[0], sin[0])
    for k in range(STAGE_STEPS):
        x = k % 2
        y = 1 - x
        if k + 1 < STAGE_STEPS:
            if k >= 1:
                pltpu.make_async_copy(dbufs[y], sums.at[c, sl(k - 1)],
                                      sout[y]).wait()
            pltpu.async_copy(acc.at[sl(k + 1)], dbufs[y], sin[y])
        pltpu.make_async_copy(acc.at[sl(k)], dbufs[x], sin[x]).wait()
        pltpu.async_copy(dbufs[x], sums.at[c, sl(k)], sout[x])
    lastx = (STAGE_STEPS - 1) % 2
    pltpu.make_async_copy(dbufs[1 - lastx], sums.at[c, sl(STAGE_STEPS - 2)],
                          sout[1 - lastx]).wait()
    pltpu.make_async_copy(dbufs[lastx], sums.at[c, sl(STAGE_STEPS - 1)],
                          sout[lastx]).wait()

    d0 = s * DROWS_PER_TILE
    pltpu.sync_copy(dacc.at[pl.ds(d0, DROWS_PER_TILE)], dstage)
    pltpu.sync_copy(dstage, degs.at[c, pl.ds(d0, DROWS_PER_TILE)])


def _combine_body(sums_ref, degs_ref, out_ref):
    ssum = sums_ref[0] + sums_ref[1]
    deg = degs_ref[0] + degs_ref[1]
    a_dim = ssum.shape[0]
    recip = jnp.where(deg > 0.0, 1.0 / jnp.maximum(deg, 1.0), 0.0)
    ii = lax.broadcasted_iota(jnp.int32, (a_dim, D, D), 1)
    jj = lax.broadcasted_iota(jnp.int32, (a_dim, D, D), 2)
    diag = jnp.where(ii == jj, recip[:, None, :], 0.0)
    out_ref[...] = lax.dot_general(
        diag, ssum, (((2,), (1,)), ((0,), (0,))),
        preferred_element_type=jnp.float32)


@jax.jit
def kernel(feat, edge_index):
    n, d = feat.shape
    e = edge_index.shape[1]
    step = NS * CHUNK * 4
    e_pad = ((e + step - 1) // step) * step
    pad = e_pad - e
    srcs = jnp.concatenate(
        [edge_index[0], jnp.zeros((pad,), jnp.int32)]) if pad else edge_index[0]
    dsts = jnp.concatenate(
        [edge_index[1], jnp.full((pad,), n, jnp.int32)]) if pad else edge_index[1]
    oh = jnp.eye(D, dtype=jnp.float32)

    cpt_total = e_pad // (NS * CHUNK)
    cpt0 = int(cpt_total * SPLIT0) & ~1

    mesh = plsc.VectorSubcoreMesh(core_axis_name="c", subcore_axis_name="s")
    sums, degs = pl.kernel(
        functools.partial(_sc_body, cpt_total=cpt_total, cpt0=cpt0),
        out_type=[
            jax.ShapeDtypeStruct((NC, N_PAD, D), jnp.float32),
            jax.ShapeDtypeStruct((NC, DROWS_ALLOC, D), jnp.float32),
        ],
        mesh=mesh,
        scratch_types=[
            pltpu.VMEM_SHARED((N_PAD, D), jnp.float32),
            pltpu.VMEM_SHARED((DROWS_ALLOC, D), jnp.float32),
        ] + 2 * [
            pltpu.VMEM((CHUNK,), jnp.int32),
            pltpu.VMEM((CHUNK,), jnp.int32),
            pltpu.VMEM((CHUNK,), jnp.int32),
            pltpu.VMEM((CHUNK,), jnp.int32),
            pltpu.VMEM((CHUNK, D), jnp.float32),
            pltpu.VMEM((CHUNK, D), jnp.float32),
            pltpu.SemaphoreType.DMA,
            pltpu.SemaphoreType.DMA,
        ] + [
            pltpu.VMEM((DROWS_PER_TILE, D), jnp.float32),
        ],
        name="sage_agg_sc",
    )(feat, srcs, dsts, oh)

    ab = 8
    grid = DROWS // ab
    sums3 = sums.reshape(NC, DROWS, D, D)
    out = pl.pallas_call(
        _combine_body,
        grid=(grid,),
        in_specs=[
            pl.BlockSpec((NC, ab, D, D), lambda i: (0, i, 0, 0)),
            pl.BlockSpec((NC, ab, D), lambda i: (0, i, 0)),
        ],
        out_specs=pl.BlockSpec((ab, D, D), lambda i: (i, 0, 0)),
        out_shape=jax.ShapeDtypeStruct((DROWS, D, D), jnp.float32),
    )(sums3, degs)
    return out.reshape(N_PAD, D)[:n]

# --- scband reference (transcript-rebuilt; emitter-appended) ---
"""Pipeline reference for scband-sageconv-agg-loc-18580028522748 (READ-ONLY COPY).

The authoritative reference and input builder live on the scoring server;
editing this copy changes nothing except your own understanding.
"""

import jax, jax.numpy as jnp
import numpy as np

N = 10000
E = 320000
D = 128


def setup_inputs(seed: int = 0) -> dict:
    key = jax.random.key(seed)
    k1, k2 = jax.random.split(key)
    feat = jax.random.normal(k1, (N, D), dtype=jnp.float32)
    edge_index = jax.random.randint(k2, (2, E), 0, N, dtype=jnp.int32)
    return {"feat": feat, "edge_index": edge_index}


def reference(feat, edge_index):
    # SAGEConv 'mean' aggregation: for each dst node, mean of src features
    # over incoming edges (0 for isolated nodes, matching DGL fn.mean semantics).
    src = edge_index[0]
    dst = edge_index[1]
    msg = jnp.take(feat, src, axis=0)                     # gather: [E, D]
    neigh_sum = jax.ops.segment_sum(msg, dst, num_segments=N)  # scatter-add: [N, D]
    deg = jax.ops.segment_sum(jnp.ones((E,), dtype=feat.dtype), dst, num_segments=N)
    safe_deg = jnp.maximum(deg, 1.0)
    h_neigh = jnp.where((deg > 0)[:, None], neigh_sum / safe_deg[:, None], 0.0)
    return h_neigh

if __name__ == "__main__":
    import jax
    _d = setup_inputs()
    print(jax.jit(kernel)(*tuple(_d.values())))

</pallas_src>

<mosaic_0001>
#map = affine_map<(d0, d1) -> (0, 0)>
#map1 = affine_map<(d0, d1) -> (0)>
#map2 = affine_map<(d0, d1) -> (0, 0, 0)>
module attributes {stable_mosaic.version = 14 : i64} {
  func.func @sage_agg_sc(%arg0: i32, %arg1: i32, %arg2: memref<10000x128xf32, #tpu.memory_space<hbm>>, %arg3: memref<323584xi32, #tpu.memory_space<hbm>>, %arg4: memref<323584xi32, #tpu.memory_space<hbm>>, %arg5: memref<128x128xf32, #tpu.memory_space<hbm>>, %arg6: memref<2x10240x128xf32, #tpu.memory_space<hbm>>, %arg7: memref<2x128x128xf32, #tpu.memory_space<hbm>>, %arg8: memref<10240x128xf32, #tpu.memory_space<vmem_shared>>, %arg9: memref<128x128xf32, #tpu.memory_space<vmem_shared>>, %arg10: memref<64xi32, #tpu.memory_space<vmem>>, %arg11: memref<64xi32, #tpu.memory_space<vmem>>, %arg12: memref<64xi32, #tpu.memory_space<vmem>>, %arg13: memref<64xi32, #tpu.memory_space<vmem>>, %arg14: memref<64x128xf32, #tpu.memory_space<vmem>>, %arg15: memref<64x128xf32, #tpu.memory_space<vmem>>, %arg16: memref<!tpu.dma_semaphore, #tpu.memory_space<semaphore_mem>>, %arg17: memref<!tpu.dma_semaphore, #tpu.memory_space<semaphore_mem>>, %arg18: memref<64xi32, #tpu.memory_space<vmem>>, %arg19: memref<64xi32, #tpu.memory_space<vmem>>, %arg20: memref<64xi32, #tpu.memory_space<vmem>>, %arg21: memref<64xi32, #tpu.memory_space<vmem>>, %arg22: memref<64x128xf32, #tpu.memory_space<vmem>>, %arg23: memref<64x128xf32, #tpu.memory_space<vmem>>, %arg24: memref<!tpu.dma_semaphore, #tpu.memory_space<semaphore_mem>>, %arg25: memref<!tpu.dma_semaphore, #tpu.memory_space<semaphore_mem>>, %arg26: memref<8x128xf32, #tpu.memory_space<vmem>>) attributes {dimension_semantics = [#tpu.dimension_semantics<core_parallel>, #tpu.dimension_semantics<subcore_parallel>], iteration_bounds = array<i64: 2, 16>, scalar_prefetch = 0 : i64, scratch_operands = 19 : i64, tpu.core_type = #tpu.core_type<sc_vector_subcore>, window_params = [{transform_indices = #map}, {transform_indices = #map1}, {transform_indices = #map1}, {transform_indices = #map}, {transform_indices = #map2}, {transform_indices = #map2}]} {
    %mul3A = arith.constant 640 : i32
    %mul3A_0 = arith.muli %arg1, %mul3A : i32
    %broadcast_in_dim3A = arith.constant 0.000000e+00 : f32
    %broadcast_in_dim3A_1 = vector.broadcast %broadcast_in_dim3A : f32 to vector<16xf32>
    %scan3A = arith.constant 0 : i32
    %scan3A_2 = arith.constant 0 : i32
    %scan3A_3 = arith.constant 64 : i32
    %scan3A_4 = arith.addi %scan3A_2, %scan3A_3 : i32
    %scan3A_5 = arith.constant 1 : i32
    scf.for %scan3A_438 = %scan3A_2 to %scan3A_4 step %scan3A_5  : i32 {
      %swap3A = arith.index_cast %scan3A_438 : i32 to index
      %swap3A_439 = arith.constant 0 : index
      %swap3A_440 = tpu.vector_load %arg14[%swap3A, %swap3A_439] {strides = array<i32>} : memref<64x128xf32, #tpu.memory_space<vmem>>, vector<1x16xf32>,
      %swap3A_441 = vector.shape_cast %swap3A_440 : vector<1x16xf32> to vector<16xf32>
      %swap3A_442 = vector.shape_cast %broadcast_in_dim3A_1 : vector<16xf32> to vector<1x16xf32>
      tpu.vector_store %arg14[%swap3A, %swap3A_439], %swap3A_442 {strides = array<i32>} : memref<64x128xf32, #tpu.memory_space<vmem>>, vector<1x16xf32>,
      %swap3A_443 = arith.index_cast %scan3A_438 : i32 to index
      %swap3A_444 = arith.constant 16 : index
      %swap3A_445 = tpu.vector_load %arg14[%swap3A_443, %swap3A_444] {strides = array<i32>} : memref<64x128xf32, #tpu.memory_space<vmem>>, vector<1x16xf32>,
      %swap3A_446 = vector.shape_cast %swap3A_445 : vector<1x16xf32> to vector<16xf32>
      %swap3A_447 = vector.shape_cast %broadcast_in_dim3A_1 : vector<16xf32> to vector<1x16xf32>
      tpu.vector_store %arg14[%swap3A_443, %swap3A_444], %swap3A_447 {strides = array<i32>} : memref<64x128xf32, #tpu.memory_space<vmem>>, vector<1x16xf32>,
      %swap3A_448 = arith.index_cast %scan3A_438 : i32 to index
      %swap3A_449 = arith.constant 32 : index
      %swap3A_450 = tpu.vector_load %arg14[%swap3A_448, %swap3A_449] {strides = array<i32>} : memref<64x128xf32, #tpu.memory_space<vmem>>, vector<1x16xf32>,
      %swap3A_451 = vector.shape_cast %swap3A_450 : vector<1x16xf32> to vector<16xf32>
      %swap3A_452 = vector.shape_cast %broadcast_in_dim3A_1 : vector<16xf32> to vector<1x16xf32>
      tpu.vector_store %arg14[%swap3A_448, %swap3A_449], %swap3A_452 {strides = array<i32>} : memref<64x128xf32, #tpu.memory_space<vmem>>, vector<1x16xf32>,
      %swap3A_453 = arith.index_cast %scan3A_438 : i32 to index
      %swap3A_454 = arith.constant 48 : index
      %swap3A_455 = tpu.vector_load %arg14[%swap3A_453, %swap3A_454] {strides = array<i32>} : memref<64x128xf32, #tpu.memory_space<vmem>>, vector<1x16xf32>,
      %swap3A_456 = vector.shape_cast %swap3A_455 : vector<1x16xf32> to vector<16xf32>
      %swap3A_457 = vector.shape_cast %broadcast_in_dim3A_1 : vector<16xf32> to vector<1x16xf32>
      tpu.vector_store %arg14[%swap3A_453, %swap3A_454], %swap3A_457 {strides = array<i32>} : memref<64x128xf32, #tpu.memory_space<vmem>>, vector<1x16xf32>,
      %swap3A_458 = arith.index_cast %scan3A_438 : i32 to index
      %swap3A_459 = arith.constant 64 : index
      %swap3A_460 = tpu.vector_load %arg14[%swap3A_458, %swap3A_459] {strides = array<i32>} : memref<64x128xf32, #tpu.memory_space<vmem>>, vector<1x16xf32>,
      %swap3A_461 = vector.shape_cast %swap3A_460 : vector<1x16xf32> to vector<16xf32>
      %swap3A_462 = vector.shape_cast %broadcast_in_dim3A_1 : vector<16xf32> to vector<1x16xf32>
      tpu.vector_store %arg14[%swap3A_458, %swap3A_459], %swap3A_462 {strides = array<i32>} : memref<64x128xf32, #tpu.memory_space<vmem>>, vector<1x16xf32>,
      %swap3A_463 = arith.index_cast %scan3A_438 : i32 to index
      %swap3A_464 = arith.constant 80 : index
      %swap3A_465 = tpu.vector_load %arg14[%swap3A_463, %swap3A_464] {strides = array<i32>} : memref<64x128xf32, #tpu.memory_space<vmem>>, vector<1x16xf32>,
      %swap3A_466 = vector.shape_cast %swap3A_465 : vector<1x16xf32> to vector<16xf32>
      %swap3A_467 = vector.shape_cast %broadcast_in_dim3A_1 : vector<16xf32> to vector<1x16xf32>
      tpu.vector_store %arg14[%swap3A_463, %swap3A_464], %swap3A_467 {strides = array<i32>} : memref<64x128xf32, #tpu.memory_space<vmem>>, vector<1x16xf32>,
      %swap3A_468 = arith.index_cast %scan3A_438 : i32 to index
      %swap3A_469 = arith.constant 96 : index
      %swap3A_470 = tpu.vector_load %arg14[%swap3A_468, %swap3A_469] {strides = array<i32>} : memref<64x128xf32, #tpu.memory_space<vmem>>, vector<1x16xf32>,
      %swap3A_471 = vector.shape_cast %swap3A_470 : vector<1x16xf32> to vector<16xf32>
      %swap3A_472 = vector.shape_cast %broadcast_in_dim3A_1 : vector<16xf32> to vector<1x16xf32>
      tpu.vector_store %arg14[%swap3A_468, %swap3A_469], %swap3A_472 {strides = array<i32>} : memref<64x128xf32, #tpu.memory_space<vmem>>, vector<1x16xf32>,
      %swap3A_473 = arith.index_cast %scan3A_438 : i32 to index
      %swap3A_474 = arith.constant 112 : index
      %swap3A_475 = tpu.vector_load %arg14[%swap3A_473, %swap3A_474] {strides = array<i32>} : memref<64x128xf32, #tpu.memory_space<vmem>>, vector<1x16xf32>,
      %swap3A_476 = vector.shape_cast %swap3A_475 : vector<1x16xf32> to vector<16xf32>
      %swap3A_477 = vector.shape_cast %broadcast_in_dim3A_1 : vector<16xf32> to vector<1x16xf32>
      tpu.vector_store %arg14[%swap3A_473, %swap3A_474], %swap3A_477 {strides = array<i32>} : memref<64x128xf32, #tpu.memory_space<vmem>>, vector<1x16xf32>,
    }
    %scan3A_6 = arith.constant 64 : i32
    %add3A = arith.constant 0 : i32
    %add3A_7 = arith.addi %mul3A_0, %add3A : i32
    %dma_start3A = arith.constant 0 : i32
    %dma_start3A_8 = tpu.memref_slice %arg8[%add3A_7, %dma_start3A] : memref<10240x128xf32, #tpu.memory_space<vmem_shared>> -> memref<64x128xf32, #tpu.memory_space<vmem_shared>>
    %dma_start3A_9 = arith.constant 0 : i32
    %dma_start3A_10 = tpu.memref_slice %arg8[%add3A_7, %dma_start3A_9] : memref<10240x128xf32, #tpu.memory_space<vmem_shared>> -> memref<64x128xf32, #tpu.memory_space<vmem_shared>>
    tpu.enqueue_dma source(%arg14 : memref<64x128xf32, #tpu.memory_space<vmem>>) target(%dma_start3A_10 : memref<64x128xf32, #tpu.memory_space<vmem_shared>>) target_semaphore(%arg16 : memref<!tpu.dma_semaphore, #tpu.memory_space<semaphore_mem>>)
    %add3A_11 = arith.constant 64 : i32
    %add3A_12 = arith.addi %mul3A_0, %add3A_11 : i32
    %dma_start3A_13 = arith.constant 0 : i32
    %dma_start3A_14 = tpu.memref_slice %arg8[%add3A_12, %dma_start3A_13] : memref<10240x128xf32, #tpu.memory_space<vmem_shared>> -> memref<64x128xf32, #tpu.memory_space<vmem_shared>>
    %dma_start3A_15 = arith.constant 0 : i32
    %dma_start3A_16 = tpu.memref_slice %arg8[%add3A_12, %dma_start3A_15] : memref<10240x128xf32, #tpu.memory_space<vmem_shared>> -> memref<64x128xf32, #tpu.memory_space<vmem_shared>>
    tpu.enqueue_dma source(%arg14 : memref<64x128xf32, #tpu.memory_space<vmem>>) target(%dma_start3A_16 : memref<64x128xf32, #tpu.memory_space<vmem_shared>>) target_semaphore(%arg16 : memref<!tpu.dma_semaphore, #tpu.memory_space<semaphore_mem>>)
    %add3A_17 = arith.constant 128 : i32
    %add3A_18 = arith.addi %mul3A_0, %add3A_17 : i32
    %dma_start3A_19 = arith.constant 0 : i32
    %dma_start3A_20 = tpu.memref_slice %arg8[%add3A_18, %dma_start3A_19] : memref<10240x128xf32, #tpu.memory_space<vmem_shared>> -> memref<64x128xf32, #tpu.memory_space<vmem_shared>>
    %dma_start3A_21 = arith.constant 0 : i32
    %dma_start3A_22 = tpu.memref_slice %arg8[%add3A_18, %dma_start3A_21] : memref<10240x128xf32, #tpu.memory_space<vmem_shared>> -> memref<64x128xf32, #tpu.memory_space<vmem_shared>>
    tpu.enqueue_dma source(%arg14 : memref<64x128xf32, #tpu.memory_space<vmem>>) target(%dma_start3A_22 : memref<64x128xf32, #tpu.memory_space<vmem_shared>>) target_semaphore(%arg16 : memref<!tpu.dma_semaphore, #tpu.memory_space<semaphore_mem>>)
    %add3A_23 = arith.constant 192 : i32
    %add3A_24 = arith.addi %mul3A_0, %add3A_23 : i32
    %dma_start3A_25 = arith.constant 0 : i32
    %dma_start3A_26 = tpu.memref_slice %arg8[%add3A_24, %dma_start3A_25] : memref<10240x128xf32, #tpu.memory_space<vmem_shared>> -> memref<64x128xf32, #tpu.memory_space<vmem_shared>>
    %dma_start3A_27 = arith.constant 0 : i32
    %dma_start3A_28 = tpu.memref_slice %arg8[%add3A_24, %dma_start3A_27] : memref<10240x128xf32, #tpu.memory_space<vmem_shared>> -> memref<64x128xf32, #tpu.memory_space<vmem_shared>>
    tpu.enqueue_dma source(%arg14 : memref<64x128xf32, #tpu.memory_space<vmem>>) target(%dma_start3A_28 : memref<64x128xf32, #tpu.memory_space<vmem_shared>>) target_semaphore(%arg16 : memref<!tpu.dma_semaphore, #tpu.memory_space<semaphore_mem>>)
    %add3A_29 = arith.constant 256 : i32
    %add3A_30 = arith.addi %mul3A_0, %add3A_29 : i32
    %dma_start3A_31 = arith.constant 0 : i32
    %dma_start3A_32 = tpu.memref_slice %arg8[%add3A_30, %dma_start3A_31] : memref<10240x128xf32, #tpu.memory_space<vmem_shared>> -> memref<64x128xf32, #tpu.memory_space<vmem_shared>>
    %dma_start3A_33 = arith.constant 0 : i32
    %dma_start3A_34 = tpu.memref_slice %arg8[%add3A_30, %dma_start3A_33] : memref<10240x128xf32, #tpu.memory_space<vmem_shared>> -> memref<64x128xf32, #tpu.memory_space<vmem_shared>>
    tpu.enqueue_dma source(%arg14 : memref<64x128xf32, #tpu.memory_space<vmem>>) target(%dma_start3A_34 : memref<64x128xf32, #tpu.memory_space<vmem_shared>>) target_semaphore(%arg16 : memref<!tpu.dma_semaphore, #tpu.memory_space<semaphore_mem>>)
    %add3A_35 = arith.constant 320 : i32
    %add3A_36 = arith.addi %mul3A_0, %add3A_35 : i32
    %dma_start3A_37 = arith.constant 0 : i32
    %dma_start3A_38 = tpu.memref_slice %arg8[%add3A_36, %dma_start3A_37] : memref<10240x128xf32, #tpu.memory_space<vmem_shared>> -> memref<64x128xf32, #tpu.memory_space<vmem_shared>>
    %dma_start3A_39 = arith.constant 0 : i32
    %dma_start3A_40 = tpu.memref_slice %arg8[%add3A_36, %dma_start3A_39] : memref<10240x128xf32, #tpu.memory_space<vmem_shared>> -> memref<64x128xf32, #tpu.memory_space<vmem_shared>>
    tpu.enqueue_dma source(%arg14 : memref<64x128xf32, #tpu.memory_space<vmem>>) target(%dma_start3A_40 : memref<64x128xf32, #tpu.memory_space<vmem_shared>>) target_semaphore(%arg16 : memref<!tpu.dma_semaphore, #tpu.memory_space<semaphore_mem>>)
    %add3A_41 = arith.constant 384 : i32
    %add3A_42 = arith.addi %mul3A_0, %add3A_41 : i32
    %dma_start3A_43 = arith.constant 0 : i32
    %dma_start3A_44 = tpu.memref_slice %arg8[%add3A_42, %dma_start3A_43] : memref<10240x128xf32, #tpu.memory_space<vmem_shared>> -> memref<64x128xf32, #tpu.memory_space<vmem_shared>>
    %dma_start3A_45 = arith.constant 0 : i32
    %dma_start3A_46 = tpu.memref_slice %arg8[%add3A_42, %dma_start3A_45] : memref<10240x128xf32, #tpu.memory_space<vmem_shared>> -> memref<64x128xf32, #tpu.memory_space<vmem_shared>>
    tpu.enqueue_dma source(%arg14 : memref<64x128xf32, #tpu.memory_space<vmem>>) target(%dma_start3A_46 : memref<64x128xf32, #tpu.memory_space<vmem_shared>>) target_semaphore(%arg16 : memref<!tpu.dma_semaphore, #tpu.memory_space<semaphore_mem>>)
    %add3A_47 = arith.constant 448 : i32
    %add3A_48 = arith.addi %mul3A_0, %add3A_47 : i32
    %dma_start3A_49 = arith.constant 0 : i32
    %dma_start3A_50 = tpu.memref_slice %arg8[%add3A_48, %dma_start3A_49] : memref<10240x128xf32, #tpu.memory_space<vmem_shared>> -> memref<64x128xf32, #tpu.memory_space<vmem_shared>>
    %dma_start3A_51 = arith.constant 0 : i32
    %dma_start3A_52 = tpu.memref_slice %arg8[%add3A_48, %dma_start3A_51] : memref<10240x128xf32, #tpu.memory_space<vmem_shared>> -> memref<64x128xf32, #tpu.memory_space<vmem_shared>>
    tpu.enqueue_dma source(%arg14 : memref<64x128xf32, #tpu.memory_space<vmem>>) target(%dma_start3A_52 : memref<64x128xf32, #tpu.memory_space<vmem_shared>>) target_semaphore(%arg16 : memref<!tpu.dma_semaphore, #tpu.memory_space<semaphore_mem>>)
    %add3A_53 = arith.constant 512 : i32
    %add3A_54 = arith.addi %mul3A_0, %add3A_53 : i32
    %dma_start3A_55 = arith.constant 0 : i32
    %dma_start3A_56 = tpu.memref_slice %arg8[%add3A_54, %dma_start3A_55] : memref<10240x128xf32, #tpu.memory_space<vmem_shared>> -> memref<64x128xf32, #tpu.memory_space<vmem_shared>>
    %dma_start3A_57 = arith.constant 0 : i32
    %dma_start3A_58 = tpu.memref_slice %arg8[%add3A_54, %dma_start3A_57] : memref<10240x128xf32, #tpu.memory_space<vmem_shared>> -> memref<64x128xf32, #tpu.memory_space<vmem_shared>>
    tpu.enqueue_dma source(%arg14 : memref<64x128xf32, #tpu.memory_space<vmem>>) target(%dma_start3A_58 : memref<64x128xf32, #tpu.memory_space<vmem_shared>>) target_semaphore(%arg16 : memref<!tpu.dma_semaphore, #tpu.memory_space<semaphore_mem>>)
    %add3A_59 = arith.constant 576 : i32
    %add3A_60 = arith.addi %mul3A_0, %add3A_59 : i32
    %dma_start3A_61 = arith.constant 0 : i32
    %dma_start3A_62 = tpu.memref_slice %arg8[%add3A_60, %dma_start3A_61] : memref<10240x128xf32, #tpu.memory_space<vmem_shared>> -> memref<64x128xf32, #tpu.memory_space<vmem_shared>>
    %dma_start3A_63 = arith.constant 0 : i32
    %dma_start3A_64 = tpu.memref_slice %arg8[%add3A_60, %dma_start3A_63] : memref<10240x128xf32, #tpu.memory_space<vmem_shared>> -> memref<64x128xf32, #tpu.memory_space<vmem_shared>>
    tpu.enqueue_dma source(%arg14 : memref<64x128xf32, #tpu.memory_space<vmem>>) target(%dma_start3A_64 : memref<64x128xf32, #tpu.memory_space<vmem_shared>>) target_semaphore(%arg16 : memref<!tpu.dma_semaphore, #tpu.memory_space<semaphore_mem>>)
    %mul3A_65 = arith.constant 8 : i32
    %mul3A_66 = arith.muli %arg1, %mul3A_65 : i32
    %dma_start3A_67 = arith.constant 0 : i32
    %dma_start3A_68 = arith.constant 0 : i32
    %dma_start3A_69 = tpu.memref_slice %arg14[%dma_start3A_67, %dma_start3A_68] : memref<64x128xf32, #tpu.memory_space<vmem>> -> memref<8x128xf32, #tpu.memory_space<vmem>>
    %dma_start3A_70 = arith.constant 0 : i32
    %dma_start3A_71 = tpu.memref_slice %arg9[%mul3A_66, %dma_start3A_70] : memref<128x128xf32, #tpu.memory_space<vmem_shared>> -> memref<8x128xf32, #tpu.memory_space<vmem_shared>>
    %dma_start3A_72 = arith.constant 0 : i32
    %dma_start3A_73 = tpu.memref_slice %arg9[%mul3A_66, %dma_start3A_72] : memref<128x128xf32, #tpu.memory_space<vmem_shared>> -> memref<8x128xf32, #tpu.memory_space<vmem_shared>>
    %dma_start3A_74 = arith.constant 0 : i32
    %dma_start3A_75 = arith.constant 0 : i32
    %dma_start3A_76 = tpu.memref_slice %arg14[%dma_start3A_74, %dma_start3A_75] : memref<64x128xf32, #tpu.memory_space<vmem>> -> memref<8x128xf32, #tpu.memory_space<vmem>>
    tpu.enqueue_dma source(%dma_start3A_76 : memref<8x128xf32, #tpu.memory_space<vmem>>) target(%dma_start3A_73 : memref<8x128xf32, #tpu.memory_space<vmem_shared>>) target_semaphore(%arg16 : memref<!tpu.dma_semaphore, #tpu.memory_space<semaphore_mem>>)
    %add3A_77 = arith.constant 0 : i32
    %add3A_78 = arith.addi %mul3A_0, %add3A_77 : i32
    %dma_wait3A = arith.constant 0 : i32
    %dma_wait3A_79 = tpu.memref_slice %arg8[%add3A_78, %dma_wait3A] : memref<10240x128xf32, #tpu.memory_space<vmem_shared>> -> memref<64x128xf32, #tpu.memory_space<vmem_shared>>
    %dma_wait3A_80 = arith.constant 0 : i32
    %dma_wait3A_81 = tpu.memref_slice %arg8[%add3A_78, %dma_wait3A_80] : memref<10240x128xf32, #tpu.memory_space<vmem_shared>> -> memref<64x128xf32, #tpu.memory_space<vmem_shared>>
    tpu.wait_dma2 semaphore(%arg16 : memref<!tpu.dma_semaphore, #tpu.memory_space<semaphore_mem>>) src(%arg14 : memref<64x128xf32, #tpu.memory_space<vmem>>) dst(%dma_wait3A_81 : memref<64x128xf32, #tpu.memory_space<vmem_shared>>)
    %add3A_82 = arith.constant 64 : i32
    %add3A_83 = arith.addi %mul3A_0, %add3A_82 : i32
    %dma_wait3A_84 = arith.constant 0 : i32
    %dma_wait3A_85 = tpu.memref_slice %arg8[%add3A_83, %dma_wait3A_84] : memref<10240x128xf32, #tpu.memory_space<vmem_shared>> -> memref<64x128xf32, #tpu.memory_space<vmem_shared>>
    %dma_wait3A_86 = arith.constant 0 : i32
    %dma_wait3A_87 = tpu.memref_slice %arg8[%add3A_83, %dma_wait3A_86] : memref<10240x128xf32, #tpu.memory_space<vmem_shared>> -> memref<64x128xf32, #tpu.memory_space<vmem_shared>>
    tpu.wait_dma2 semaphore(%arg16 : memref<!tpu.dma_semaphore, #tpu.memory_space<semaphore_mem>>) src(%arg14 : memref<64x128xf32, #tpu.memory_space<vmem>>) dst(%dma_wait3A_87 : memref<64x128xf32, #tpu.memory_space<vmem_shared>>)
    %add3A_88 = arith.constant 128 : i32
    %add3A_89 = arith.addi %mul3A_0, %add3A_88 : i32
    %dma_wait3A_90 = arith.constant 0 : i32
    %dma_wait3A_91 = tpu.memref_slice %arg8[%add3A_89, %dma_wait3A_90] : memref<10240x128xf32, #tpu.memory_space<vmem_shared>> -> memref<64x128xf32, #tpu.memory_space<vmem_shared>>
    %dma_wait3A_92 = arith.constant 0 : i32
    %dma_wait3A_93 = tpu.memref_slice %arg8[%add3A_89, %dma_wait3A_92] : memref<10240x128xf32, #tpu.memory_space<vmem_shared>> -> memref<64x128xf32, #tpu.memory_space<vmem_shared>>
    tpu.wait_dma2 semaphore(%arg16 : memref<!tpu.dma_semaphore, #tpu.memory_space<semaphore_mem>>) src(%arg14 : memref<64x128xf32, #tpu.memory_space<vmem>>) dst(%dma_wait3A_93 : memref<64x128xf32, #tpu.memory_space<vmem_shared>>)
    %add3A_94 = arith.constant 192 : i32
    %add3A_95 = arith.addi %mul3A_0, %add3A_94 : i32
    %dma_wait3A_96 = arith.constant 0 : i32
    %dma_wait3A_97 = tpu.memref_slice %arg8[%add3A_95, %dma_wait3A_96] : memref<10240x128xf32, #tpu.memory_space<vmem_shared>> -> memref<64x128xf32, #tpu.memory_space<vmem_shared>>
    %dma_wait3A_98 = arith.constant 0 : i32
    %dma_wait3A_99 = tpu.memref_slice %arg8[%add3A_95, %dma_wait3A_98] : memref<10240x128xf32, #tpu.memory_space<vmem_shared>> -> memref<64x128xf32, #tpu.memory_space<vmem_shared>>
    tpu.wait_dma2 semaphore(%arg16 : memref<!tpu.dma_semaphore, #tpu.memory_space<semaphore_mem>>) src(%arg14 : memref<64x128xf32, #tpu.memory_space<vmem>>) dst(%dma_wait3A_99 : memref<64x128xf32, #tpu.memory_space<vmem_shared>>)
    %add3A_100 = arith.constant 256 : i32
    %add3A_101 = arith.addi %mul3A_0, %add3A_100 : i32
    %dma_wait3A_102 = arith.constant 0 : i32
    %dma_wait3A_103 = tpu.memref_slice %arg8[%add3A_101, %dma_wait3A_102] : memref<10240x128xf32, #tpu.memory_space<vmem_shared>> -> memref<64x128xf32, #tpu.memory_space<vmem_shared>>
    %dma_wait3A_104 = arith.constant 0 : i32
    %dma_wait3A_105 = tpu.memref_slice %arg8[%add3A_101, %dma_wait3A_104] : memref<10240x128xf32, #tpu.memory_space<vmem_shared>> -> memref<64x128xf32, #tpu.memory_space<vmem_shared>>
    tpu.wait_dma2 semaphore(%arg16 : memref<!tpu.dma_semaphore, #tpu.memory_space<semaphore_mem>>) src(%arg14 : memref<64x128xf32, #tpu.memory_space<vmem>>) dst(%dma_wait3A_105 : memref<64x128xf32, #tpu.memory_space<vmem_shared>>)
    %add3A_106 = arith.constant 320 : i32
    %add3A_107 = arith.addi %mul3A_0, %add3A_106 : i32
    %dma_wait3A_108 = arith.constant 0 : i32
    %dma_wait3A_109 = tpu.memref_slice %arg8[%add3A_107, %dma_wait3A_108] : memref<10240x128xf32, #tpu.memory_space<vmem_shared>> -> memref<64x128xf32, #tpu.memory_space<vmem_shared>>
    %dma_wait3A_110 = arith.constant 0 : i32
    %dma_wait3A_111 = tpu.memref_slice %arg8[%add3A_107, %dma_wait3A_110] : memref<10240x128xf32, #tpu.memory_space<vmem_shared>> -> memref<64x128xf32, #tpu.memory_space<vmem_shared>>
    tpu.wait_dma2 semaphore(%arg16 : memref<!tpu.dma_semaphore, #tpu.memory_space<semaphore_mem>>) src(%arg14 : memref<64x128xf32, #tpu.memory_space<vmem>>) dst(%dma_wait3A_111 : memref<64x128xf32, #tpu.memory_space<vmem_shared>>)
    %add3A_112 = arith.constant 384 : i32
    %add3A_113 = arith.addi %mul3A_0, %add3A_112 : i32
    %dma_wait3A_114 = arith.constant 0 : i32
    %dma_wait3A_115 = tpu.memref_slice %arg8[%add3A_113, %dma_wait3A_114] : memref<10240x128xf32, #tpu.memory_space<vmem_shared>> -> memref<64x128xf32, #tpu.memory_space<vmem_shared>>
    %dma_wait3A_116 = arith.constant 0 : i32
    %dma_wait3A_117 = tpu.memref_slice %arg8[%add3A_113, %dma_wait3A_116] : memref<10240x128xf32, #tpu.memory_space<vmem_shared>> -> memref<64x128xf32, #tpu.memory_space<vmem_shared>>
    tpu.wait_dma2 semaphore(%arg16 : memref<!tpu.dma_semaphore, #tpu.memory_space<semaphore_mem>>) src(%arg14 : memref<64x128xf32, #tpu.memory_space<vmem>>) dst(%dma_wait3A_117 : memref<64x128xf32, #tpu.memory_space<vmem_shared>>)
    %add3A_118 = arith.constant 448 : i32
    %add3A_119 = arith.addi %mul3A_0, %add3A_118 : i32
    %dma_wait3A_120 = arith.constant 0 : i32
    %dma_wait3A_121 = tpu.memref_slice %arg8[%add3A_119, %dma_wait3A_120] : memref<10240x128xf32, #tpu.memory_space<vmem_shared>> -> memref<64x128xf32, #tpu.memory_space<vmem_shared>>
    %dma_wait3A_122 = arith.constant 0 : i32
    %dma_wait3A_123 = tpu.memref_slice %arg8[%add3A_119, %dma_wait3A_122] : memref<10240x128xf32, #tpu.memory_space<vmem_shared>> -> memref<64x128xf32, #tpu.memory_space<vmem_shared>>
    tpu.wait_dma2 semaphore(%arg16 : memref<!tpu.dma_semaphore, #tpu.memory_space<semaphore_mem>>) src(%arg14 : memref<64x128xf32, #tpu.memory_space<vmem>>) dst(%dma_wait3A_123 : memref<64x128xf32, #tpu.memory_space<vmem_shared>>)
    %add3A_124 = arith.constant 512 : i32
    %add3A_125 = arith.addi %mul3A_0, %add3A_124 : i32
    %dma_wait3A_126 = arith.constant 0 : i32
    %dma_wait3A_127 = tpu.memref_slice %arg8[%add3A_125, %dma_wait3A_126] : memref<10240x128xf32, #tpu.memory_space<vmem_shared>> -> memref<64x128xf32, #tpu.memory_space<vmem_shared>>
    %dma_wait3A_128 = arith.constant 0 : i32
    %dma_wait3A_129 = tpu.memref_slice %arg8[%add3A_125, %dma_wait3A_128] : memref<10240x128xf32, #tpu.memory_space<vmem_shared>> -> memref<64x128xf32, #tpu.memory_space<vmem_shared>>
    tpu.wait_dma2 semaphore(%arg16 : memref<!tpu.dma_semaphore, #tpu.memory_space<semaphore_mem>>) src(%arg14 : memref<64x128xf32, #tpu.memory_space<vmem>>) dst(%dma_wait3A_129 : memref<64x128xf32, #tpu.memory_space<vmem_shared>>)
    %add3A_130 = arith.constant 576 : i32
    %add3A_131 = arith.addi %mul3A_0, %add3A_130 : i32
    %dma_wait3A_132 = arith.constant 0 : i32
    %dma_wait3A_133 = tpu.memref_slice %arg8[%add3A_131, %dma_wait3A_132] : memref<10240x128xf32, #tpu.memory_space<vmem_shared>> -> memref<64x128xf32, #tpu.memory_space<vmem_shared>>
    %dma_wait3A_134 = arith.constant 0 : i32
    %dma_wait3A_135 = tpu.memref_slice %arg8[%add3A_131, %dma_wait3A_134] : memref<10240x128xf32, #tpu.memory_space<vmem_shared>> -> memref<64x128xf32, #tpu.memory_space<vmem_shared>>
    tpu.wait_dma2 semaphore(%arg16 : memref<!tpu.dma_semaphore, #tpu.memory_space<semaphore_mem>>) src(%arg14 : memref<64x128xf32, #tpu.memory_space<vmem>>) dst(%dma_wait3A_135 : memref<64x128xf32, #tpu.memory_space<vmem_shared>>)
    %mul3A_136 = arith.constant 8 : i32
    %mul3A_137 = arith.muli %arg1, %mul3A_136 : i32
    %dma_wait3A_138 = arith.constant 0 : i32
    %dma_wait3A_139 = arith.constant 0 : i32
    %dma_wait3A_140 = tpu.memref_slice %arg14[%dma_wait3A_138, %dma_wait3A_139] : memref<64x128xf32, #tpu.memory_space<vmem>> -> memref<8x128xf32, #tpu.memory_space<vmem>>
    %dma_wait3A_141 = arith.constant 0 : i32
    %dma_wait3A_142 = tpu.memref_slice %arg9[%mul3A_137, %dma_wait3A_141] : memref<128x128xf32, #tpu.memory_space<vmem_shared>> -> memref<8x128xf32, #tpu.memory_space<vmem_shared>>
    %dma_wait3A_143 = arith.constant 0 : i32
    %dma_wait3A_144 = tpu.memref_slice %arg9[%mul3A_137, %dma_wait3A_143] : memref<128x128xf32, #tpu.memory_space<vmem_shared>> -> memref<8x128xf32, #tpu.memory_space<vmem_shared>>
    %dma_wait3A_145 = arith.constant 0 : i32
    %dma_wait3A_146 = arith.constant 0 : i32
    %dma_wait3A_147 = tpu.memref_slice %arg14[%dma_wait3A_145, %dma_wait3A_146] : memref<64x128xf32, #tpu.memory_space<vmem>> -> memref<8x128xf32, #tpu.memory_space<vmem>>
    tpu.wait_dma2 semaphore(%arg16 : memref<!tpu.dma_semaphore, #tpu.memory_space<semaphore_mem>>) src(%dma_wait3A_147 : memref<8x128xf32, #tpu.memory_space<vmem>>) dst(%dma_wait3A_144 : memref<8x128xf32, #tpu.memory_space<vmem_shared>>)
    %barrier3A = arith.constant 0 : index
    tpu.barrier barrier_id(%barrier3A)
    %eq3A = arith.constant 0 : i32
    %eq3A_148 = arith.cmpi eq, %arg0, %eq3A : i32
    %convert_element_type3A = arith.extui %eq3A_148 : i1 to i32
    %cond3A = arith.constant 0 : i32
    %cond3A_149 = arith.cmpi ne, %convert_element_type3A, %cond3A : i32
    scf.if %cond3A_149 {
      %mul3A_438 = arith.constant 316 : i32
      %mul3A_439 = arith.muli %arg1, %mul3A_438 : i32
      %mul3A_440 = arith.constant 64 : i32
      %mul3A_441 = arith.muli %mul3A_439, %mul3A_440 : i32
      %add3A_442 = arith.constant 0 : i32
      %add3A_443 = arith.addi %mul3A_441, %add3A_442 : i32
      %dma_start3A_444 = tpu.memref_slice %arg3[%add3A_443] : memref<323584xi32, #tpu.memory_space<hbm>> -> memref<64xi32, #tpu.memory_space<hbm>>
      %dma_start3A_445 = tpu.memref_slice %arg3[%add3A_443] : memref<323584xi32, #tpu.memory_space<hbm>> -> memref<64xi32, #tpu.memory_space<hbm>>
      tpu.enqueue_dma source(%dma_start3A_445 : memref<64xi32, #tpu.memory_space<hbm>>) target(%arg10 : memref<64xi32, #tpu.memory_space<vmem>>) target_semaphore(%arg17 : memref<!tpu.dma_semaphore, #tpu.memory_space<semaphore_mem>>)
      %dma_start3A_446 = tpu.memref_slice %arg4[%add3A_443] : memref<323584xi32, #tpu.memory_space<hbm>> -> memref<64xi32, #tpu.memory_space<hbm>>
      %dma_start3A_447 = tpu.memref_slice %arg4[%add3A_443] : memref<323584xi32, #tpu.memory_space<hbm>> -> memref<64xi32, #tpu.memory_space<hbm>>
      tpu.enqueue_dma source(%dma_start3A_447 : memref<64xi32, #tpu.memory_space<hbm>>) target(%arg11 : memref<64xi32, #tpu.memory_space<vmem>>) target_semaphore(%arg17 : memref<!tpu.dma_semaphore, #tpu.memory_space<semaphore_mem>>)
      %dma_wait3A_448 = tpu.memref_slice %arg3[%add3A_443] : memref<323584xi32, #tpu.memory_space<hbm>> -> memref<64xi32, #tpu.memory_space<hbm>>
      %dma_wait3A_449 = tpu.memref_slice %arg3[%add3A_443] : memref<323584xi32, #tpu.memory_space<hbm>> -> memref<64xi32, #tpu.memory_space<hbm>>
      tpu.wait_dma2 semaphore(%arg17 : memref<!tpu.dma_semaphore, #tpu.memory_space<semaphore_mem>>) src(%dma_wait3A_449 : memref<64xi32, #tpu.memory_space<hbm>>) dst(%arg10 : memref<64xi32, #tpu.memory_space<vmem>>)
      %dma_wait3A_450 = tpu.memref_slice %arg4[%add3A_443] : memref<323584xi32, #tpu.memory_space<hbm>> -> memref<64xi32, #tpu.memory_space<hbm>>
      %dma_wait3A_451 = tpu.memref_slice %arg4[%add3A_443] : memref<323584xi32, #tpu.memory_space<hbm>> -> memref<64xi32, #tpu.memory_space<hbm>>
      tpu.wait_dma2 semaphore(%arg17 : memref<!tpu.dma_semaphore, #tpu.memory_space<semaphore_mem>>) src(%dma_wait3A_451 : memref<64xi32, #tpu.memory_space<hbm>>) dst(%arg11 : memref<64xi32, #tpu.memory_space<vmem>>)
      %get3A = arith.constant 0 : index
      %get3A_452 = tpu.vector_load %arg11[%get3A] {strides = array<i32>} : memref<64xi32, #tpu.memory_space<vmem>>, vector<16xi32>,
      %get3A_453 = vector.shape_cast %get3A_452 : vector<16xi32> to vector<16xi32>
      %shift_right_arithmetic3A = arith.constant 7 : i32
      %shift_right_arithmetic3A_454 = vector.broadcast %shift_right_arithmetic3A : i32 to vector<16xi32>
      %shift_right_arithmetic3A_455 = arith.shrsi %get3A_453, %shift_right_arithmetic3A_454 : vector<16xi32>
      %swap3A = arith.constant 0 : index
      %swap3A_456 = tpu.vector_load %arg12[%swap3A] {strides = array<i32>} : memref<64xi32, #tpu.memory_space<vmem>>, vector<16xi32>,
      %swap3A_457 = vector.shape_cast %swap3A_456 : vector<16xi32> to vector<16xi32>
      %swap3A_458 = vector.shape_cast %shift_right_arithmetic3A_455 : vector<16xi32> to vector<16xi32>
      tpu.vector_store %arg12[%swap3A], %swap3A_458 {strides = array<i32>} : memref<64xi32, #tpu.memory_space<vmem>>, vector<16xi32>,
      %and3A = arith.constant 127 : i32
      %and3A_459 = vector.broadcast %and3A : i32 to vector<16xi32>
      %and3A_460 = arith.andi %get3A_453, %and3A_459 : vector<16xi32>
      %swap3A_461 = arith.constant 0 : index
      %swap3A_462 = tpu.vector_load %arg13[%swap3A_461] {strides = array<i32>} : memref<64xi32, #tpu.memory_space<vmem>>, vector<16xi32>,
      %swap3A_463 = vector.shape_cast %swap3A_462 : vector<16xi32> to vector<16xi32>
      %swap3A_464 = vector.shape_cast %and3A_460 : vector<16xi32> to vector<16xi32>
      tpu.vector_store %arg13[%swap3A_461], %swap3A_464 {strides = array<i32>} : memref<64xi32, #tpu.memory_space<vmem>>, vector<16xi32>,
      %get3A_465 = arith.constant 16 : index
      %get3A_466 = tpu.vector_load %arg11[%get3A_465] {strides = array<i32>} : memref<64xi32, #tpu.memory_space<vmem>>, vector<16xi32>,
      %get3A_467 = vector.shape_cast %get3A_466 : vector<16xi32> to vector<16xi32>
      %shift_right_arithmetic3A_468 = arith.constant 7 : i32
      %shift_right_arithmetic3A_469 = vector.broadcast %shift_right_arithmetic3A_468 : i32 to vector<16xi32>
      %shift_right_arithmetic3A_470 = arith.shrsi %get3A_467, %shift_right_arithmetic3A_469 : vector<16xi32>
      %swap3A_471 = arith.constant 16 : index
      %swap3A_472 = tpu.vector_load %arg12[%swap3A_471] {strides = array<i32>} : memref<64xi32, #tpu.memory_space<vmem>>, vector<16xi32>,
      %swap3A_473 = vector.shape_cast %swap3A_472 : vector<16xi32> to vector<16xi32>
      %swap3A_474 = vector.shape_cast %shift_right_arithmetic3A_470 : vector<16xi32> to vector<16xi32>
      tpu.vector_store %arg12[%swap3A_471], %swap3A_474 {strides = array<i32>} : memref<64xi32, #tpu.memory_space<vmem>>, vector<16xi32>,
      %and3A_475 = arith.constant 127 : i32
      %and3A_476 = vector.broadcast %and3A_475 : i32 to vector<16xi32>
      %and3A_477 = arith.andi %get3A_467, %and3A_476 : vector<16xi32>
      %swap3A_478 = arith.constant 16 : index
      %swap3A_479 = tpu.vector_load %arg13[%swap3A_478] {strides = array<i32>} : memref<64xi32, #tpu.memory_space<vmem>>, vector<16xi32>,
      %swap3A_480 = vector.shape_cast %swap3A_479 : vector<16xi32> to vector<16xi32>
      %swap3A_481 = vector.shape_cast %and3A_477 : vector<16xi32> to vector<16xi32>
      tpu.vector_store %arg13[%swap3A_478], %swap3A_481 {strides = array<i32>} : memref<64xi32, #tpu.memory_space<vmem>>, vector<16xi32>,
      %get3A_482 = arith.constant 32 : index
      %get3A_483 = tpu.vector_load %arg11[%get3A_482] {strides = array<i32>} : memref<64xi32, #tpu.memory_space<vmem>>, vector<16xi32>,
      %get3A_484 = vector.shape_cast %get3A_483 : vector<16xi32> to vector<16xi32>
      %shift_right_arithmetic3A_485 = arith.constant 7 : i32
      %shift_right_arithmetic3A_486 = vector.broadcast %shift_right_arithmetic3A_485 : i32 to vector<16xi32>
      %shift_right_arithmetic3A_487 = arith.shrsi %get3A_484, %shift_right_arithmetic3A_486 : vector<16xi32>
      %swap3A_488 = arith.constant 32 : index
      %swap3A_489 = tpu.vector_load %arg12[%swap3A_488] {strides = array<i32>} : memref<64xi32, #tpu.memory_space<vmem>>, vector<16xi32>,
      %swap3A_490 = vector.shape_cast %swap3A_489 : vector<16xi32> to vector<16xi32>
      %swap3A_491 = vector.shape_cast %shift_right_arithmetic3A_487 : vector<16xi32> to vector<16xi32>
      tpu.vector_store %arg12[%swap3A_488], %swap3A_491 {strides = array<i32>} : memref<64xi32, #tpu.memory_space<vmem>>, vector<16xi32>,
      %and3A_492 = arith.constant 127 : i32
      %and3A_493 = vector.broadcast %and3A_492 : i32 to vector<16xi32>
      %and3A_494 = arith.andi %get3A_484, %and3A_493 : vector<16xi32>
      %swap3A_495 = arith.constant 32 : index
      %swap3A_496 = tpu.vector_load %arg13[%swap3A_495] {strides = array<i32>} : memref<64xi32, #tpu.memory_space<vmem>>, vector<16xi32>,
      %swap3A_497 = vector.shape_cast %swap3A_496 : vector<16xi32> to vector<16xi32>
      %swap3A_498 = vector.shape_cast %and3A_494 : vector<16xi32> to vector<16xi32>
      tpu.vector_store %arg13[%swap3A_495], %swap3A_498 {strides = array<i32>} : memref<64xi32, #tpu.memory_space<vmem>>, vector<16xi32>,
      %get3A_499 = arith.constant 48 : index
      %get3A_500 = tpu.vector_load %arg11[%get3A_499] {strides = array<i32>} : memref<64xi32, #tpu.memory_space<vmem>>, vector<16xi32>,
      %get3A_501 = vector.shape_cast %get3A_500 : vector<16xi32> to vector<16xi32>
      %shift_right_arithmetic3A_502 = arith.constant 7 : i32
      %shift_right_arithmetic3A_503 = vector.broadcast %shift_right_arithmetic3A_502 : i32 to vector<16xi32>
      %shift_right_arithmetic3A_504 = arith.shrsi %get3A_501, %shift_right_arithmetic3A_503 : vector<16xi32>
      %swap3A_505 = arith.constant 48 : index
      %swap3A_506 = tpu.vector_load %arg12[%swap3A_505] {strides = array<i32>} : memref<64xi32, #tpu.memory_space<vmem>>, vector<16xi32>,
      %swap3A_507 = vector.shape_cast %swap3A_506 : vector<16xi32> to vector<16xi32>
      %swap3A_508 = vector.shape_cast %shift_right_arithmetic3A_504 : vector<16xi32> to vector<16xi32>
      tpu.vector_store %arg12[%swap3A_505], %swap3A_508 {strides = array<i32>} : memref<64xi32, #tpu.memory_space<vmem>>, vector<16xi32>,
      %and3A_509 = arith.constant 127 : i32
      %and3A_510 = vector.broadcast %and3A_509 : i32 to vector<16xi32>
      %and3A_511 = arith.andi %get3A_501, %and3A_510 : vector<16xi32>
      %swap3A_512 = arith.constant 48 : index
      %swap3A_513 = tpu.vector_load %arg13[%swap3A_512] {strides = array<i32>} : memref<64xi32, #tpu.memory_space<vmem>>, vector<16xi32>,
      %swap3A_514 = vector.shape_cast %swap3A_513 : vector<16xi32> to vector<16xi32>
      %swap3A_515 = vector.shape_cast %and3A_511 : vector<16xi32> to vector<16xi32>
      tpu.vector_store %arg13[%swap3A_512], %swap3A_515 {strides = array<i32>} : memref<64xi32, #tpu.memory_space<vmem>>, vector<16xi32>,
      %dma_start3A_516 = arith.constant 0 : i32
      %dma_start3A_517 = arith.constant 0 : i32
      %dma_start3A_518 = tpu.memref_slice %arg2[%dma_start3A_516, %dma_start3A_517] : memref<10000x128xf32, #tpu.memory_space<hbm>> -> memref<10000x128xf32, #tpu.memory_space<hbm>>
      tpu.enqueue_indirect_dma source(%dma_start3A_518 : memref<10000x128xf32, #tpu.memory_space<hbm>>) target(%arg14 : memref<64x128xf32, #tpu.memory_space<vmem>>) offsets(%arg10 : memref<64xi32, #tpu.memory_space<vmem>>) semaphore(%arg16 : memref<!tpu.dma_semaphore, #tpu.memory_space<semaphore_mem>>)
      %dma_start3A_519 = arith.constant 0 : i32
      %dma_start3A_520 = arith.constant 0 : i32
      %dma_start3A_521 = tpu.memref_slice %arg5[%dma_start3A_519, %dma_start3A_520] : memref<128x128xf32, #tpu.memory_space<hbm>> -> memref<128x128xf32, #tpu.memory_space<hbm>>
      tpu.enqueue_indirect_dma source(%dma_start3A_521 : memref<128x128xf32, #tpu.memory_space<hbm>>) target(%arg15 : memref<64x128xf32, #tpu.memory_space<vmem>>) offsets(%arg13 : memref<64xi32, #tpu.memory_space<vmem>>) semaphore(%arg16 : memref<!tpu.dma_semaphore, #tpu.memory_space<semaphore_mem>>)
      %scan3A_522 = arith.constant 0 : i32
      %scan3A_523 = arith.constant 0 : i32
      %scan3A_524 = arith.constant 103 : i32
      %scan3A_525 = arith.addi %scan3A_523, %scan3A_524 : i32
      %scan3A_526 = arith.constant 1 : i32
      scf.for %scan3A_636 = %scan3A_523 to %scan3A_525 step %scan3A_526  : i32 {
        %mul3A_637 = arith.constant 2 : i32
        %mul3A_638 = arith.muli %mul3A_637, %scan3A_636 : i32
        %add3A_639 = arith.constant 1 : i32
        %add3A_640 = arith.addi %mul3A_638, %add3A_639 : i32
        %mul3A_641 = arith.constant 64 : i32
        %mul3A_642 = arith.muli %add3A_640, %mul3A_641 : i32
        %add3A_643 = arith.addi %mul3A_441, %mul3A_642 : i32
        %dma_start3A_644 = tpu.memref_slice %arg3[%add3A_643] : memref<323584xi32, #tpu.memory_space<hbm>> -> memref<64xi32, #tpu.memory_space<hbm>>
        %dma_start3A_645 = tpu.memref_slice %arg3[%add3A_643] : memref<323584xi32, #tpu.memory_space<hbm>> -> memref<64xi32, #tpu.memory_space<hbm>>
        tpu.enqueue_dma source(%dma_start3A_645 : memref<64xi32, #tpu.memory_space<hbm>>) target(%arg18 : memref<64xi32, #tpu.memory_space<vmem>>) target_semaphore(%arg25 : memref<!tpu.dma_semaphore, #tpu.memory_space<semaphore_mem>>)
        %dma_start3A_646 = tpu.memref_slice %arg4[%add3A_643] : memref<323584xi32, #tpu.memory_space<hbm>> -> memref<64xi32, #tpu.memory_space<hbm>>
        %dma_start3A_647 = tpu.memref_slice %arg4[%add3A_643] : memref<323584xi32, #tpu.memory_space<hbm>> -> memref<64xi32, #tpu.memory_space<hbm>>
        tpu.enqueue_dma source(%dma_start3A_647 : memref<64xi32, #tpu.memory_space<hbm>>) target(%arg19 : memref<64xi32, #tpu.memory_space<vmem>>) target_semaphore(%arg25 : memref<!tpu.dma_semaphore, #tpu.memory_space<semaphore_mem>>)
        %dma_wait3A_648 = tpu.memref_slice %arg3[%add3A_643] : memref<323584xi32, #tpu.memory_space<hbm>> -> memref<64xi32, #tpu.memory_space<hbm>>
        %dma_wait3A_649 = tpu.memref_slice %arg3[%add3A_643] : memref<323584xi32, #tpu.memory_space<hbm>> -> memref<64xi32, #tpu.memory_space<hbm>>
        tpu.wait_dma2 semaphore(%arg25 : memref<!tpu.dma_semaphore, #tpu.memory_space<semaphore_mem>>) src(%dma_wait3A_649 : memref<64xi32, #tpu.memory_space<hbm>>) dst(%arg18 : memref<64xi32, #tpu.memory_space<vmem>>)
        %dma_wait3A_650 = tpu.memref_slice %arg4[%add3A_643] : memref<323584xi32, #tpu.memory_space<hbm>> -> memref<64xi32, #tpu.memory_space<hbm>>
        %dma_wait3A_651 = tpu.memref_slice %arg4[%add3A_643] : memref<323584xi32, #tpu.memory_space<hbm>> -> memref<64xi32, #tpu.memory_space<hbm>>
        tpu.wait_dma2 semaphore(%arg25 : memref<!tpu.dma_semaphore, #tpu.memory_space<semaphore_mem>>) src(%dma_wait3A_651 : memref<64xi32, #tpu.memory_space<hbm>>) dst(%arg19 : memref<64xi32, #tpu.memory_space<vmem>>)
        %get3A_652 = arith.constant 0 : index
        %get3A_653 = tpu.vector_load %arg19[%get3A_652] {strides = array<i32>} : memref<64xi32, #tpu.memory_space<vmem>>, vector<16xi32>,
        %get3A_654 = vector.shape_cast %get3A_653 : vector<16xi32> to vector<16xi32>
        %shift_right_arithmetic3A_655 = arith.constant 7 : i32
        %shift_right_arithmetic3A_656 = vector.broadcast %shift_right_arithmetic3A_655 : i32 to vector<16xi32>
        %shift_right_arithmetic3A_657 = arith.shrsi %get3A_654, %shift_right_arithmetic3A_656 : vector<16xi32>
        %swap3A_658 = arith.constant 0 : index
        %swap3A_659 = tpu.vector_load %arg20[%swap3A_658] {strides = array<i32>} : memref<64xi32, #tpu.memory_space<vmem>>, vector<16xi32>,
        %swap3A_660 = vector.shape_cast %swap3A_659 : vector<16xi32> to vector<16xi32>
        %swap3A_661 = vector.shape_cast %shift_right_arithmetic3A_657 : vector<16xi32> to vector<16xi32>
        tpu.vector_store %arg20[%swap3A_658], %swap3A_661 {strides = array<i32>} : memref<64xi32, #tpu.memory_space<vmem>>, vector<16xi32>,
        %and3A_662 = arith.constant 127 : i32
        %and3A_663 = vector.broadcast %and3A_662 : i32 to vector<16xi32>
        %and3A_664 = arith.andi %get3A_654, %and3A_663 : vector<16xi32>
        %swap3A_665 = arith.constant 0 : index
        %swap3A_666 = tpu.vector_load %arg21[%swap3A_665] {strides = array<i32>} : memref<64xi32, #tpu.memory_space<vmem>>, vector<16xi32>,
        %swap3A_667 = vector.shape_cast %swap3A_666 : vector<16xi32> to vector<16xi32>
        %swap3A_668 = vector.shape_cast %and3A_664 : vector<16xi32> to vector<16xi32>
        tpu.vector_store %arg21[%swap3A_665], %swap3A_668 {strides = array<i32>} : memref<64xi32, #tpu.memory_space<vmem>>, vector<16xi32>,
        %get3A_669 = arith.constant 16 : index
        %get3A_670 = tpu.vector_load %arg19[%get3A_669] {strides = array<i32>} : memref<64xi32, #tpu.memory_space<vmem>>, vector<16xi32>,
        %get3A_671 = vector.shape_cast %get3A_670 : vector<16xi32> to vector<16xi32>
        %shift_right_arithmetic3A_672 = arith.constant 7 : i32
        %shift_right_arithmetic3A_673 = vector.broadcast %shift_right_arithmetic3A_672 : i32 to vector<16xi32>
        %shift_right_arithmetic3A_674 = arith.shrsi %get3A_671, %shift_right_arithmetic3A_673 : vector<16xi32>
        %swap3A_675 = arith.constant 16 : index
        %swap3A_676 = tpu.vector_load %arg20[%swap3A_675] {strides = array<i32>} : memref<64xi32, #tpu.memory_space<vmem>>, vector<16xi32>,
        %swap3A_677 = vector.shape_cast %swap3A_676 : vector<16xi32> to vector<16xi32>
        %swap3A_678 = vector.shape_cast %shift_right_arithmetic3A_674 : vector<16xi32> to vector<16xi32>
        tpu.vector_store %arg20[%swap3A_675], %swap3A_678 {strides = array<i32>} : memref<64xi32, #tpu.memory_space<vmem>>, vector<16xi32>,
        %and3A_679 = arith.constant 127 : i32
        %and3A_680 = vector.broadcast %and3A_679 : i32 to vector<16xi32>
        %and3A_681 = arith.andi %get3A_671, %and3A_680 : vector<16xi32>
        %swap3A_682 = arith.constant 16 : index
        %swap3A_683 = tpu.vector_load %arg21[%swap3A_682] {strides = array<i32>} : memref<64xi32, #tpu.memory_space<vmem>>, vector<16xi32>,
        %swap3A_684 = vector.shape_cast %swap3A_683 : vector<16xi32> to vector<16xi32>
        %swap3A_685 = vector.shape_cast %and3A_681 : vector<16xi32> to vector<16xi32>
        tpu.vector_store %arg21[%swap3A_682], %swap3A_685 {strides = array<i32>} : memref<64xi32, #tpu.memory_space<vmem>>, vector<16xi32>,
        %get3A_686 = arith.constant 32 : index
        %get3A_687 = tpu.vector_load %arg19[%get3A_686] {strides = array<i32>} : memref<64xi32, #tpu.memory_space<vmem>>, vector<16xi32>,
        %get3A_688 = vector.shape_cast %get3A_687 : vector<16xi32> to vector<16xi32>
        %shift_right_arithmetic3A_689 = arith.constant 7 : i32
        %shift_right_arithmetic3A_690 = vector.broadcast %shift_right_arithmetic3A_689 : i32 to vector<16xi32>
        %shift_right_arithmetic3A_691 = arith.shrsi %get3A_688, %shift_right_arithmetic3A_690 : vector<16xi32>
        %swap3A_692 = arith.constant 32 : index
        %swap3A_693 = tpu.vector_load %arg20[%swap3A_692] {strides = array<i32>} : memref<64xi32, #tpu.memory_space<vmem>>, vector<16xi32>,
        %swap3A_694 = vector.shape_cast %swap3A_693 : vector<16xi32> to vector<16xi32>
        %swap3A_695 = vector.shape_cast %shift_right_arithmetic3A_691 : vector<16xi32> to vector<16xi32>
        tpu.vector_store %arg20[%swap3A_692], %swap3A_695 {strides = array<i32>} : memref<64xi32, #tpu.memory_space<vmem>>, vector<16xi32>,
        %and3A_696 = arith.constant 127 : i32
        %and3A_697 = vector.broadcast %and3A_696 : i32 to vector<16xi32>
        %and3A_698 = arith.andi %get3A_688, %and3A_697 : vector<16xi32>
        %swap3A_699 = arith.constant 32 : index
        %swap3A_700 = tpu.vector_load %arg21[%swap3A_699] {strides = array<i32>} : memref<64xi32, #tpu.memory_space<vmem>>, vector<16xi32>,
        %swap3A_701 = vector.shape_cast %swap3A_700 : vector<16xi32> to vector<16xi32>
        %swap3A_702 = vector.shape_cast %and3A_698 : vector<16xi32> to vector<16xi32>
        tpu.vector_store %arg21[%swap3A_699], %swap3A_702 {strides = array<i32>} : memref<64xi32, #tpu.memory_space<vmem>>, vector<16xi32>,
        %get3A_703 = arith.constant 48 : index
        %get3A_704 = tpu.vector_load %arg19[%get3A_703] {strides = array<i32>} : memref<64xi32, #tpu.memory_space<vmem>>, vector<16xi32>,
        %get3A_705 = vector.shape_cast %get3A_704 : vector<16xi32> to vector<16xi32>
        %shift_right_arithmetic3A_706 = arith.constant 7 : i32
        %shift_right_arithmetic3A_707 = vector.broadcast %shift_right_arithmetic3A_706 : i32 to vector<16xi32>
        %shift_right_arithmetic3A_708 = arith.shrsi %get3A_705, %shift_right_arithmetic3A_707 : vector<16xi32>
        %swap3A_709 = arith.constant 48 : index
        %swap3A_710 = tpu.vector_load %arg20[%swap3A_709] {strides = array<i32>} : memref<64xi32, #tpu.memory_space<vmem>>, vector<16xi32>,
        %swap3A_711 = vector.shape_cast %swap3A_710 : vector<16xi32> to vector<16xi32>
        %swap3A_712 = vector.shape_cast %shift_right_arithmetic3A_708 : vector<16xi32> to vector<16xi32>
        tpu.vector_store %arg20[%swap3A_709], %swap3A_712 {strides = array<i32>} : memref<64xi32, #tpu.memory_space<vmem>>, vector<16xi32>,
        %and3A_713 = arith.constant 127 : i32
        %and3A_714 = vector.broadcast %and3A_713 : i32 to vector<16xi32>
        %and3A_715 = arith.andi %get3A_705, %and3A_714 : vector<16xi32>
        %swap3A_716 = arith.constant 48 : index
        %swap3A_717 = tpu.vector_load %arg21[%swap3A_716] {strides = array<i32>} : memref<64xi32, #tpu.memory_space<vmem>>, vector<16xi32>,
        %swap3A_718 = vector.shape_cast %swap3A_717 : vector<16xi32> to vector<16xi32>
        %swap3A_719 = vector.shape_cast %and3A_715 : vector<16xi32> to vector<16xi32>
        tpu.vector_store %arg21[%swap3A_716], %swap3A_719 {strides = array<i32>} : memref<64xi32, #tpu.memory_space<vmem>>, vector<16xi32>,
        %dma_start3A_720 = arith.constant 0 : i32
        %dma_start3A_721 = arith.constant 0 : i32
        %dma_start3A_722 = tpu.memref_slice %arg2[%dma_start3A_720, %dma_start3A_721] : memref<10000x128xf32, #tpu.memory_space<hbm>> -> memref<10000x128xf32, #tpu.memory_space<hbm>>
        tpu.enqueue_indirect_dma source(%dma_start3A_722 : memref<10000x128xf32, #tpu.memory_space<hbm>>) target(%arg22 : memref<64x128xf32, #tpu.memory_space<vmem>>) offsets(%arg18 : memref<64xi32, #tpu.memory_space<vmem>>) semaphore(%arg24 : memref<!tpu.dma_semaphore, #tpu.memory_space<semaphore_mem>>)
        %dma_start3A_723 = arith.constant 0 : i32
        %dma_start3A_724 = arith.constant 0 : i32
        %dma_start3A_725 = tpu.memref_slice %arg5[%dma_start3A_723, %dma_start3A_724] : memref<128x128xf32, #tpu.memory_space<hbm>> -> memref<128x128xf32, #tpu.memory_space<hbm>>
        tpu.enqueue_indirect_dma source(%dma_start3A_725 : memref<128x128xf32, #tpu.memory_space<hbm>>) target(%arg23 : memref<64x128xf32, #tpu.memory_space<vmem>>) offsets(%arg21 : memref<64xi32, #tpu.memory_space<vmem>>) semaphore(%arg24 : memref<!tpu.dma_semaphore, #tpu.memory_space<semaphore_mem>>)
        %dma_wait3A_726 = arith.constant 0 : i32
        %dma_wait3A_727 = arith.constant 0 : i32
        %dma_wait3A_728 = tpu.memref_slice %arg2[%dma_wait3A_726, %dma_wait3A_727] : memref<10000x128xf32, #tpu.memory_space<hbm>> -> memref<10000x128xf32, #tpu.memory_space<hbm>>
        tpu.wait_indirect_dma semaphore(%arg16 : memref<!tpu.dma_semaphore, #tpu.memory_space<semaphore_mem>>) src(%dma_wait3A_728 : memref<10000x128xf32, #tpu.memory_space<hbm>>) dst(%arg14 : memref<64x128xf32, #tpu.memory_space<vmem>>)
        %dma_wait3A_729 = arith.constant 0 : i32
        %dma_wait3A_730 = arith.constant 0 : i32
        %dma_wait3A_731 = tpu.memref_slice %arg5[%dma_wait3A_729, %dma_wait3A_730] : memref<128x128xf32, #tpu.memory_space<hbm>> -> memref<128x128xf32, #tpu.memory_space<hbm>>
        tpu.wait_indirect_dma semaphore(%arg16 : memref<!tpu.dma_semaphore, #tpu.memory_space<semaphore_mem>>) src(%dma_wait3A_731 : memref<128x128xf32, #tpu.memory_space<hbm>>) dst(%arg15 : memref<64x128xf32, #tpu.memory_space<vmem>>)
        %dma_start3A_732 = arith.constant 0 : i32
        %dma_start3A_733 = arith.constant 0 : i32
        %dma_start3A_734 = tpu.memref_slice %arg9[%dma_start3A_732, %dma_start3A_733] : memref<128x128xf32, #tpu.memory_space<vmem_shared>> -> memref<128x128xf32, #tpu.memory_space<vmem_shared>>
        tpu.enqueue_indirect_dma source(%arg15 : memref<64x128xf32, #tpu.memory_space<vmem>>) target(%dma_start3A_734 : memref<128x128xf32, #tpu.memory_space<vmem_shared>>) offsets(%arg12 : memref<64xi32, #tpu.memory_space<vmem>>) semaphore(%arg17 : memref<!tpu.dma_semaphore, #tpu.memory_space<semaphore_mem>>) {add = true}
        "tpu.region"() ({
          %run_scoped3A = tpu.sem_alloc : memref<!tpu.dma_semaphore, #tpu.memory_space<semaphore_mem>>
          %dma_start3A_839 = arith.constant 0 : i32
          %dma_start3A_840 = arith.constant 0 : i32
          %dma_start3A_841 = tpu.memref_slice %arg8[%dma_start3A_839, %dma_start3A_840] : memref<10240x128xf32, #tpu.memory_space<vmem_shared>> -> memref<10240x128xf32, #tpu.memory_space<vmem_shared>>
          tpu.enqueue_indirect_dma source(%arg14 : memref<64x128xf32, #tpu.memory_space<vmem>>) target(%dma_start3A_841 : memref<10240x128xf32, #tpu.memory_space<vmem_shared>>) offsets(%arg11 : memref<64xi32, #tpu.memory_space<vmem>>) semaphore(%run_scoped3A : memref<!tpu.dma_semaphore, #tpu.memory_space<semaphore_mem>>) {add = true}
          %dma_wait3A_842 = arith.constant 0 : i32
          %dma_wait3A_843 = arith.constant 0 : i32
          %dma_wait3A_844 = tpu.memref_slice %arg8[%dma_wait3A_842, %dma_wait3A_843] : memref<10240x128xf32, #tpu.memory_space<vmem_shared>> -> memref<10240x128xf32, #tpu.memory_space<vmem_shared>>
          tpu.wait_indirect_dma semaphore(%run_scoped3A : memref<!tpu.dma_semaphore, #tpu.memory_space<semaphore_mem>>) src(%arg14 : memref<64x128xf32, #tpu.memory_space<vmem>>) dst(%dma_wait3A_844 : memref<10240x128xf32, #tpu.memory_space<vmem_shared>>)
          tpu.yield
        }) : () -> ()
        %dma_wait3A_735 = arith.constant 0 : i32
        %dma_wait3A_736 = arith.constant 0 : i32
        %dma_wait3A_737 = tpu.memref_slice %arg9[%dma_wait3A_735, %dma_wait3A_736] : memref<128x128xf32, #tpu.memory_space<vmem_shared>> -> memref<128x128xf32, #tpu.memory_space<vmem_shared>>
        tpu.wait_indirect_dma semaphore(%arg17 : memref<!tpu.dma_semaphore, #tpu.memory_space<semaphore_mem>>) src(%arg15 : memref<64x128xf32, #tpu.memory_space<vmem>>) dst(%dma_wait3A_737 : memref<128x128xf32, #tpu.memory_space<vmem_shared>>)
        %mul3A_738 = arith.constant 2 : i32
        %mul3A_739 = arith.muli %mul3A_738, %scan3A_636 : i32
        %add3A_740 = arith.constant 2 : i32
        %add3A_741 = arith.addi %mul3A_739, %add3A_740 : i32
        %mul3A_742 = arith.constant 64 : i32
        %mul3A_743 = arith.muli %add3A_741, %mul3A_742 : i32
        %add3A_744 = arith.addi %mul3A_441, %mul3A_743 : i32
        %dma_start3A_745 = tpu.memref_slice %arg3[%add3A_744] : memref<323584xi32, #tpu.memory_space<hbm>> -> memref<64xi32, #tpu.memory_space<hbm>>
        %dma_start3A_746 = tpu.memref_slice %arg3[%add3A_744] : memref<323584xi32, #tpu.memory_space<hbm>> -> memref<64xi32, #tpu.memory_space<hbm>>
        tpu.enqueue_dma source(%dma_start3A_746 : memref<64xi32, #tpu.memory_space<hbm>>) target(%arg10 : memref<64xi32, #tpu.memory_space<vmem>>) target_semaphore(%arg17 : memref<!tpu.dma_semaphore, #tpu.memory_space<semaphore_mem>>)
        %dma_start3A_747 = tpu.memref_slice %arg4[%add3A_744] : memref<323584xi32, #tpu.memory_space<hbm>> -> memref<64xi32, #tpu.memory_space<hbm>>
        %dma_start3A_748 = tpu.memref_slice %arg4[%add3A_744] : memref<323584xi32, #tpu.memory_space<hbm>> -> memref<64xi32, #tpu.memory_space<hbm>>
        tpu.enqueue_dma source(%dma_start3A_748 : memref<64xi32, #tpu.memory_space<hbm>>) target(%arg11 : memref<64xi32, #tpu.memory_space<vmem>>) target_semaphore(%arg17 : memref<!tpu.dma_semaphore, #tpu.memory_space<semaphore_mem>>)
        %dma_wait3A_749 = tpu.memref_slice %arg3[%add3A_744] : memref<323584xi32, #tpu.memory_space<hbm>> -> memref<64xi32, #tpu.memory_space<hbm>>
        %dma_wait3A_750 = tpu.memref_slice %arg3[%add3A_744] : memref<323584xi32, #tpu.memory_space<hbm>> -> memref<64xi32, #tpu.memory_space<hbm>>
        tpu.wait_dma2 semaphore(%arg17 : memref<!tpu.dma_semaphore, #tpu.memory_space<semaphore_mem>>) src(%dma_wait3A_750 : memref<64xi32, #tpu.memory_space<hbm>>) dst(%arg10 : memref<64xi32, #tpu.memory_space<vmem>>)
        %dma_wait3A_751 = tpu.memref_slice %arg4[%add3A_744] : memref<323584xi32, #tpu.memory_space<hbm>> -> memref<64xi32, #tpu.memory_space<hbm>>
        %dma_wait3A_752 = tpu.memref_slice %arg4[%add3A_744] : memref<323584xi32, #tpu.memory_space<hbm>> -> memref<64xi32, #tpu.memory_space<hbm>>
        tpu.wait_dma2 semaphore(%arg17 : memref<!tpu.dma_semaphore, #tpu.memory_space<semaphore_mem>>) src(%dma_wait3A_752 : memref<64xi32, #tpu.memory_space<hbm>>) dst(%arg11 : memref<64xi32, #tpu.memory_space<vmem>>)
        %get3A_753 = arith.constant 0 : index
        %get3A_754 = tpu.vector_load %arg11[%get3A_753] {strides = array<i32>} : memref<64xi32, #tpu.memory_space<vmem>>, vector<16xi32>,
        %get3A_755 = vector.shape_cast %get3A_754 : vector<16xi32> to vector<16xi32>
        %shift_right_arithmetic3A_756 = arith.constant 7 : i32
        %shift_right_arithmetic3A_757 = vector.broadcast %shift_right_arithmetic3A_756 : i32 to vector<16xi32>
        %shift_right_arithmetic3A_758 = arith.shrsi %get3A_755, %shift_right_arithmetic3A_757 : vector<16xi32>
        %swap3A_759 = arith.constant 0 : index
        %swap3A_760 = tpu.vector_load %arg12[%swap3A_759] {strides = array<i32>} : memref<64xi32, #tpu.memory_space<vmem>>, vector<16xi32>,
        %swap3A_761 = vector.shape_cast %swap3A_760 : vector<16xi32> to vector<16xi32>
        %swap3A_762 = vector.shape_cast %shift_right_arithmetic3A_758 : vector<16xi32> to vector<16xi32>
        tpu.vector_store %arg12[%swap3A_759], %swap3A_762 {strides = array<i32>} : memref<64xi32, #tpu.memory_space<vmem>>, vector<16xi32>,
        %and3A_763 = arith.constant 127 : i32
        %and3A_764 = vector.broadcast %and3A_763 : i32 to vector<16xi32>
        %and3A_765 = arith.andi %get3A_755, %and3A_764 : vector<16xi32>
        %swap3A_766 = arith.constant 0 : index
        %swap3A_767 = tpu.vector_load %arg13[%swap3A_766] {strides = array<i32>} : memref<64xi32, #tpu.memory_space<vmem>>, vector<16xi32>,
        %swap3A_768 = vector.shape_cast %swap3A_767 : vector<16xi32> to vector<16xi32>
        %swap3A_769 = vector.shape_cast %and3A_765 : vector<16xi32> to vector<16xi32>
        tpu.vector_store %arg13[%swap3A_766], %swap3A_769 {strides = array<i32>} : memref<64xi32, #tpu.memory_space<vmem>>, vector<16xi32>,
        %get3A_770 = arith.constant 16 : index
        %get3A_771 = tpu.vector_load %arg11[%get3A_770] {strides = array<i32>} : memref<64xi32, #tpu.memory_space<vmem>>, vector<16xi32>,
        %get3A_772 = vector.shape_cast %get3A_771 : vector<16xi32> to vector<16xi32>
        %shift_right_arithmetic3A_773 = arith.constant 7 : i32
        %shift_right_arithmetic3A_774 = vector.broadcast %shift_right_arithmetic3A_773 : i32 to vector<16xi32>
        %shift_right_arithmetic3A_775 = arith.shrsi %get3A_772, %shift_right_arithmetic3A_774 : vector<16xi32>
        %swap3A_776 = arith.constant 16 : index
        %swap3A_777 = tpu.vector_load %arg12[%swap3A_776] {strides = array<i32>} : memref<64xi32, #tpu.memory_space<vmem>>, vector<16xi32>,
        %swap3A_778 = vector.shape_cast %swap3A_777 : vector<16xi32> to vector<16xi32>
        %swap3A_779 = vector.shape_cast %shift_right_arithmetic3A_775 : vector<16xi32> to vector<16xi32>
        tpu.vector_store %arg12[%swap3A_776], %swap3A_779 {strides = array<i32>} : memref<64xi32, #tpu.memory_space<vmem>>, vector<16xi32>,
        %and3A_780 = arith.constant 127 : i32
        %and3A_781 = vector.broadcast %and3A_780 : i32 to vector<16xi32>
        %and3A_782 = arith.andi %get3A_772, %and3A_781 : vector<16xi32>
        %swap3A_783 = arith.constant 16 : index
        %swap3A_784 = tpu.vector_load %arg13[%swap3A_783] {strides = array<i32>} : memref<64xi32, #tpu.memory_space<vmem>>, vector<16xi32>,
        %swap3A_785 = vector.shape_cast %swap3A_784 : vector<16xi32> to vector<16xi32>
        %swap3A_786 = vector.shape_cast %and3A_782 : vector<16xi32> to vector<16xi32>
        tpu.vector_store %arg13[%swap3A_783], %swap3A_786 {strides = array<i32>} : memref<64xi32, #tpu.memory_space<vmem>>, vector<16xi32>,
        %get3A_787 = arith.constant 32 : index
        %get3A_788 = tpu.vector_load %arg11[%get3A_787] {strides = array<i32>} : memref<64xi32, #tpu.memory_space<vmem>>, vector<16xi32>,
        %get3A_789 = vector.shape_cast %get3A_788 : vector<16xi32> to vector<16xi32>
        %shift_right_arithmetic3A_790 = arith.constant 7 : i32
        %shift_right_arithmetic3A_791 = vector.broadcast %shift_right_arithmetic3A_790 : i32 to vector<16xi32>
        %shift_right_arithmetic3A_792 = arith.shrsi %get3A_789, %shift_right_arithmetic3A_791 : vector<16xi32>
        %swap3A_793 = arith.constant 32 : index
        %swap3A_794 = tpu.vector_load %arg12[%swap3A_793] {strides = array<i32>} : memref<64xi32, #tpu.memory_space<vmem>>, vector<16xi32>,
        %swap3A_795 = vector.shape_cast %swap3A_794 : vector<16xi32> to vector<16xi32>
        %swap3A_796 = vector.shape_cast %shift_right_arithmetic3A_792 : vector<16xi32> to vector<16xi32>
        tpu.vector_store %arg12[%swap3A_793], %swap3A_796 {strides = array<i32>} : memref<64xi32, #tpu.memory_space<vmem>>, vector<16xi32>,
        %and3A_797 = arith.constant 127 : i32
        %and3A_798 = vector.broadcast %and3A_797 : i32 to vector<16xi32>
        %and3A_799 = arith.andi %get3A_789, %and3A_798 : vector<16xi32>
        %swap3A_800 = arith.constant 32 : index
        %swap3A_801 = tpu.vector_load %arg13[%swap3A_800] {strides = array<i32>} : memref<64xi32, #tpu.memory_space<vmem>>, vector<16xi32>,
        %swap3A_802 = vector.shape_cast %swap3A_801 : vector<16xi32> to vector<16xi32>
        %swap3A_803 = vector.shape_cast %and3A_799 : vector<16xi32> to vector<16xi32>
        tpu.vector_store %arg13[%swap3A_800], %swap3A_803 {strides = array<i32>} : memref<64xi32, #tpu.memory_space<vmem>>, vector<16xi32>,
        %get3A_804 = arith.constant 48 : index
        %get3A_805 = tpu.vector_load %arg11[%get3A_804] {strides = array<i32>} : memref<64xi32, #tpu.memory_space<vmem>>, vector<16xi32>,
        %get3A_806 = vector.shape_cast %get3A_805 : vector<16xi32> to vector<16xi32>
        %shift_right_arithmetic3A_807 = arith.constant 7 : i32
        %shift_right_arithmetic3A_808 = vector.broadcast %shift_right_arithmetic3A_807 : i32 to vector<16xi32>
        %shift_right_arithmetic3A_809 = arith.shrsi %get3A_806, %shift_right_arithmetic3A_808 : vector<16xi32>
        %swap3A_810 = arith.constant 48 : index
        %swap3A_811 = tpu.vector_load %arg12[%swap3A_810] {strides = array<i32>} : memref<64xi32, #tpu.memory_space<vmem>>, vector<16xi32>,
        %swap3A_812 = vector.shape_cast %swap3A_811 : vector<16xi32> to vector<16xi32>
        %swap3A_813 = vector.shape_cast %shift_right_arithmetic3A_809 : vector<16xi32> to vector<16xi32>
        tpu.vector_store %arg12[%swap3A_810], %swap3A_813 {strides = array<i32>} : memref<64xi32, #tpu.memory_space<vmem>>, vector<16xi32>,
        %and3A_814 = arith.constant 127 : i32
        %and3A_815 = vector.broadcast %and3A_814 : i32 to vector<16xi32>
        %and3A_816 = arith.andi %get3A_806, %and3A_815 : vector<16xi32>
        %swap3A_817 = arith.constant 48 : index
        %swap3A_818 = tpu.vector_load %arg13[%swap3A_817] {strides = array<i32>} : memref<64xi32, #tpu.memory_space<vmem>>, vector<16xi32>,
        %swap3A_819 = vector.shape_cast %swap3A_818 : vector<16xi32> to vector<16xi32>
        %swap3A_820 = vector.shape_cast %and3A_816 : vector<16xi32> to vector<16xi32>
        tpu.vector_store %arg13[%swap3A_817], %swap3A_820 {strides = array<i32>} : memref<64xi32, #tpu.memory_space<vmem>>, vector<16xi32>,
        %dma_start3A_821 = arith.constant 0 : i32
        %dma_start3A_822 = arith.constant 0 : i32
        %dma_start3A_823 = tpu.memref_slice %arg2[%dma_start3A_821, %dma_start3A_822] : memref<10000x128xf32, #tpu.memory_space<hbm>> -> memref<10000x128xf32, #tpu.memory_space<hbm>>
        tpu.enqueue_indirect_dma source(%dma_start3A_823 : memref<10000x128xf32, #tpu.memory_space<hbm>>) target(%arg14 : memref<64x128xf32, #tpu.memory_space<vmem>>) offsets(%arg10 : memref<64xi32, #tpu.memory_space<vmem>>) semaphore(%arg16 : memref<!tpu.dma_semaphore, #tpu.memory_space<semaphore_mem>>)
        %dma_start3A_824 = arith.constant 0 : i32
        %dma_start3A_825 = arith.constant 0 : i32
        %dma_start3A_826 = tpu.memref_slice %arg5[%dma_start3A_824, %dma_start3A_825] : memref<128x128xf32, #tpu.memory_space<hbm>> -> memref<128x128xf32, #tpu.memory_space<hbm>>
        tpu.enqueue_indirect_dma source(%dma_start3A_826 : memref<128x128xf32, #tpu.memory_space<hbm>>) target(%arg15 : memref<64x128xf32, #tpu.memory_space<vmem>>) offsets(%arg13 : memref<64xi32, #tpu.memory_space<vmem>>) semaphore(%arg16 : memref<!tpu.dma_semaphore, #tpu.memory_space<semaphore_mem>>)
        %dma_wait3A_827 = arith.constant 0 : i32
        %dma_wait3A_828 = arith.constant 0 : i32
        %dma_wait3A_829 = tpu.memref_slice %arg2[%dma_wait3A_827, %dma_wait3A_828] : memref<10000x128xf32, #tpu.memory_space<hbm>> -> memref<10000x128xf32, #tpu.memory_space<hbm>>
        tpu.wait_indirect_dma semaphore(%arg24 : memref<!tpu.dma_semaphore, #tpu.memory_space<semaphore_mem>>) src(%dma_wait3A_829 : memref<10000x128xf32, #tpu.memory_space<hbm>>) dst(%arg22 : memref<64x128xf32, #tpu.memory_space<vmem>>)
        %dma_wait3A_830 = arith.constant 0 : i32
        %dma_wait3A_831 = arith.constant 0 : i32
        %dma_wait3A_832 = tpu.memref_slice %arg5[%dma_wait3A_830, %dma_wait3A_831] : memref<128x128xf32, #tpu.memory_space<hbm>> -> memref<128x128xf32, #tpu.memory_space<hbm>>
        tpu.wait_indirect_dma semaphore(%arg24 : memref<!tpu.dma_semaphore, #tpu.memory_space<semaphore_mem>>) src(%dma_wait3A_832 : memref<128x128xf32, #tpu.memory_space<hbm>>) dst(%arg23 : memref<64x128xf32, #tpu.memory_space<vmem>>)
        %dma_start3A_833 = arith.constant 0 : i32
        %dma_start3A_834 = arith.constant 0 : i32
        %dma_start3A_835 = tpu.memref_slice %arg9[%dma_start3A_833, %dma_start3A_834] : memref<128x128xf32, #tpu.memory_space<vmem_shared>> -> memref<128x128xf32, #tpu.memory_space<vmem_shared>>
        tpu.enqueue_indirect_dma source(%arg23 : memref<64x128xf32, #tpu.memory_space<vmem>>) target(%dma_start3A_835 : memref<128x128xf32, #tpu.memory_space<vmem_shared>>) offsets(%arg20 : memref<64xi32, #tpu.memory_space<vmem>>) semaphore(%arg25 : memref<!tpu.dma_semaphore, #tpu.memory_space<semaphore_mem>>) {add = true}
        "tpu.region"() ({
          %run_scoped3A = tpu.sem_alloc : memref<!tpu.dma_semaphore, #tpu.memory_space<semaphore_mem>>
          %dma_start3A_839 = arith.constant 0 : i32
          %dma_start3A_840 = arith.constant 0 : i32
          %dma_start3A_841 = tpu.memref_slice %arg8[%dma_start3A_839, %dma_start3A_840] : memref<10240x128xf32, #tpu.memory_space<vmem_shared>> -> memref<10240x128xf32, #tpu.memory_space<vmem_shared>>
          tpu.enqueue_indirect_dma source(%arg22 : memref<64x128xf32, #tpu.memory_space<vmem>>) target(%dma_start3A_841 : memref<10240x128xf32, #tpu.memory_space<vmem_shared>>) offsets(%arg19 : memref<64xi32, #tpu.memory_space<vmem>>) semaphore(%run_scoped3A : memref<!tpu.dma_semaphore, #tpu.memory_space<semaphore_mem>>) {add = true}
          %dma_wait3A_842 = arith.constant 0 : i32
          %dma_wait3A_843 = arith.constant 0 : i32
          %dma_wait3A_844 = tpu.memref_slice %arg8[%dma_wait3A_842, %dma_wait3A_843] : memref<10240x128xf32, #tpu.memory_space<vmem_shared>> -> memref<10240x128xf32, #tpu.memory_space<vmem_shared>>
          tpu.wait_indirect_dma semaphore(%run_scoped3A : memref<!tpu.dma_semaphore, #tpu.memory_space<semaphore_mem>>) src(%arg22 : memref<64x128xf32, #tpu.memory_space<vmem>>) dst(%dma_wait3A_844 : memref<10240x128xf32, #tpu.memory_space<vmem_shared>>)
          tpu.yield
        }) : () -> ()
        %dma_wait3A_836 = arith.constant 0 : i32
        %dma_wait3A_837 = arith.constant 0 : i32
        %dma_wait3A_838 = tpu.memref_slice %arg9[%dma_wait3A_836, %dma_wait3A_837] : memref<128x128xf32, #tpu.memory_space<vmem_shared>> -> memref<128x128xf32, #tpu.memory_space<vmem_shared>>
        tpu.wait_indirect_dma semaphore(%arg25 : memref<!tpu.dma_semaphore, #tpu.memory_space<semaphore_mem>>) src(%arg23 : memref<64x128xf32, #tpu.memory_space<vmem>>) dst(%dma_wait3A_838 : memref<128x128xf32, #tpu.memory_space<vmem_shared>>)
      }
      %scan3A_527 = arith.constant 103 : i32
      %add3A_528 = arith.constant 13248 : i32
      %add3A_529 = arith.addi %mul3A_441, %add3A_528 : i32
      %dma_start3A_530 = tpu.memref_slice %arg3[%add3A_529] : memref<323584xi32, #tpu.memory_space<hbm>> -> memref<64xi32, #tpu.memory_space<hbm>>
      %dma_start3A_531 = tpu.memref_slice %arg3[%add3A_529] : memref<323584xi32, #tpu.memory_space<hbm>> -> memref<64xi32, #tpu.memory_space<hbm>>
      tpu.enqueue_dma source(%dma_start3A_531 : memref<64xi32, #tpu.memory_space<hbm>>) target(%arg18 : memref<64xi32, #tpu.memory_space<vmem>>) target_semaphore(%arg25 : memref<!tpu.dma_semaphore, #tpu.memory_space<semaphore_mem>>)
      %dma_start3A_532 = tpu.memref_slice %arg4[%add3A_529] : memref<323584xi32, #tpu.memory_space<hbm>> -> memref<64xi32, #tpu.memory_space<hbm>>
      %dma_start3A_533 = tpu.memref_slice %arg4[%add3A_529] : memref<323584xi32, #tpu.memory_space<hbm>> -> memref<64xi32, #tpu.memory_space<hbm>>
      tpu.enqueue_dma source(%dma_start3A_533 : memref<64xi32, #tpu.memory_space<hbm>>) target(%arg19 : memref<64xi32, #tpu.memory_space<vmem>>) target_semaphore(%arg25 : memref<!tpu.dma_semaphore, #tpu.memory_space<semaphore_mem>>)
      %dma_wait3A_534 = tpu.memref_slice %arg3[%add3A_529] : memref<323584xi32, #tpu.memory_space<hbm>> -> memref<64xi32, #tpu.memory_space<hbm>>
      %dma_wait3A_535 = tpu.memref_slice %arg3[%add3A_529] : memref<323584xi32, #tpu.memory_space<hbm>> -> memref<64xi32, #tpu.memory_space<hbm>>
      tpu.wait_dma2 semaphore(%arg25 : memref<!tpu.dma_semaphore, #tpu.memory_space<semaphore_mem>>) src(%dma_wait3A_535 : memref<64xi32, #tpu.memory_space<hbm>>) dst(%arg18 : memref<64xi32, #tpu.memory_space<vmem>>)
      %dma_wait3A_536 = tpu.memref_slice %arg4[%add3A_529] : memref<323584xi32, #tpu.memory_space<hbm>> -> memref<64xi32, #tpu.memory_space<hbm>>
      %dma_wait3A_537 = tpu.memref_slice %arg4[%add3A_529] : memref<323584xi32, #tpu.memory_space<hbm>> -> memref<64xi32, #tpu.memory_space<hbm>>
      tpu.wait_dma2 semaphore(%arg25 : memref<!tpu.dma_semaphore, #tpu.memory_space<semaphore_mem>>) src(%dma_wait3A_537 : memref<64xi32, #tpu.memory_space<hbm>>) dst(%arg19 : memref<64xi32, #tpu.memory_space<vmem>>)
      %get3A_538 = arith.constant 0 : index
      %get3A_539 = tpu.vector_load %arg19[%get3A_538] {strides = array<i32>} : memref<64xi32, #tpu.memory_space<vmem>>, vector<16xi32>,
      %get3A_540 = vector.shape_cast %get3A_539 : vector<16xi32> to vector<16xi32>
      %shift_right_arithmetic3A_541 = arith.constant 7 : i32
      %shift_right_arithmetic3A_542 = vector.broadcast %shift_right_arithmetic3A_541 : i32 to vector<16xi32>
      %shift_right_arithmetic3A_543 = arith.shrsi %get3A_540, %shift_right_arithmetic3A_542 : vector<16xi32>
      %swap3A_544 = arith.constant 0 : index
      %swap3A_545 = tpu.vector_load %arg20[%swap3A_544] {strides = array<i32>} : memref<64xi32, #tpu.memory_space<vmem>>, vector<16xi32>,
      %swap3A_546 = vector.shape_cast %swap3A_545 : vector<16xi32> to vector<16xi32>
      %swap3A_547 = vector.shape_cast %shift_right_arithmetic3A_543 : vector<16xi32> to vector<16xi32>
      tpu.vector_store %arg20[%swap3A_544], %swap3A_547 {strides = array<i32>} : memref<64xi32, #tpu.memory_space<vmem>>, vector<16xi32>,
      %and3A_548 = arith.constant 127 : i32
      %and3A_549 = vector.broadcast %and3A_548 : i32 to vector<16xi32>
      %and3A_550 = arith.andi %get3A_540, %and3A_549 : vector<16xi32>
      %swap3A_551 = arith.constant 0 : index
      %swap3A_552 = tpu.vector_load %arg21[%swap3A_551] {strides = array<i32>} : memref<64xi32, #tpu.memory_space<vmem>>, vector<16xi32>,
      %swap3A_553 = vector.shape_cast %swap3A_552 : vector<16xi32> to vector<16xi32>
      %swap3A_554 = vector.shape_cast %and3A_550 : vector<16xi32> to vector<16xi32>
      tpu.vector_store %arg21[%swap3A_551], %swap3A_554 {strides = array<i32>} : memref<64xi32, #tpu.memory_space<vmem>>, vector<16xi32>,
      %get3A_555 = arith.constant 16 : index
      %get3A_556 = tpu.vector_load %arg19[%get3A_555] {strides = array<i32>} : memref<64xi32, #tpu.memory_space<vmem>>, vector<16xi32>,
      %get3A_557 = vector.shape_cast %get3A_556 : vector<16xi32> to vector<16xi32>
      %shift_right_arithmetic3A_558 = arith.constant 7 : i32
      %shift_right_arithmetic3A_559 = vector.broadcast %shift_right_arithmetic3A_558 : i32 to vector<16xi32>
      %shift_right_arithmetic3A_560 = arith.shrsi %get3A_557, %shift_right_arithmetic3A_559 : vector<16xi32>
      %swap3A_561 = arith.constant 16 : index
      %swap3A_562 = tpu.vector_load %arg20[%swap3A_561] {strides = array<i32>} : memref<64xi32, #tpu.memory_space<vmem>>, vector<16xi32>,
      %swap3A_563 = vector.shape_cast %swap3A_562 : vector<16xi32> to vector<16xi32>
      %swap3A_564 = vector.shape_cast %shift_right_arithmetic3A_560 : vector<16xi32> to vector<16xi32>
      tpu.vector_store %arg20[%swap3A_561], %swap3A_564 {strides = array<i32>} : memref<64xi32, #tpu.memory_space<vmem>>, vector<16xi32>,
      %and3A_565 = arith.constant 127 : i32
      %and3A_566 = vector.broadcast %and3A_565 : i32 to vector<16xi32>
      %and3A_567 = arith.andi %get3A_557, %and3A_566 : vector<16xi32>
      %swap3A_568 = arith.constant 16 : index
      %swap3A_569 = tpu.vector_load %arg21[%swap3A_568] {strides = array<i32>} : memref<64xi32, #tpu.memory_space<vmem>>, vector<16xi32>,
      %swap3A_570 = vector.shape_cast %swap3A_569 : vector<16xi32> to vector<16xi32>
      %swap3A_571 = vector.shape_cast %and3A_567 : vector<16xi32> to vector<16xi32>
      tpu.vector_store %arg21[%swap3A_568], %swap3A_571 {strides = array<i32>} : memref<64xi32, #tpu.memory_space<vmem>>, vector<16xi32>,
      %get3A_572 = arith.constant 32 : index
      %get3A_573 = tpu.vector_load %arg19[%get3A_572] {strides = array<i32>} : memref<64xi32, #tpu.memory_space<vmem>>, vector<16xi32>,
      %get3A_574 = vector.shape_cast %get3A_573 : vector<16xi32> to vector<16xi32>
      %shift_right_arithmetic3A_575 = arith.constant 7 : i32
      %shift_right_arithmetic3A_576 = vector.broadcast %shift_right_arithmetic3A_575 : i32 to vector<16xi32>
      %shift_right_arithmetic3A_577 = arith.shrsi %get3A_574, %shift_right_arithmetic3A_576 : vector<16xi32>
      %swap3A_578 = arith.constant 32 : index
      %swap3A_579 = tpu.vector_load %arg20[%swap3A_578] {strides = array<i32>} : memref<64xi32, #tpu.memory_space<vmem>>, vector<16xi32>,
      %swap3A_580 = vector.shape_cast %swap3A_579 : vector<16xi32> to vector<16xi32>
      %swap3A_581 = vector.shape_cast %shift_right_arithmetic3A_577 : vector<16xi32> to vector<16xi32>
      tpu.vector_store %arg20[%swap3A_578], %swap3A_581 {strides = array<i32>} : memref<64xi32, #tpu.memory_space<vmem>>, vector<16xi32>,
      %and3A_582 = arith.constant 127 : i32
      %and3A_583 = vector.broadcast %and3A_582 : i32 to vector<16xi32>
      %and3A_584 = arith.andi %get3A_574, %and3A_583 : vector<16xi32>
      %swap3A_585 = arith.constant 32 : index
      %swap3A_586 = tpu.vector_load %arg21[%swap3A_585] {strides = array<i32>} : memref<64xi32, #tpu.memory_space<vmem>>, vector<16xi32>,
      %swap3A_587 = vector.shape_cast %swap3A_586 : vector<16xi32> to vector<16xi32>
      %swap3A_588 = vector.shape_cast %and3A_584 : vector<16xi32> to vector<16xi32>
      tpu.vector_store %arg21[%swap3A_585], %swap3A_588 {strides = array<i32>} : memref<64xi32, #tpu.memory_space<vmem>>, vector<16xi32>,
      %get3A_589 = arith.constant 48 : index
      %get3A_590 = tpu.vector_load %arg19[%get3A_589] {strides = array<i32>} : memref<64xi32, #tpu.memory_space<vmem>>, vector<16xi32>,
      %get3A_591 = vector.shape_cast %get3A_590 : vector<16xi32> to vector<16xi32>
      %shift_right_arithmetic3A_592 = arith.constant 7 : i32
      %shift_right_arithmetic3A_593 = vector.broadcast %shift_right_arithmetic3A_592 : i32 to vector<16xi32>
      %shift_right_arithmetic3A_594 = arith.shrsi %get3A_591, %shift_right_arithmetic3A_593 : vector<16xi32>
      %swap3A_595 = arith.constant 48 : index
      %swap3A_596 = tpu.vector_load %arg20[%swap3A_595] {strides = array<i32>} : memref<64xi32, #tpu.memory_space<vmem>>, vector<16xi32>,
      %swap3A_597 = vector.shape_cast %swap3A_596 : vector<16xi32> to vector<16xi32>
      %swap3A_598 = vector.shape_cast %shift_right_arithmetic3A_594 : vector<16xi32> to vector<16xi32>
      tpu.vector_store %arg20[%swap3A_595], %swap3A_598 {strides = array<i32>} : memref<64xi32, #tpu.memory_space<vmem>>, vector<16xi32>,
      %and3A_599 = arith.constant 127 : i32
      %and3A_600 = vector.broadcast %and3A_599 : i32 to vector<16xi32>
      %and3A_601 = arith.andi %get3A_591, %and3A_600 : vector<16xi32>
      %swap3A_602 = arith.constant 48 : index
      %swap3A_603 = tpu.vector_load %arg21[%swap3A_602] {strides = array<i32>} : memref<64xi32, #tpu.memory_space<vmem>>, vector<16xi32>,
      %swap3A_604 = vector.shape_cast %swap3A_603 : vector<16xi32> to vector<16xi32>
      %swap3A_605 = vector.shape_cast %and3A_601 : vector<16xi32> to vector<16xi32>
      tpu.vector_store %arg21[%swap3A_602], %swap3A_605 {strides = array<i32>} : memref<64xi32, #tpu.memory_space<vmem>>, vector<16xi32>,
      %dma_start3A_606 = arith.constant 0 : i32
      %dma_start3A_607 = arith.constant 0 : i32
      %dma_start3A_608 = tpu.memref_slice %arg2[%dma_start3A_606, %dma_start3A_607] : memref<10000x128xf32, #tpu.memory_space<hbm>> -> memref<10000x128xf32, #tpu.memory_space<hbm>>
      tpu.enqueue_indirect_dma source(%dma_start3A_608 : memref<10000x128xf32, #tpu.memory_space<hbm>>) target(%arg22 : memref<64x128xf32, #tpu.memory_space<vmem>>) offsets(%arg18 : memref<64xi32, #tpu.memory_space<vmem>>) semaphore(%arg24 : memref<!tpu.dma_semaphore, #tpu.memory_space<semaphore_mem>>)
      %dma_start3A_609 = arith.constant 0 : i32
      %dma_start3A_610 = arith.constant 0 : i32
      %dma_start3A_611 = tpu.memref_slice %arg5[%dma_start3A_609, %dma_start3A_610] : memref<128x128xf32, #tpu.memory_space<hbm>> -> memref<128x128xf32, #tpu.memory_space<hbm>>
      tpu.enqueue_indirect_dma source(%dma_start3A_611 : memref<128x128xf32, #tpu.memory_space<hbm>>) target(%arg23 : memref<64x128xf32, #tpu.memory_space<vmem>>) offsets(%arg21 : memref<64xi32, #tpu.memory_space<vmem>>) semaphore(%arg24 : memref<!tpu.dma_semaphore, #tpu.memory_space<semaphore_mem>>)
      %dma_wait3A_612 = arith.constant 0 : i32
      %dma_wait3A_613 = arith.constant 0 : i32
      %dma_wait3A_614 = tpu.memref_slice %arg2[%dma_wait3A_612, %dma_wait3A_613] : memref<10000x128xf32, #tpu.memory_space<hbm>> -> memref<10000x128xf32, #tpu.memory_space<hbm>>
      tpu.wait_indirect_dma semaphore(%arg16 : memref<!tpu.dma_semaphore, #tpu.memory_space<semaphore_mem>>) src(%dma_wait3A_614 : memref<10000x128xf32, #tpu.memory_space<hbm>>) dst(%arg14 : memref<64x128xf32, #tpu.memory_space<vmem>>)
      %dma_wait3A_615 = arith.constant 0 : i32
      %dma_wait3A_616 = arith.constant 0 : i32
      %dma_wait3A_617 = tpu.memref_slice %arg5[%dma_wait3A_615, %dma_wait3A_616] : memref<128x128xf32, #tpu.memory_space<hbm>> -> memref<128x128xf32, #tpu.memory_space<hbm>>
      tpu.wait_indirect_dma semaphore(%arg16 : memref<!tpu.dma_semaphore, #tpu.memory_space<semaphore_mem>>) src(%dma_wait3A_617 : memref<128x128xf32, #tpu.memory_space<hbm>>) dst(%arg15 : memref<64x128xf32, #tpu.memory_space<vmem>>)
      %dma_start3A_618 = arith.constant 0 : i32
      %dma_start3A_619 = arith.constant 0 : i32
      %dma_start3A_620 = tpu.memref_slice %arg9[%dma_start3A_618, %dma_start3A_619] : memref<128x128xf32, #tpu.memory_space<vmem_shared>> -> memref<128x128xf32, #tpu.memory_space<vmem_shared>>
      tpu.enqueue_indirect_dma source(%arg15 : memref<64x128xf32, #tpu.memory_space<vmem>>) target(%dma_start3A_620 : memref<128x128xf32, #tpu.memory_space<vmem_shared>>) offsets(%arg12 : memref<64xi32, #tpu.memory_space<vmem>>) semaphore(%arg17 : memref<!tpu.dma_semaphore, #tpu.memory_space<semaphore_mem>>) {add = true}
      "tpu.region"() ({
        %run_scoped3A = tpu.sem_alloc : memref<!tpu.dma_semaphore, #tpu.memory_space<semaphore_mem>>
        %dma_start3A_636 = arith.constant 0 : i32
        %dma_start3A_637 = arith.constant 0 : i32
        %dma_start3A_638 = tpu.memref_slice %arg8[%dma_start3A_636, %dma_start3A_637] : memref<10240x128xf32, #tpu.memory_space<vmem_shared>> -> memref<10240x128xf32, #tpu.memory_space<vmem_shared>>
        tpu.enqueue_indirect_dma source(%arg14 : memref<64x128xf32, #tpu.memory_space<vmem>>) target(%dma_start3A_638 : memref<10240x128xf32, #tpu.memory_space<vmem_shared>>) offsets(%arg11 : memref<64xi32, #tpu.memory_space<vmem>>) semaphore(%run_scoped3A : memref<!tpu.dma_semaphore, #tpu.memory_space<semaphore_mem>>) {add = true}
        %dma_wait3A_639 = arith.constant 0 : i32
        %dma_wait3A_640 = arith.constant 0 : i32
        %dma_wait3A_641 = tpu.memref_slice %arg8[%dma_wait3A_639, %dma_wait3A_640] : memref<10240x128xf32, #tpu.memory_space<vmem_shared>> -> memref<10240x128xf32, #tpu.memory_space<vmem_shared>>
        tpu.wait_indirect_dma semaphore(%run_scoped3A : memref<!tpu.dma_semaphore, #tpu.memory_space<semaphore_mem>>) src(%arg14 : memref<64x128xf32, #tpu.memory_space<vmem>>) dst(%dma_wait3A_641 : memref<10240x128xf32, #tpu.memory_space<vmem_shared>>)
        tpu.yield
      }) : () -> ()
      %dma_wait3A_621 = arith.constant 0 : i32
      %dma_wait3A_622 = arith.constant 0 : i32
      %dma_wait3A_623 = tpu.memref_slice %arg9[%dma_wait3A_621, %dma_wait3A_622] : memref<128x128xf32, #tpu.memory_space<vmem_shared>> -> memref<128x128xf32, #tpu.memory_space<vmem_shared>>
      tpu.wait_indirect_dma semaphore(%arg17 : memref<!tpu.dma_semaphore, #tpu.memory_space<semaphore_mem>>) src(%arg15 : memref<64x128xf32, #tpu.memory_space<vmem>>) dst(%dma_wait3A_623 : memref<128x128xf32, #tpu.memory_space<vmem_shared>>)
      %dma_wait3A_624 = arith.constant 0 : i32
      %dma_wait3A_625 = arith.constant 0 : i32
      %dma_wait3A_626 = tpu.memref_slice %arg2[%dma_wait3A_624, %dma_wait3A_625] : memref<10000x128xf32, #tpu.memory_space<hbm>> -> memref<10000x128xf32, #tpu.memory_space<hbm>>
      tpu.wait_indirect_dma semaphore(%arg24 : memref<!tpu.dma_semaphore, #tpu.memory_space<semaphore_mem>>) src(%dma_wait3A_626 : memref<10000x128xf32, #tpu.memory_space<hbm>>) dst(%arg22 : memref<64x128xf32, #tpu.memory_space<vmem>>)
      %dma_wait3A_627 = arith.constant 0 : i32
      %dma_wait3A_628 = arith.constant 0 : i32
      %dma_wait3A_629 = tpu.memref_slice %arg5[%dma_wait3A_627, %dma_wait3A_628] : memref<128x128xf32, #tpu.memory_space<hbm>> -> memref<128x128xf32, #tpu.memory_space<hbm>>
      tpu.wait_indirect_dma semaphore(%arg24 : memref<!tpu.dma_semaphore, #tpu.memory_space<semaphore_mem>>) src(%dma_wait3A_629 : memref<128x128xf32, #tpu.memory_space<hbm>>) dst(%arg23 : memref<64x128xf32, #tpu.memory_space<vmem>>)
      %dma_start3A_630 = arith.constant 0 : i32
      %dma_start3A_631 = arith.constant 0 : i32
      %dma_start3A_632 = tpu.memref_slice %arg9[%dma_start3A_630, %dma_start3A_631] : memref<128x128xf32, #tpu.memory_space<vmem_shared>> -> memref<128x128xf32, #tpu.memory_space<vmem_shared>>
      tpu.enqueue_indirect_dma source(%arg23 : memref<64x128xf32, #tpu.memory_space<vmem>>) target(%dma_start3A_632 : memref<128x128xf32, #tpu.memory_space<vmem_shared>>) offsets(%arg20 : memref<64xi32, #tpu.memory_space<vmem>>) semaphore(%arg25 : memref<!tpu.dma_semaphore, #tpu.memory_space<semaphore_mem>>) {add = true}
      "tpu.region"() ({
        %run_scoped3A = tpu.sem_alloc : memref<!tpu.dma_semaphore, #tpu.memory_space<semaphore_mem>>
        %dma_start3A_636 = arith.constant 0 : i32
        %dma_start3A_637 = arith.constant 0 : i32
        %dma_start3A_638 = tpu.memref_slice %arg8[%dma_start3A_636, %dma_start3A_637] : memref<10240x128xf32, #tpu.memory_space<vmem_shared>> -> memref<10240x128xf32, #tpu.memory_space<vmem_shared>>
        tpu.enqueue_indirect_dma source(%arg22 : memref<64x128xf32, #tpu.memory_space<vmem>>) target(%dma_start3A_638 : memref<10240x128xf32, #tpu.memory_space<vmem_shared>>) offsets(%arg19 : memref<64xi32, #tpu.memory_space<vmem>>) semaphore(%run_scoped3A : memref<!tpu.dma_semaphore, #tpu.memory_space<semaphore_mem>>) {add = true}
        %dma_wait3A_639 = arith.constant 0 : i32
        %dma_wait3A_640 = arith.constant 0 : i32
        %dma_wait3A_641 = tpu.memref_slice %arg8[%dma_wait3A_639, %dma_wait3A_640] : memref<10240x128xf32, #tpu.memory_space<vmem_shared>> -> memref<10240x128xf32, #tpu.memory_space<vmem_shared>>
        tpu.wait_indirect_dma semaphore(%run_scoped3A : memref<!tpu.dma_semaphore, #tpu.memory_space<semaphore_mem>>) src(%arg22 : memref<64x128xf32, #tpu.memory_space<vmem>>) dst(%dma_wait3A_641 : memref<10240x128xf32, #tpu.memory_space<vmem_shared>>)
        tpu.yield
      }) : () -> ()
      %dma_wait3A_633 = arith.constant 0 : i32
      %dma_wait3A_634 = arith.constant 0 : i32
      %dma_wait3A_635 = tpu.memref_slice %arg9[%dma_wait3A_633, %dma_wait3A_634] : memref<128x128xf32, #tpu.memory_space<vmem_shared>> -> memref<128x128xf32, #tpu.memory_space<vmem_shared>>
      tpu.wait_indirect_dma semaphore(%arg25 : memref<!tpu.dma_semaphore, #tpu.memory_space<semaphore_mem>>) src(%arg23 : memref<64x128xf32, #tpu.memory_space<vmem>>) dst(%dma_wait3A_635 : memref<128x128xf32, #tpu.memory_space<vmem_shared>>)
    } else {
    }
    %eq3A_150 = arith.constant 1 : i32
    %eq3A_151 = arith.cmpi eq, %arg0, %eq3A_150 : i32
    %convert_element_type3A_152 = arith.extui %eq3A_151 : i1 to i32
    %cond3A_153 = arith.constant 0 : i32
    %cond3A_154 = arith.cmpi ne, %convert_element_type3A_152, %cond3A_153 : i32
    scf.if %cond3A_154 {
      %mul3A_438 = arith.constant 316 : i32
      %mul3A_439 = arith.muli %arg1, %mul3A_438 : i32
      %add3A_440 = arith.constant 208 : i32
      %add3A_441 = arith.addi %mul3A_439, %add3A_440 : i32
      %mul3A_442 = arith.constant 64 : i32
      %mul3A_443 = arith.muli %add3A_441, %mul3A_442 : i32
      %add3A_444 = arith.constant 0 : i32
      %add3A_445 = arith.addi %mul3A_443, %add3A_444 : i32
      %dma_start3A_446 = tpu.memref_slice %arg3[%add3A_445] : memref<323584xi32, #tpu.memory_space<hbm>> -> memref<64xi32, #tpu.memory_space<hbm>>
      %dma_start3A_447 = tpu.memref_slice %arg3[%add3A_445] : memref<323584xi32, #tpu.memory_space<hbm>> -> memref<64xi32, #tpu.memory_space<hbm>>
      tpu.enqueue_dma source(%dma_start3A_447 : memref<64xi32, #tpu.memory_space<hbm>>) target(%arg10 : memref<64xi32, #tpu.memory_space<vmem>>) target_semaphore(%arg17 : memref<!tpu.dma_semaphore, #tpu.memory_space<semaphore_mem>>)
      %dma_start3A_448 = tpu.memref_slice %arg4[%add3A_445] : memref<323584xi32, #tpu.memory_space<hbm>> -> memref<64xi32, #tpu.memory_space<hbm>>
      %dma_start3A_449 = tpu.memref_slice %arg4[%add3A_445] : memref<323584xi32, #tpu.memory_space<hbm>> -> memref<64xi32, #tpu.memory_space<hbm>>
      tpu.enqueue_dma source(%dma_start3A_449 : memref<64xi32, #tpu.memory_space<hbm>>) target(%arg11 : memref<64xi32, #tpu.memory_space<vmem>>) target_semaphore(%arg17 : memref<!tpu.dma_semaphore, #tpu.memory_space<semaphore_mem>>)
      %dma_wait3A_450 = tpu.memref_slice %arg3[%add3A_445] : memref<323584xi32, #tpu.memory_space<hbm>> -> memref<64xi32, #tpu.memory_space<hbm>>
      %dma_wait3A_451 = tpu.memref_slice %arg3[%add3A_445] : memref<323584xi32, #tpu.memory_space<hbm>> -> memref<64xi32, #tpu.memory_space<hbm>>
      tpu.wait_dma2 semaphore(%arg17 : memref<!tpu.dma_semaphore, #tpu.memory_space<semaphore_mem>>) src(%dma_wait3A_451 : memref<64xi32, #tpu.memory_space<hbm>>) dst(%arg10 : memref<64xi32, #tpu.memory_space<vmem>>)
      %dma_wait3A_452 = tpu.memref_slice %arg4[%add3A_445] : memref<323584xi32, #tpu.memory_space<hbm>> -> memref<64xi32, #tpu.memory_space<hbm>>
      %dma_wait3A_453 = tpu.memref_slice %arg4[%add3A_445] : memref<323584xi32, #tpu.memory_space<hbm>> -> memref<64xi32, #tpu.memory_space<hbm>>
      tpu.wait_dma2 semaphore(%arg17 : memref<!tpu.dma_semaphore, #tpu.memory_space<semaphore_mem>>) src(%dma_wait3A_453 : memref<64xi32, #tpu.memory_space<hbm>>) dst(%arg11 : memref<64xi32, #tpu.memory_space<vmem>>)
      %get3A = arith.constant 0 : index
      %get3A_454 = tpu.vector_load %arg11[%get3A] {strides = array<i32>} : memref<64xi32, #tpu.memory_space<vmem>>, vector<16xi32>,
      %get3A_455 = vector.shape_cast %get3A_454 : vector<16xi32> to vector<16xi32>
      %shift_right_arithmetic3A = arith.constant 7 : i32
      %shift_right_arithmetic3A_456 = vector.broadcast %shift_right_arithmetic3A : i32 to vector<16xi32>
      %shift_right_arithmetic3A_457 = arith.shrsi %get3A_455, %shift_right_arithmetic3A_456 : vector<16xi32>
      %swap3A = arith.constant 0 : index
      %swap3A_458 = tpu.vector_load %arg12[%swap3A] {strides = array<i32>} : memref<64xi32, #tpu.memory_space<vmem>>, vector<16xi32>,
      %swap3A_459 = vector.shape_cast %swap3A_458 : vector<16xi32> to vector<16xi32>
      %swap3A_460 = vector.shape_cast %shift_right_arithmetic3A_457 : vector<16xi32> to vector<16xi32>
      tpu.vector_store %arg12[%swap3A], %swap3A_460 {strides = array<i32>} : memref<64xi32, #tpu.memory_space<vmem>>, vector<16xi32>,
      %and3A = arith.constant 127 : i32
      %and3A_461 = vector.broadcast %and3A : i32 to vector<16xi32>
      %and3A_462 = arith.andi %get3A_455, %and3A_461 : vector<16xi32>
      %swap3A_463 = arith.constant 0 : index
      %swap3A_464 = tpu.vector_load %arg13[%swap3A_463] {strides = array<i32>} : memref<64xi32, #tpu.memory_space<vmem>>, vector<16xi32>,
      %swap3A_465 = vector.shape_cast %swap3A_464 : vector<16xi32> to vector<16xi32>
      %swap3A_466 = vector.shape_cast %and3A_462 : vector<16xi32> to vector<16xi32>
      tpu.vector_store %arg13[%swap3A_463], %swap3A_466 {strides = array<i32>} : memref<64xi32, #tpu.memory_space<vmem>>, vector<16xi32>,
      %get3A_467 = arith.constant 16 : index
      %get3A_468 = tpu.vector_load %arg11[%get3A_467] {strides = array<i32>} : memref<64xi32, #tpu.memory_space<vmem>>, vector<16xi32>,
      %get3A_469 = vector.shape_cast %get3A_468 : vector<16xi32> to vector<16xi32>
      %shift_right_arithmetic3A_470 = arith.constant 7 : i32
      %shift_right_arithmetic3A_471 = vector.broadcast %shift_right_arithmetic3A_470 : i32 to vector<16xi32>
      %shift_right_arithmetic3A_472 = arith.shrsi %get3A_469, %shift_right_arithmetic3A_471 : vector<16xi32>
      %swap3A_473 = arith.constant 16 : index
      %swap3A_474 = tpu.vector_load %arg12[%swap3A_473] {strides = array<i32>} : memref<64xi32, #tpu.memory_space<vmem>>, vector<16xi32>,
      %swap3A_475 = vector.shape_cast %swap3A_474 : vector<16xi32> to vector<16xi32>
      %swap3A_476 = vector.shape_cast %shift_right_arithmetic3A_472 : vector<16xi32> to vector<16xi32>
      tpu.vector_store %arg12[%swap3A_473], %swap3A_476 {strides = array<i32>} : memref<64xi32, #tpu.memory_space<vmem>>, vector<16xi32>,
      %and3A_477 = arith.constant 127 : i32
      %and3A_478 = vector.broadcast %and3A_477 : i32 to vector<16xi32>
      %and3A_479 = arith.andi %get3A_469, %and3A_478 : vector<16xi32>
      %swap3A_480 = arith.constant 16 : index
      %swap3A_481 = tpu.vector_load %arg13[%swap3A_480] {strides = array<i32>} : memref<64xi32, #tpu.memory_space<vmem>>, vector<16xi32>,
      %swap3A_482 = vector.shape_cast %swap3A_481 : vector<16xi32> to vector<16xi32>
      %swap3A_483 = vector.shape_cast %and3A_479 : vector<16xi32> to vector<16xi32>
      tpu.vector_store %arg13[%swap3A_480], %swap3A_483 {strides = array<i32>} : memref<64xi32, #tpu.memory_space<vmem>>, vector<16xi32>,
      %get3A_484 = arith.constant 32 : index
      %get3A_485 = tpu.vector_load %arg11[%get3A_484] {strides = array<i32>} : memref<64xi32, #tpu.memory_space<vmem>>, vector<16xi32>,
      %get3A_486 = vector.shape_cast %get3A_485 : vector<16xi32> to vector<16xi32>
      %shift_right_arithmetic3A_487 = arith.constant 7 : i32
      %shift_right_arithmetic3A_488 = vector.broadcast %shift_right_arithmetic3A_487 : i32 to vector<16xi32>
      %shift_right_arithmetic3A_489 = arith.shrsi %get3A_486, %shift_right_arithmetic3A_488 : vector<16xi32>
      %swap3A_490 = arith.constant 32 : index
      %swap3A_491 = tpu.vector_load %arg12[%swap3A_490] {strides = array<i32>} : memref<64xi32, #tpu.memory_space<vmem>>, vector<16xi32>,
      %swap3A_492 = vector.shape_cast %swap3A_491 : vector<16xi32> to vector<16xi32>
      %swap3A_493 = vector.shape_cast %shift_right_arithmetic3A_489 : vector<16xi32> to vector<16xi32>
      tpu.vector_store %arg12[%swap3A_490], %swap3A_493 {strides = array<i32>} : memref<64xi32, #tpu.memory_space<vmem>>, vector<16xi32>,
      %and3A_494 = arith.constant 127 : i32
      %and3A_495 = vector.broadcast %and3A_494 : i32 to vector<16xi32>
      %and3A_496 = arith.andi %get3A_486, %and3A_495 : vector<16xi32>
      %swap3A_497 = arith.constant 32 : index
      %swap3A_498 = tpu.vector_load %arg13[%swap3A_497] {strides = array<i32>} : memref<64xi32, #tpu.memory_space<vmem>>, vector<16xi32>,
      %swap3A_499 = vector.shape_cast %swap3A_498 : vector<16xi32> to vector<16xi32>
      %swap3A_500 = vector.shape_cast %and3A_496 : vector<16xi32> to vector<16xi32>
      tpu.vector_store %arg13[%swap3A_497], %swap3A_500 {strides = array<i32>} : memref<64xi32, #tpu.memory_space<vmem>>, vector<16xi32>,
      %get3A_501 = arith.constant 48 : index
      %get3A_502 = tpu.vector_load %arg11[%get3A_501] {strides = array<i32>} : memref<64xi32, #tpu.memory_space<vmem>>, vector<16xi32>,
      %get3A_503 = vector.shape_cast %get3A_502 : vector<16xi32> to vector<16xi32>
      %shift_right_arithmetic3A_504 = arith.constant 7 : i32
      %shift_right_arithmetic3A_505 = vector.broadcast %shift_right_arithmetic3A_504 : i32 to vector<16xi32>
      %shift_right_arithmetic3A_506 = arith.shrsi %get3A_503, %shift_right_arithmetic3A_505 : vector<16xi32>
      %swap3A_507 = arith.constant 48 : index
      %swap3A_508 = tpu.vector_load %arg12[%swap3A_507] {strides = array<i32>} : memref<64xi32, #tpu.memory_space<vmem>>, vector<16xi32>,
      %swap3A_509 = vector.shape_cast %swap3A_508 : vector<16xi32> to vector<16xi32>
      %swap3A_510 = vector.shape_cast %shift_right_arithmetic3A_506 : vector<16xi32> to vector<16xi32>
      tpu.vector_store %arg12[%swap3A_507], %swap3A_510 {strides = array<i32>} : memref<64xi32, #tpu.memory_space<vmem>>, vector<16xi32>,
      %and3A_511 = arith.constant 127 : i32
      %and3A_512 = vector.broadcast %and3A_511 : i32 to vector<16xi32>
      %and3A_513 = arith.andi %get3A_503, %and3A_512 : vector<16xi32>
      %swap3A_514 = arith.constant 48 : index
      %swap3A_515 = tpu.vector_load %arg13[%swap3A_514] {strides = array<i32>} : memref<64xi32, #tpu.memory_space<vmem>>, vector<16xi32>,
      %swap3A_516 = vector.shape_cast %swap3A_515 : vector<16xi32> to vector<16xi32>
      %swap3A_517 = vector.shape_cast %and3A_513 : vector<16xi32> to vector<16xi32>
      tpu.vector_store %arg13[%swap3A_514], %swap3A_517 {strides = array<i32>} : memref<64xi32, #tpu.memory_space<vmem>>, vector<16xi32>,
      %dma_start3A_518 = arith.constant 0 : i32
      %dma_start3A_519 = arith.constant 0 : i32
      %dma_start3A_520 = tpu.memref_slice %arg2[%dma_start3A_518, %dma_start3A_519] : memref<10000x128xf32, #tpu.memory_space<hbm>> -> memref<10000x128xf32, #tpu.memory_space<hbm>>
      tpu.enqueue_indirect_dma source(%dma_start3A_520 : memref<10000x128xf32, #tpu.memory_space<hbm>>) target(%arg14 : memref<64x128xf32, #tpu.memory_space<vmem>>) offsets(%arg10 : memref<64xi32, #tpu.memory_space<vmem>>) semaphore(%arg16 : memref<!tpu.dma_semaphore, #tpu.memory_space<semaphore_mem>>)
      %dma_start3A_521 = arith.constant 0 : i32
      %dma_start3A_522 = arith.constant 0 : i32
      %dma_start3A_523 = tpu.memref_slice %arg5[%dma_start3A_521, %dma_start3A_522] : memref<128x128xf32, #tpu.memory_space<hbm>> -> memref<128x128xf32, #tpu.memory_space<hbm>>
      tpu.enqueue_indirect_dma source(%dma_start3A_523 : memref<128x128xf32, #tpu.memory_space<hbm>>) target(%arg15 : memref<64x128xf32, #tpu.memory_space<vmem>>) offsets(%arg13 : memref<64xi32, #tpu.memory_space<vmem>>) semaphore(%arg16 : memref<!tpu.dma_semaphore, #tpu.memory_space<semaphore_mem>>)
      %scan3A_524 = arith.constant 0 : i32
      %scan3A_525 = arith.constant 0 : i32
      %scan3A_526 = arith.constant 53 : i32
      %scan3A_527 = arith.addi %scan3A_525, %scan3A_526 : i32
      %scan3A_528 = arith.constant 1 : i32
      scf.for %scan3A_638 = %scan3A_525 to %scan3A_527 step %scan3A_528  : i32 {
        %mul3A_639 = arith.constant 2 : i32
        %mul3A_640 = arith.muli %mul3A_639, %scan3A_638 : i32
        %add3A_641 = arith.constant 1 : i32
        %add3A_642 = arith.addi %mul3A_640, %add3A_641 : i32
        %mul3A_643 = arith.constant 64 : i32
        %mul3A_644 = arith.muli %add3A_642, %mul3A_643 : i32
        %add3A_645 = arith.addi %mul3A_443, %mul3A_644 : i32
        %dma_start3A_646 = tpu.memref_slice %arg3[%add3A_645] : memref<323584xi32, #tpu.memory_space<hbm>> -> memref<64xi32, #tpu.memory_space<hbm>>
        %dma_start3A_647 = tpu.memref_slice %arg3[%add3A_645] : memref<323584xi32, #tpu.memory_space<hbm>> -> memref<64xi32, #tpu.memory_space<hbm>>
        tpu.enqueue_dma source(%dma_start3A_647 : memref<64xi32, #tpu.memory_space<hbm>>) target(%arg18 : memref<64xi32, #tpu.memory_space<vmem>>) target_semaphore(%arg25 : memref<!tpu.dma_semaphore, #tpu.memory_space<semaphore_mem>>)
        %dma_start3A_648 = tpu.memref_slice %arg4[%add3A_645] : memref<323584xi32, #tpu.memory_space<hbm>> -> memref<64xi32, #tpu.memory_space<hbm>>
        %dma_start3A_649 = tpu.memref_slice %arg4[%add3A_645] : memref<323584xi32, #tpu.memory_space<hbm>> -> memref<64xi32, #tpu.memory_space<hbm>>
        tpu.enqueue_dma source(%dma_start3A_649 : memref<64xi32, #tpu.memory_space<hbm>>) target(%arg19 : memref<64xi32, #tpu.memory_space<vmem>>) target_semaphore(%arg25 : memref<!tpu.dma_semaphore, #tpu.memory_space<semaphore_mem>>)
        %dma_wait3A_650 = tpu.memref_slice %arg3[%add3A_645] : memref<323584xi32, #tpu.memory_space<hbm>> -> memref<64xi32, #tpu.memory_space<hbm>>
        %dma_wait3A_651 = tpu.memref_slice %arg3[%add3A_645] : memref<323584xi32, #tpu.memory_space<hbm>> -> memref<64xi32, #tpu.memory_space<hbm>>
        tpu.wait_dma2 semaphore(%arg25 : memref<!tpu.dma_semaphore, #tpu.memory_space<semaphore_mem>>) src(%dma_wait3A_651 : memref<64xi32, #tpu.memory_space<hbm>>) dst(%arg18 : memref<64xi32, #tpu.memory_space<vmem>>)
        %dma_wait3A_652 = tpu.memref_slice %arg4[%add3A_645] : memref<323584xi32, #tpu.memory_space<hbm>> -> memref<64xi32, #tpu.memory_space<hbm>>
        %dma_wait3A_653 = tpu.memref_slice %arg4[%add3A_645] : memref<323584xi32, #tpu.memory_space<hbm>> -> memref<64xi32, #tpu.memory_space<hbm>>
        tpu.wait_dma2 semaphore(%arg25 : memref<!tpu.dma_semaphore, #tpu.memory_space<semaphore_mem>>) src(%dma_wait3A_653 : memref<64xi32, #tpu.memory_space<hbm>>) dst(%arg19 : memref<64xi32, #tpu.memory_space<vmem>>)
        %get3A_654 = arith.constant 0 : index
        %get3A_655 = tpu.vector_load %arg19[%get3A_654] {strides = array<i32>} : memref<64xi32, #tpu.memory_space<vmem>>, vector<16xi32>,
        %get3A_656 = vector.shape_cast %get3A_655 : vector<16xi32> to vector<16xi32>
        %shift_right_arithmetic3A_657 = arith.constant 7 : i32
        %shift_right_arithmetic3A_658 = vector.broadcast %shift_right_arithmetic3A_657 : i32 to vector<16xi32>
        %shift_right_arithmetic3A_659 = arith.shrsi %get3A_656, %shift_right_arithmetic3A_658 : vector<16xi32>
        %swap3A_660 = arith.constant 0 : index
        %swap3A_661 = tpu.vector_load %arg20[%swap3A_660] {strides = array<i32>} : memref<64xi32, #tpu.memory_space<vmem>>, vector<16xi32>,
        %swap3A_662 = vector.shape_cast %swap3A_661 : vector<16xi32> to vector<16xi32>
        %swap3A_663 = vector.shape_cast %shift_right_arithmetic3A_659 : vector<16xi32> to vector<16xi32>
        tpu.vector_store %arg20[%swap3A_660], %swap3A_663 {strides = array<i32>} : memref<64xi32, #tpu.memory_space<vmem>>, vector<16xi32>,
        %and3A_664 = arith.constant 127 : i32
        %and3A_665 = vector.broadcast %and3A_664 : i32 to vector<16xi32>
        %and3A_666 = arith.andi %get3A_656, %and3A_665 : vector<16xi32>
        %swap3A_667 = arith.constant 0 : index
        %swap3A_668 = tpu.vector_load %arg21[%swap3A_667] {strides = array<i32>} : memref<64xi32, #tpu.memory_space<vmem>>, vector<16xi32>,
        %swap3A_669 = vector.shape_cast %swap3A_668 : vector<16xi32> to vector<16xi32>
        %swap3A_670 = vector.shape_cast %and3A_666 : vector<16xi32> to vector<16xi32>
        tpu.vector_store %arg21[%swap3A_667], %swap3A_670 {strides = array<i32>} : memref<64xi32, #tpu.memory_space<vmem>>, vector<16xi32>,
        %get3A_671 = arith.constant 16 : index
        %get3A_672 = tpu.vector_load %arg19[%get3A_671] {strides = array<i32>} : memref<64xi32, #tpu.memory_space<vmem>>, vector<16xi32>,
        %get3A_673 = vector.shape_cast %get3A_672 : vector<16xi32> to vector<16xi32>
        %shift_right_arithmetic3A_674 = arith.constant 7 : i32
        %shift_right_arithmetic3A_675 = vector.broadcast %shift_right_arithmetic3A_674 : i32 to vector<16xi32>
        %shift_right_arithmetic3A_676 = arith.shrsi %get3A_673, %shift_right_arithmetic3A_675 : vector<16xi32>
        %swap3A_677 = arith.constant 16 : index
        %swap3A_678 = tpu.vector_load %arg20[%swap3A_677] {strides = array<i32>} : memref<64xi32, #tpu.memory_space<vmem>>, vector<16xi32>,
        %swap3A_679 = vector.shape_cast %swap3A_678 : vector<16xi32> to vector<16xi32>
        %swap3A_680 = vector.shape_cast %shift_right_arithmetic3A_676 : vector<16xi32> to vector<16xi32>
        tpu.vector_store %arg20[%swap3A_677], %swap3A_680 {strides = array<i32>} : memref<64xi32, #tpu.memory_space<vmem>>, vector<16xi32>,
        %and3A_681 = arith.constant 127 : i32
        %and3A_682 = vector.broadcast %and3A_681 : i32 to vector<16xi32>
        %and3A_683 = arith.andi %get3A_673, %and3A_682 : vector<16xi32>
        %swap3A_684 = arith.constant 16 : index
        %swap3A_685 = tpu.vector_load %arg21[%swap3A_684] {strides = array<i32>} : memref<64xi32, #tpu.memory_space<vmem>>, vector<16xi32>,
        %swap3A_686 = vector.shape_cast %swap3A_685 : vector<16xi32> to vector<16xi32>
        %swap3A_687 = vector.shape_cast %and3A_683 : vector<16xi32> to vector<16xi32>
        tpu.vector_store %arg21[%swap3A_684], %swap3A_687 {strides = array<i32>} : memref<64xi32, #tpu.memory_space<vmem>>, vector<16xi32>,
        %get3A_688 = arith.constant 32 : index
        %get3A_689 = tpu.vector_load %arg19[%get3A_688] {strides = array<i32>} : memref<64xi32, #tpu.memory_space<vmem>>, vector<16xi32>,
        %get3A_690 = vector.shape_cast %get3A_689 : vector<16xi32> to vector<16xi32>
        %shift_right_arithmetic3A_691 = arith.constant 7 : i32
        %shift_right_arithmetic3A_692 = vector.broadcast %shift_right_arithmetic3A_691 : i32 to vector<16xi32>
        %shift_right_arithmetic3A_693 = arith.shrsi %get3A_690, %shift_right_arithmetic3A_692 : vector<16xi32>
        %swap3A_694 = arith.constant 32 : index
        %swap3A_695 = tpu.vector_load %arg20[%swap3A_694] {strides = array<i32>} : memref<64xi32, #tpu.memory_space<vmem>>, vector<16xi32>,
        %swap3A_696 = vector.shape_cast %swap3A_695 : vector<16xi32> to vector<16xi32>
        %swap3A_697 = vector.shape_cast %shift_right_arithmetic3A_693 : vector<16xi32> to vector<16xi32>
        tpu.vector_store %arg20[%swap3A_694], %swap3A_697 {strides = array<i32>} : memref<64xi32, #tpu.memory_space<vmem>>, vector<16xi32>,
        %and3A_698 = arith.constant 127 : i32
        %and3A_699 = vector.broadcast %and3A_698 : i32 to vector<16xi32>
        %and3A_700 = arith.andi %get3A_690, %and3A_699 : vector<16xi32>
        %swap3A_701 = arith.constant 32 : index
        %swap3A_702 = tpu.vector_load %arg21[%swap3A_701] {strides = array<i32>} : memref<64xi32, #tpu.memory_space<vmem>>, vector<16xi32>,
        %swap3A_703 = vector.shape_cast %swap3A_702 : vector<16xi32> to vector<16xi32>
        %swap3A_704 = vector.shape_cast %and3A_700 : vector<16xi32> to vector<16xi32>
        tpu.vector_store %arg21[%swap3A_701], %swap3A_704 {strides = array<i32>} : memref<64xi32, #tpu.memory_space<vmem>>, vector<16xi32>,
        %get3A_705 = arith.constant 48 : index
        %get3A_706 = tpu.vector_load %arg19[%get3A_705] {strides = array<i32>} : memref<64xi32, #tpu.memory_space<vmem>>, vector<16xi32>,
        %get3A_707 = vector.shape_cast %get3A_706 : vector<16xi32> to vector<16xi32>
        %shift_right_arithmetic3A_708 = arith.constant 7 : i32
        %shift_right_arithmetic3A_709 = vector.broadcast %shift_right_arithmetic3A_708 : i32 to vector<16xi32>
        %shift_right_arithmetic3A_710 = arith.shrsi %get3A_707, %shift_right_arithmetic3A_709 : vector<16xi32>
        %swap3A_711 = arith.constant 48 : index
        %swap3A_712 = tpu.vector_load %arg20[%swap3A_711] {strides = array<i32>} : memref<64xi32, #tpu.memory_space<vmem>>, vector<16xi32>,
        %swap3A_713 = vector.shape_cast %swap3A_712 : vector<16xi32> to vector<16xi32>
        %swap3A_714 = vector.shape_cast %shift_right_arithmetic3A_710 : vector<16xi32> to vector<16xi32>
        tpu.vector_store %arg20[%swap3A_711], %swap3A_714 {strides = array<i32>} : memref<64xi32, #tpu.memory_space<vmem>>, vector<16xi32>,
        %and3A_715 = arith.constant 127 : i32
        %and3A_716 = vector.broadcast %and3A_715 : i32 to vector<16xi32>
        %and3A_717 = arith.andi %get3A_707, %and3A_716 : vector<16xi32>
        %swap3A_718 = arith.constant 48 : index
        %swap3A_719 = tpu.vector_load %arg21[%swap3A_718] {strides = array<i32>} : memref<64xi32, #tpu.memory_space<vmem>>, vector<16xi32>,
        %swap3A_720 = vector.shape_cast %swap3A_719 : vector<16xi32> to vector<16xi32>
        %swap3A_721 = vector.shape_cast %and3A_717 : vector<16xi32> to vector<16xi32>
        tpu.vector_store %arg21[%swap3A_718], %swap3A_721 {strides = array<i32>} : memref<64xi32, #tpu.memory_space<vmem>>, vector<16xi32>,
        %dma_start3A_722 = arith.constant 0 : i32
        %dma_start3A_723 = arith.constant 0 : i32
        %dma_start3A_724 = tpu.memref_slice %arg2[%dma_start3A_722, %dma_start3A_723] : memref<10000x128xf32, #tpu.memory_space<hbm>> -> memref<10000x128xf32, #tpu.memory_space<hbm>>
        tpu.enqueue_indirect_dma source(%dma_start3A_724 : memref<10000x128xf32, #tpu.memory_space<hbm>>) target(%arg22 : memref<64x128xf32, #tpu.memory_space<vmem>>) offsets(%arg18 : memref<64xi32, #tpu.memory_space<vmem>>) semaphore(%arg24 : memref<!tpu.dma_semaphore, #tpu.memory_space<semaphore_mem>>)
        %dma_start3A_725 = arith.constant 0 : i32
        %dma_start3A_726 = arith.constant 0 : i32
        %dma_start3A_727 = tpu.memref_slice %arg5[%dma_start3A_725, %dma_start3A_726] : memref<128x128xf32, #tpu.memory_space<hbm>> -> memref<128x128xf32, #tpu.memory_space<hbm>>
        tpu.enqueue_indirect_dma source(%dma_start3A_727 : memref<128x128xf32, #tpu.memory_space<hbm>>) target(%arg23 : memref<64x128xf32, #tpu.memory_space<vmem>>) offsets(%arg21 : memref<64xi32, #tpu.memory_space<vmem>>) semaphore(%arg24 : memref<!tpu.dma_semaphore, #tpu.memory_space<semaphore_mem>>)
        %dma_wait3A_728 = arith.constant 0 : i32
        %dma_wait3A_729 = arith.constant 0 : i32
        %dma_wait3A_730 = tpu.memref_slice %arg2[%dma_wait3A_728, %dma_wait3A_729] : memref<10000x128xf32, #tpu.memory_space<hbm>> -> memref<10000x128xf32, #tpu.memory_space<hbm>>
        tpu.wait_indirect_dma semaphore(%arg16 : memref<!tpu.dma_semaphore, #tpu.memory_space<semaphore_mem>>) src(%dma_wait3A_730 : memref<10000x128xf32, #tpu.memory_space<hbm>>) dst(%arg14 : memref<64x128xf32, #tpu.memory_space<vmem>>)
        %dma_wait3A_731 = arith.constant 0 : i32
        %dma_wait3A_732 = arith.constant 0 : i32
        %dma_wait3A_733 = tpu.memref_slice %arg5[%dma_wait3A_731, %dma_wait3A_732] : memref<128x128xf32, #tpu.memory_space<hbm>> -> memref<128x128xf32, #tpu.memory_space<hbm>>
        tpu.wait_indirect_dma semaphore(%arg16 : memref<!tpu.dma_semaphore, #tpu.memory_space<semaphore_mem>>) src(%dma_wait3A_733 : memref<128x128xf32, #tpu.memory_space<hbm>>) dst(%arg15 : memref<64x128xf32, #tpu.memory_space<vmem>>)
        %dma_start3A_734 = arith.constant 0 : i32
        %dma_start3A_735 = arith.constant 0 : i32
        %dma_start3A_736 = tpu.memref_slice %arg9[%dma_start3A_734, %dma_start3A_735] : memref<128x128xf32, #tpu.memory_space<vmem_shared>> -> memref<128x128xf32, #tpu.memory_space<vmem_shared>>
        tpu.enqueue_indirect_dma source(%arg15 : memref<64x128xf32, #tpu.memory_space<vmem>>) target(%dma_start3A_736 : memref<128x128xf32, #tpu.memory_space<vmem_shared>>) offsets(%arg12 : memref<64xi32, #tpu.memory_space<vmem>>) semaphore(%arg17 : memref<!tpu.dma_semaphore, #tpu.memory_space<semaphore_mem>>) {add = true}
        "tpu.region"() ({
          %run_scoped3A = tpu.sem_alloc : memref<!tpu.dma_semaphore, #tpu.memory_space<semaphore_mem>>
          %dma_start3A_841 = arith.constant 0 : i32
          %dma_start3A_842 = arith.constant 0 : i32
          %dma_start3A_843 = tpu.memref_slice %arg8[%dma_start3A_841, %dma_start3A_842] : memref<10240x128xf32, #tpu.memory_space<vmem_shared>> -> memref<10240x128xf32, #tpu.memory_space<vmem_shared>>
          tpu.enqueue_indirect_dma source(%arg14 : memref<64x128xf32, #tpu.memory_space<vmem>>) target(%dma_start3A_843 : memref<10240x128xf32, #tpu.memory_space<vmem_shared>>) offsets(%arg11 : memref<64xi32, #tpu.memory_space<vmem>>) semaphore(%run_scoped3A : memref<!tpu.dma_semaphore, #tpu.memory_space<semaphore_mem>>) {add = true}
          %dma_wait3A_844 = arith.constant 0 : i32
          %dma_wait3A_845 = arith.constant 0 : i32
          %dma_wait3A_846 = tpu.memref_slice %arg8[%dma_wait3A_844, %dma_wait3A_845] : memref<10240x128xf32, #tpu.memory_space<vmem_shared>> -> memref<10240x128xf32, #tpu.memory_space<vmem_shared>>
          tpu.wait_indirect_dma semaphore(%run_scoped3A : memref<!tpu.dma_semaphore, #tpu.memory_space<semaphore_mem>>) src(%arg14 : memref<64x128xf32, #tpu.memory_space<vmem>>) dst(%dma_wait3A_846 : memref<10240x128xf32, #tpu.memory_space<vmem_shared>>)
          tpu.yield
        }) : () -> ()
        %dma_wait3A_737 = arith.constant 0 : i32
        %dma_wait3A_738 = arith.constant 0 : i32
        %dma_wait3A_739 = tpu.memref_slice %arg9[%dma_wait3A_737, %dma_wait3A_738] : memref<128x128xf32, #tpu.memory_space<vmem_shared>> -> memref<128x128xf32, #tpu.memory_space<vmem_shared>>
        tpu.wait_indirect_dma semaphore(%arg17 : memref<!tpu.dma_semaphore, #tpu.memory_space<semaphore_mem>>) src(%arg15 : memref<64x128xf32, #tpu.memory_space<vmem>>) dst(%dma_wait3A_739 : memref<128x128xf32, #tpu.memory_space<vmem_shared>>)
        %mul3A_740 = arith.constant 2 : i32
        %mul3A_741 = arith.muli %mul3A_740, %scan3A_638 : i32
        %add3A_742 = arith.constant 2 : i32
        %add3A_743 = arith.addi %mul3A_741, %add3A_742 : i32
        %mul3A_744 = arith.constant 64 : i32
        %mul3A_745 = arith.muli %add3A_743, %mul3A_744 : i32
        %add3A_746 = arith.addi %mul3A_443, %mul3A_745 : i32
        %dma_start3A_747 = tpu.memref_slice %arg3[%add3A_746] : memref<323584xi32, #tpu.memory_space<hbm>> -> memref<64xi32, #tpu.memory_space<hbm>>
        %dma_start3A_748 = tpu.memref_slice %arg3[%add3A_746] : memref<323584xi32, #tpu.memory_space<hbm>> -> memref<64xi32, #tpu.memory_space<hbm>>
        tpu.enqueue_dma source(%dma_start3A_748 : memref<64xi32, #tpu.memory_space<hbm>>) target(%arg10 : memref<64xi32, #tpu.memory_space<vmem>>) target_semaphore(%arg17 : memref<!tpu.dma_semaphore, #tpu.memory_space<semaphore_mem>>)
        %dma_start3A_749 = tpu.memref_slice %arg4[%add3A_746] : memref<323584xi32, #tpu.memory_space<hbm>> -> memref<64xi32, #tpu.memory_space<hbm>>
        %dma_start3A_750 = tpu.memref_slice %arg4[%add3A_746] : memref<323584xi32, #tpu.memory_space<hbm>> -> memref<64xi32, #tpu.memory_space<hbm>>
        tpu.enqueue_dma source(%dma_start3A_750 : memref<64xi32, #tpu.memory_space<hbm>>) target(%arg11 : memref<64xi32, #tpu.memory_space<vmem>>) target_semaphore(%arg17 : memref<!tpu.dma_semaphore, #tpu.memory_space<semaphore_mem>>)
        %dma_wait3A_751 = tpu.memref_slice %arg3[%add3A_746] : memref<323584xi32, #tpu.memory_space<hbm>> -> memref<64xi32, #tpu.memory_space<hbm>>
        %dma_wait3A_752 = tpu.memref_slice %arg3[%add3A_746] : memref<323584xi32, #tpu.memory_space<hbm>> -> memref<64xi32, #tpu.memory_space<hbm>>
        tpu.wait_dma2 semaphore(%arg17 : memref<!tpu.dma_semaphore, #tpu.memory_space<semaphore_mem>>) src(%dma_wait3A_752 : memref<64xi32, #tpu.memory_space<hbm>>) dst(%arg10 : memref<64xi32, #tpu.memory_space<vmem>>)
        %dma_wait3A_753 = tpu.memref_slice %arg4[%add3A_746] : memref<323584xi32, #tpu.memory_space<hbm>> -> memref<64xi32, #tpu.memory_space<hbm>>
        %dma_wait3A_754 = tpu.memref_slice %arg4[%add3A_746] : memref<323584xi32, #tpu.memory_space<hbm>> -> memref<64xi32, #tpu.memory_space<hbm>>
        tpu.wait_dma2 semaphore(%arg17 : memref<!tpu.dma_semaphore, #tpu.memory_space<semaphore_mem>>) src(%dma_wait3A_754 : memref<64xi32, #tpu.memory_space<hbm>>) dst(%arg11 : memref<64xi32, #tpu.memory_space<vmem>>)
        %get3A_755 = arith.constant 0 : index
        %get3A_756 = tpu.vector_load %arg11[%get3A_755] {strides = array<i32>} : memref<64xi32, #tpu.memory_space<vmem>>, vector<16xi32>,
        %get3A_757 = vector.shape_cast %get3A_756 : vector<16xi32> to vector<16xi32>
        %shift_right_arithmetic3A_758 = arith.constant 7 : i32
        %shift_right_arithmetic3A_759 = vector.broadcast %shift_right_arithmetic3A_758 : i32 to vector<16xi32>
        %shift_right_arithmetic3A_760 = arith.shrsi %get3A_757, %shift_right_arithmetic3A_759 : vector<16xi32>
        %swap3A_761 = arith.constant 0 : index
        %swap3A_762 = tpu.vector_load %arg12[%swap3A_761] {strides = array<i32>} : memref<64xi32, #tpu.memory_space<vmem>>, vector<16xi32>,
        %swap3A_763 = vector.shape_cast %swap3A_762 : vector<16xi32> to vector<16xi32>
        %swap3A_764 = vector.shape_cast %shift_right_arithmetic3A_760 : vector<16xi32> to vector<16xi32>
        tpu.vector_store %arg12[%swap3A_761], %swap3A_764 {strides = array<i32>} : memref<64xi32, #tpu.memory_space<vmem>>, vector<16xi32>,
        %and3A_765 = arith.constant 127 : i32
        %and3A_766 = vector.broadcast %and3A_765 : i32 to vector<16xi32>
        %and3A_767 = arith.andi %get3A_757, %and3A_766 : vector<16xi32>
        %swap3A_768 = arith.constant 0 : index
        %swap3A_769 = tpu.vector_load %arg13[%swap3A_768] {strides = array<i32>} : memref<64xi32, #tpu.memory_space<vmem>>, vector<16xi32>,
        %swap3A_770 = vector.shape_cast %swap3A_769 : vector<16xi32> to vector<16xi32>
        %swap3A_771 = vector.shape_cast %and3A_767 : vector<16xi32> to vector<16xi32>
        tpu.vector_store %arg13[%swap3A_768], %swap3A_771 {strides = array<i32>} : memref<64xi32, #tpu.memory_space<vmem>>, vector<16xi32>,
        %get3A_772 = arith.constant 16 : index
        %get3A_773 = tpu.vector_load %arg11[%get3A_772] {strides = array<i32>} : memref<64xi32, #tpu.memory_space<vmem>>, vector<16xi32>,
        %get3A_774 = vector.shape_cast %get3A_773 : vector<16xi32> to vector<16xi32>
        %shift_right_arithmetic3A_775 = arith.constant 7 : i32
        %shift_right_arithmetic3A_776 = vector.broadcast %shift_right_arithmetic3A_775 : i32 to vector<16xi32>
        %shift_right_arithmetic3A_777 = arith.shrsi %get3A_774, %shift_right_arithmetic3A_776 : vector<16xi32>
        %swap3A_778 = arith.constant 16 : index
        %swap3A_779 = tpu.vector_load %arg12[%swap3A_778] {strides = array<i32>} : memref<64xi32, #tpu.memory_space<vmem>>, vector<16xi32>,
        %swap3A_780 = vector.shape_cast %swap3A_779 : vector<16xi32> to vector<16xi32>
        %swap3A_781 = vector.shape_cast %shift_right_arithmetic3A_777 : vector<16xi32> to vector<16xi32>
        tpu.vector_store %arg12[%swap3A_778], %swap3A_781 {strides = array<i32>} : memref<64xi32, #tpu.memory_space<vmem>>, vector<16xi32>,
        %and3A_782 = arith.constant 127 : i32
        %and3A_783 = vector.broadcast %and3A_782 : i32 to vector<16xi32>
        %and3A_784 = arith.andi %get3A_774, %and3A_783 : vector<16xi32>
        %swap3A_785 = arith.constant 16 : index
        %swap3A_786 = tpu.vector_load %arg13[%swap3A_785] {strides = array<i32>} : memref<64xi32, #tpu.memory_space<vmem>>, vector<16xi32>,
        %swap3A_787 = vector.shape_cast %swap3A_786 : vector<16xi32> to vector<16xi32>
        %swap3A_788 = vector.shape_cast %and3A_784 : vector<16xi32> to vector<16xi32>
        tpu.vector_store %arg13[%swap3A_785], %swap3A_788 {strides = array<i32>} : memref<64xi32, #tpu.memory_space<vmem>>, vector<16xi32>,
        %get3A_789 = arith.constant 32 : index
        %get3A_790 = tpu.vector_load %arg11[%get3A_789] {strides = array<i32>} : memref<64xi32, #tpu.memory_space<vmem>>, vector<16xi32>,
        %get3A_791 = vector.shape_cast %get3A_790 : vector<16xi32> to vector<16xi32>
        %shift_right_arithmetic3A_792 = arith.constant 7 : i32
        %shift_right_arithmetic3A_793 = vector.broadcast %shift_right_arithmetic3A_792 : i32 to vector<16xi32>
        %shift_right_arithmetic3A_794 = arith.shrsi %get3A_791, %shift_right_arithmetic3A_793 : vector<16xi32>
        %swap3A_795 = arith.constant 32 : index
        %swap3A_796 = tpu.vector_load %arg12[%swap3A_795] {strides = array<i32>} : memref<64xi32, #tpu.memory_space<vmem>>, vector<16xi32>,
        %swap3A_797 = vector.shape_cast %swap3A_796 : vector<16xi32> to vector<16xi32>
        %swap3A_798 = vector.shape_cast %shift_right_arithmetic3A_794 : vector<16xi32> to vector<16xi32>
        tpu.vector_store %arg12[%swap3A_795], %swap3A_798 {strides = array<i32>} : memref<64xi32, #tpu.memory_space<vmem>>, vector<16xi32>,
        %and3A_799 = arith.constant 127 : i32
        %and3A_800 = vector.broadcast %and3A_799 : i32 to vector<16xi32>
        %and3A_801 = arith.andi %get3A_791, %and3A_800 : vector<16xi32>
        %swap3A_802 = arith.constant 32 : index
        %swap3A_803 = tpu.vector_load %arg13[%swap3A_802] {strides = array<i32>} : memref<64xi32, #tpu.memory_space<vmem>>, vector<16xi32>,
        %swap3A_804 = vector.shape_cast %swap3A_803 : vector<16xi32> to vector<16xi32>
        %swap3A_805 = vector.shape_cast %and3A_801 : vector<16xi32> to vector<16xi32>
        tpu.vector_store %arg13[%swap3A_802], %swap3A_805 {strides = array<i32>} : memref<64xi32, #tpu.memory_space<vmem>>, vector<16xi32>,
        %get3A_806 = arith.constant 48 : index
        %get3A_807 = tpu.vector_load %arg11[%get3A_806] {strides = array<i32>} : memref<64xi32, #tpu.memory_space<vmem>>, vector<16xi32>,
        %get3A_808 = vector.shape_cast %get3A_807 : vector<16xi32> to vector<16xi32>
        %shift_right_arithmetic3A_809 = arith.constant 7 : i32
        %shift_right_arithmetic3A_810 = vector.broadcast %shift_right_arithmetic3A_809 : i32 to vector<16xi32>
        %shift_right_arithmetic3A_811 = arith.shrsi %get3A_808, %shift_right_arithmetic3A_810 : vector<16xi32>
        %swap3A_812 = arith.constant 48 : index
        %swap3A_813 = tpu.vector_load %arg12[%swap3A_812] {strides = array<i32>} : memref<64xi32, #tpu.memory_space<vmem>>, vector<16xi32>,
        %swap3A_814 = vector.shape_cast %swap3A_813 : vector<16xi32> to vector<16xi32>
        %swap3A_815 = vector.shape_cast %shift_right_arithmetic3A_811 : vector<16xi32> to vector<16xi32>
        tpu.vector_store %arg12[%swap3A_812], %swap3A_815 {strides = array<i32>} : memref<64xi32, #tpu.memory_space<vmem>>, vector<16xi32>,
        %and3A_816 = arith.constant 127 : i32
        %and3A_817 = vector.broadcast %and3A_816 : i32 to vector<16xi32>
        %and3A_818 = arith.andi %get3A_808, %and3A_817 : vector<16xi32>
        %swap3A_819 = arith.constant 48 : index
        %swap3A_820 = tpu.vector_load %arg13[%swap3A_819] {strides = array<i32>} : memref<64xi32, #tpu.memory_space<vmem>>, vector<16xi32>,
        %swap3A_821 = vector.shape_cast %swap3A_820 : vector<16xi32> to vector<16xi32>
        %swap3A_822 = vector.shape_cast %and3A_818 : vector<16xi32> to vector<16xi32>
        tpu.vector_store %arg13[%swap3A_819], %swap3A_822 {strides = array<i32>} : memref<64xi32, #tpu.memory_space<vmem>>, vector<16xi32>,
        %dma_start3A_823 = arith.constant 0 : i32
        %dma_start3A_824 = arith.constant 0 : i32
        %dma_start3A_825 = tpu.memref_slice %arg2[%dma_start3A_823, %dma_start3A_824] : memref<10000x128xf32, #tpu.memory_space<hbm>> -> memref<10000x128xf32, #tpu.memory_space<hbm>>
        tpu.enqueue_indirect_dma source(%dma_start3A_825 : memref<10000x128xf32, #tpu.memory_space<hbm>>) target(%arg14 : memref<64x128xf32, #tpu.memory_space<vmem>>) offsets(%arg10 : memref<64xi32, #tpu.memory_space<vmem>>) semaphore(%arg16 : memref<!tpu.dma_semaphore, #tpu.memory_space<semaphore_mem>>)
        %dma_start3A_826 = arith.constant 0 : i32
        %dma_start3A_827 = arith.constant 0 : i32
        %dma_start3A_828 = tpu.memref_slice %arg5[%dma_start3A_826, %dma_start3A_827] : memref<128x128xf32, #tpu.memory_space<hbm>> -> memref<128x128xf32, #tpu.memory_space<hbm>>
        tpu.enqueue_indirect_dma source(%dma_start3A_828 : memref<128x128xf32, #tpu.memory_space<hbm>>) target(%arg15 : memref<64x128xf32, #tpu.memory_space<vmem>>) offsets(%arg13 : memref<64xi32, #tpu.memory_space<vmem>>) semaphore(%arg16 : memref<!tpu.dma_semaphore, #tpu.memory_space<semaphore_mem>>)
        %dma_wait3A_829 = arith.constant 0 : i32
        %dma_wait3A_830 = arith.constant 0 : i32
        %dma_wait3A_831 = tpu.memref_slice %arg2[%dma_wait3A_829, %dma_wait3A_830] : memref<10000x128xf32, #tpu.memory_space<hbm>> -> memref<10000x128xf32, #tpu.memory_space<hbm>>
        tpu.wait_indirect_dma semaphore(%arg24 : memref<!tpu.dma_semaphore, #tpu.memory_space<semaphore_mem>>) src(%dma_wait3A_831 : memref<10000x128xf32, #tpu.memory_space<hbm>>) dst(%arg22 : memref<64x128xf32, #tpu.memory_space<vmem>>)
        %dma_wait3A_832 = arith.constant 0 : i32
        %dma_wait3A_833 = arith.constant 0 : i32
        %dma_wait3A_834 = tpu.memref_slice %arg5[%dma_wait3A_832, %dma_wait3A_833] : memref<128x128xf32, #tpu.memory_space<hbm>> -> memref<128x128xf32, #tpu.memory_space<hbm>>
        tpu.wait_indirect_dma semaphore(%arg24 : memref<!tpu.dma_semaphore, #tpu.memory_space<semaphore_mem>>) src(%dma_wait3A_834 : memref<128x128xf32, #tpu.memory_space<hbm>>) dst(%arg23 : memref<64x128xf32, #tpu.memory_space<vmem>>)
        %dma_start3A_835 = arith.constant 0 : i32
        %dma_start3A_836 = arith.constant 0 : i32
        %dma_start3A_837 = tpu.memref_slice %arg9[%dma_start3A_835, %dma_start3A_836] : memref<128x128xf32, #tpu.memory_space<vmem_shared>> -> memref<128x128xf32, #tpu.memory_space<vmem_shared>>
        tpu.enqueue_indirect_dma source(%arg23 : memref<64x128xf32, #tpu.memory_space<vmem>>) target(%dma_start3A_837 : memref<128x128xf32, #tpu.memory_space<vmem_shared>>) offsets(%arg20 : memref<64xi32, #tpu.memory_space<vmem>>) semaphore(%arg25 : memref<!tpu.dma_semaphore, #tpu.memory_space<semaphore_mem>>) {add = true}
        "tpu.region"() ({
          %run_scoped3A = tpu.sem_alloc : memref<!tpu.dma_semaphore, #tpu.memory_space<semaphore_mem>>
          %dma_start3A_841 = arith.constant 0 : i32
          %dma_start3A_842 = arith.constant 0 : i32
          %dma_start3A_843 = tpu.memref_slice %arg8[%dma_start3A_841, %dma_start3A_842] : memref<10240x128xf32, #tpu.memory_space<vmem_shared>> -> memref<10240x128xf32, #tpu.memory_space<vmem_shared>>
          tpu.enqueue_indirect_dma source(%arg22 : memref<64x128xf32, #tpu.memory_space<vmem>>) target(%dma_start3A_843 : memref<10240x128xf32, #tpu.memory_space<vmem_shared>>) offsets(%arg19 : memref<64xi32, #tpu.memory_space<vmem>>) semaphore(%run_scoped3A : memref<!tpu.dma_semaphore, #tpu.memory_space<semaphore_mem>>) {add = true}
          %dma_wait3A_844 = arith.constant 0 : i32
          %dma_wait3A_845 = arith.constant 0 : i32
          %dma_wait3A_846 = tpu.memref_slice %arg8[%dma_wait3A_844, %dma_wait3A_845] : memref<10240x128xf32, #tpu.memory_space<vmem_shared>> -> memref<10240x128xf32, #tpu.memory_space<vmem_shared>>
          tpu.wait_indirect_dma semaphore(%run_scoped3A : memref<!tpu.dma_semaphore, #tpu.memory_space<semaphore_mem>>) src(%arg22 : memref<64x128xf32, #tpu.memory_space<vmem>>) dst(%dma_wait3A_846 : memref<10240x128xf32, #tpu.memory_space<vmem_shared>>)
          tpu.yield
        }) : () -> ()
        %dma_wait3A_838 = arith.constant 0 : i32
        %dma_wait3A_839 = arith.constant 0 : i32
        %dma_wait3A_840 = tpu.memref_slice %arg9[%dma_wait3A_838, %dma_wait3A_839] : memref<128x128xf32, #tpu.memory_space<vmem_shared>> -> memref<128x128xf32, #tpu.memory_space<vmem_shared>>
        tpu.wait_indirect_dma semaphore(%arg25 : memref<!tpu.dma_semaphore, #tpu.memory_space<semaphore_mem>>) src(%arg23 : memref<64x128xf32, #tpu.memory_space<vmem>>) dst(%dma_wait3A_840 : memref<128x128xf32, #tpu.memory_space<vmem_shared>>)
      }
      %scan3A_529 = arith.constant 53 : i32
      %add3A_530 = arith.constant 6848 : i32
      %add3A_531 = arith.addi %mul3A_443, %add3A_530 : i32
      %dma_start3A_532 = tpu.memref_slice %arg3[%add3A_531] : memref<323584xi32, #tpu.memory_space<hbm>> -> memref<64xi32, #tpu.memory_space<hbm>>
      %dma_start3A_533 = tpu.memref_slice %arg3[%add3A_531] : memref<323584xi32, #tpu.memory_space<hbm>> -> memref<64xi32, #tpu.memory_space<hbm>>
      tpu.enqueue_dma source(%dma_start3A_533 : memref<64xi32, #tpu.memory_space<hbm>>) target(%arg18 : memref<64xi32, #tpu.memory_space<vmem>>) target_semaphore(%arg25 : memref<!tpu.dma_semaphore, #tpu.memory_space<semaphore_mem>>)
      %dma_start3A_534 = tpu.memref_slice %arg4[%add3A_531] : memref<323584xi32, #tpu.memory_space<hbm>> -> memref<64xi32, #tpu.memory_space<hbm>>
      %dma_start3A_535 = tpu.memref_slice %arg4[%add3A_531] : memref<323584xi32, #tpu.memory_space<hbm>> -> memref<64xi32, #tpu.memory_space<hbm>>
      tpu.enqueue_dma source(%dma_start3A_535 : memref<64xi32, #tpu.memory_space<hbm>>) target(%arg19 : memref<64xi32, #tpu.memory_space<vmem>>) target_semaphore(%arg25 : memref<!tpu.dma_semaphore, #tpu.memory_space<semaphore_mem>>)
      %dma_wait3A_536 = tpu.memref_slice %arg3[%add3A_531] : memref<323584xi32, #tpu.memory_space<hbm>> -> memref<64xi32, #tpu.memory_space<hbm>>
      %dma_wait3A_537 = tpu.memref_slice %arg3[%add3A_531] : memref<323584xi32, #tpu.memory_space<hbm>> -> memref<64xi32, #tpu.memory_space<hbm>>
      tpu.wait_dma2 semaphore(%arg25 : memref<!tpu.dma_semaphore, #tpu.memory_space<semaphore_mem>>) src(%dma_wait3A_537 : memref<64xi32, #tpu.memory_space<hbm>>) dst(%arg18 : memref<64xi32, #tpu.memory_space<vmem>>)
      %dma_wait3A_538 = tpu.memref_slice %arg4[%add3A_531] : memref<323584xi32, #tpu.memory_space<hbm>> -> memref<64xi32, #tpu.memory_space<hbm>>
      %dma_wait3A_539 = tpu.memref_slice %arg4[%add3A_531] : memref<323584xi32, #tpu.memory_space<hbm>> -> memref<64xi32, #tpu.memory_space<hbm>>
      tpu.wait_dma2 semaphore(%arg25 : memref<!tpu.dma_semaphore, #tpu.memory_space<semaphore_mem>>) src(%dma_wait3A_539 : memref<64xi32, #tpu.memory_space<hbm>>) dst(%arg19 : memref<64xi32, #tpu.memory_space<vmem>>)
      %get3A_540 = arith.constant 0 : index
      %get3A_541 = tpu.vector_load %arg19[%get3A_540] {strides = array<i32>} : memref<64xi32, #tpu.memory_space<vmem>>, vector<16xi32>,
      %get3A_542 = vector.shape_cast %get3A_541 : vector<16xi32> to vector<16xi32>
      %shift_right_arithmetic3A_543 = arith.constant 7 : i32
      %shift_right_arithmetic3A_544 = vector.broadcast %shift_right_arithmetic3A_543 : i32 to vector<16xi32>
      %shift_right_arithmetic3A_545 = arith.shrsi %get3A_542, %shift_right_arithmetic3A_544 : vector<16xi32>
      %swap3A_546 = arith.constant 0 : index
      %swap3A_547 = tpu.vector_load %arg20[%swap3A_546] {strides = array<i32>} : memref<64xi32, #tpu.memory_space<vmem>>, vector<16xi32>,
      %swap3A_548 = vector.shape_cast %swap3A_547 : vector<16xi32> to vector<16xi32>
      %swap3A_549 = vector.shape_cast %shift_right_arithmetic3A_545 : vector<16xi32> to vector<16xi32>
      tpu.vector_store %arg20[%swap3A_546], %swap3A_549 {strides = array<i32>} : memref<64xi32, #tpu.memory_space<vmem>>, vector<16xi32>,
      %and3A_550 = arith.constant 127 : i32
      %and3A_551 = vector.broadcast %and3A_550 : i32 to vector<16xi32>
      %and3A_552 = arith.andi %get3A_542, %and3A_551 : vector<16xi32>
      %swap3A_553 = arith.constant 0 : index
      %swap3A_554 = tpu.vector_load %arg21[%swap3A_553] {strides = array<i32>} : memref<64xi32, #tpu.memory_space<vmem>>, vector<16xi32>,
      %swap3A_555 = vector.shape_cast %swap3A_554 : vector<16xi32> to vector<16xi32>
      %swap3A_556 = vector.shape_cast %and3A_552 : vector<16xi32> to vector<16xi32>
      tpu.vector_store %arg21[%swap3A_553], %swap3A_556 {strides = array<i32>} : memref<64xi32, #tpu.memory_space<vmem>>, vector<16xi32>,
      %get3A_557 = arith.constant 16 : index
      %get3A_558 = tpu.vector_load %arg19[%get3A_557] {strides = array<i32>} : memref<64xi32, #tpu.memory_space<vmem>>, vector<16xi32>,
      %get3A_559 = vector.shape_cast %get3A_558 : vector<16xi32> to vector<16xi32>
      %shift_right_arithmetic3A_560 = arith.constant 7 : i32
      %shift_right_arithmetic3A_561 = vector.broadcast %shift_right_arithmetic3A_560 : i32 to vector<16xi32>
      %shift_right_arithmetic3A_562 = arith.shrsi %get3A_559, %shift_right_arithmetic3A_561 : vector<16xi32>
      %swap3A_563 = arith.constant 16 : index
      %swap3A_564 = tpu.vector_load %arg20[%swap3A_563] {strides = array<i32>} : memref<64xi32, #tpu.memory_space<vmem>>, vector<16xi32>,
      %swap3A_565 = vector.shape_cast %swap3A_564 : vector<16xi32> to vector<16xi32>
      %swap3A_566 = vector.shape_cast %shift_right_arithmetic3A_562 : vector<16xi32> to vector<16xi32>
      tpu.vector_store %arg20[%swap3A_563], %swap3A_566 {strides = array<i32>} : memref<64xi32, #tpu.memory_space<vmem>>, vector<16xi32>,
      %and3A_567 = arith.constant 127 : i32
      %and3A_568 = vector.broadcast %and3A_567 : i32 to vector<16xi32>
      %and3A_569 = arith.andi %get3A_559, %and3A_568 : vector<16xi32>
      %swap3A_570 = arith.constant 16 : index
      %swap3A_571 = tpu.vector_load %arg21[%swap3A_570] {strides = array<i32>} : memref<64xi32, #tpu.memory_space<vmem>>, vector<16xi32>,
      %swap3A_572 = vector.shape_cast %swap3A_571 : vector<16xi32> to vector<16xi32>
      %swap3A_573 = vector.shape_cast %and3A_569 : vector<16xi32> to vector<16xi32>
      tpu.vector_store %arg21[%swap3A_570], %swap3A_573 {strides = array<i32>} : memref<64xi32, #tpu.memory_space<vmem>>, vector<16xi32>,
      %get3A_574 = arith.constant 32 : index
      %get3A_575 = tpu.vector_load %arg19[%get3A_574] {strides = array<i32>} : memref<64xi32, #tpu.memory_space<vmem>>, vector<16xi32>,
      %get3A_576 = vector.shape_cast %get3A_575 : vector<16xi32> to vector<16xi32>
      %shift_right_arithmetic3A_577 = arith.constant 7 : i32
      %shift_right_arithmetic3A_578 = vector.broadcast %shift_right_arithmetic3A_577 : i32 to vector<16xi32>
      %shift_right_arithmetic3A_579 = arith.shrsi %get3A_576, %shift_right_arithmetic3A_578 : vector<16xi32>
      %swap3A_580 = arith.constant 32 : index
      %swap3A_581 = tpu.vector_load %arg20[%swap3A_580] {strides = array<i32>} : memref<64xi32, #tpu.memory_space<vmem>>, vector<16xi32>,
      %swap3A_582 = vector.shape_cast %swap3A_581 : vector<16xi32> to vector<16xi32>
      %swap3A_583 = vector.shape_cast %shift_right_arithmetic3A_579 : vector<16xi32> to vector<16xi32>
      tpu.vector_store %arg20[%swap3A_580], %swap3A_583 {strides = array<i32>} : memref<64xi32, #tpu.memory_space<vmem>>, vector<16xi32>,
      %and3A_584 = arith.constant 127 : i32
      %and3A_585 = vector.broadcast %and3A_584 : i32 to vector<16xi32>
      %and3A_586 = arith.andi %get3A_576, %and3A_585 : vector<16xi32>
      %swap3A_587 = arith.constant 32 : index
      %swap3A_588 = tpu.vector_load %arg21[%swap3A_587] {strides = array<i32>} : memref<64xi32, #tpu.memory_space<vmem>>, vector<16xi32>,
      %swap3A_589 = vector.shape_cast %swap3A_588 : vector<16xi32> to vector<16xi32>
      %swap3A_590 = vector.shape_cast %and3A_586 : vector<16xi32> to vector<16xi32>
      tpu.vector_store %arg21[%swap3A_587], %swap3A_590 {strides = array<i32>} : memref<64xi32, #tpu.memory_space<vmem>>, vector<16xi32>,
      %get3A_591 = arith.constant 48 : index
      %get3A_592 = tpu.vector_load %arg19[%get3A_591] {strides = array<i32>} : memref<64xi32, #tpu.memory_space<vmem>>, vector<16xi32>,
      %get3A_593 = vector.shape_cast %get3A_592 : vector<16xi32> to vector<16xi32>
      %shift_right_arithmetic3A_594 = arith.constant 7 : i32
      %shift_right_arithmetic3A_595 = vector.broadcast %shift_right_arithmetic3A_594 : i32 to vector<16xi32>
      %shift_right_arithmetic3A_596 = arith.shrsi %get3A_593, %shift_right_arithmetic3A_595 : vector<16xi32>
      %swap3A_597 = arith.constant 48 : index
      %swap3A_598 = tpu.vector_load %arg20[%swap3A_597] {strides = array<i32>} : memref<64xi32, #tpu.memory_space<vmem>>, vector<16xi32>,
      %swap3A_599 = vector.shape_cast %swap3A_598 : vector<16xi32> to vector<16xi32>
      %swap3A_600 = vector.shape_cast %shift_right_arithmetic3A_596 : vector<16xi32> to vector<16xi32>
      tpu.vector_store %arg20[%swap3A_597], %swap3A_600 {strides = array<i32>} : memref<64xi32, #tpu.memory_space<vmem>>, vector<16xi32>,
      %and3A_601 = arith.constant 127 : i32
      %and3A_602 = vector.broadcast %and3A_601 : i32 to vector<16xi32>
      %and3A_603 = arith.andi %get3A_593, %and3A_602 : vector<16xi32>
      %swap3A_604 = arith.constant 48 : index
      %swap3A_605 = tpu.vector_load %arg21[%swap3A_604] {strides = array<i32>} : memref<64xi32, #tpu.memory_space<vmem>>, vector<16xi32>,
      %swap3A_606 = vector.shape_cast %swap3A_605 : vector<16xi32> to vector<16xi32>
      %swap3A_607 = vector.shape_cast %and3A_603 : vector<16xi32> to vector<16xi32>
      tpu.vector_store %arg21[%swap3A_604], %swap3A_607 {strides = array<i32>} : memref<64xi32, #tpu.memory_space<vmem>>, vector<16xi32>,
      %dma_start3A_608 = arith.constant 0 : i32
      %dma_start3A_609 = arith.constant 0 : i32
      %dma_start3A_610 = tpu.memref_slice %arg2[%dma_start3A_608, %dma_start3A_609] : memref<10000x128xf32, #tpu.memory_space<hbm>> -> memref<10000x128xf32, #tpu.memory_space<hbm>>
      tpu.enqueue_indirect_dma source(%dma_start3A_610 : memref<10000x128xf32, #tpu.memory_space<hbm>>) target(%arg22 : memref<64x128xf32, #tpu.memory_space<vmem>>) offsets(%arg18 : memref<64xi32, #tpu.memory_space<vmem>>) semaphore(%arg24 : memref<!tpu.dma_semaphore, #tpu.memory_space<semaphore_mem>>)
      %dma_start3A_611 = arith.constant 0 : i32
      %dma_start3A_612 = arith.constant 0 : i32
      %dma_start3A_613 = tpu.memref_slice %arg5[%dma_start3A_611, %dma_start3A_612] : memref<128x128xf32, #tpu.memory_space<hbm>> -> memref<128x128xf32, #tpu.memory_space<hbm>>
      tpu.enqueue_indirect_dma source(%dma_start3A_613 : memref<128x128xf32, #tpu.memory_space<hbm>>) target(%arg23 : memref<64x128xf32, #tpu.memory_space<vmem>>) offsets(%arg21 : memref<64xi32, #tpu.memory_space<vmem>>) semaphore(%arg24 : memref<!tpu.dma_semaphore, #tpu.memory_space<semaphore_mem>>)
      %dma_wait3A_614 = arith.constant 0 : i32
      %dma_wait3A_615 = arith.constant 0 : i32
      %dma_wait3A_616 = tpu.memref_slice %arg2[%dma_wait3A_614, %dma_wait3A_615] : memref<10000x128xf32, #tpu.memory_space<hbm>> -> memref<10000x128xf32, #tpu.memory_space<hbm>>
      tpu.wait_indirect_dma semaphore(%arg16 : memref<!tpu.dma_semaphore, #tpu.memory_space<semaphore_mem>>) src(%dma_wait3A_616 : memref<10000x128xf32, #tpu.memory_space<hbm>>) dst(%arg14 : memref<64x128xf32, #tpu.memory_space<vmem>>)
      %dma_wait3A_617 = arith.constant 0 : i32
      %dma_wait3A_618 = arith.constant 0 : i32
      %dma_wait3A_619 = tpu.memref_slice %arg5[%dma_wait3A_617, %dma_wait3A_618] : memref<128x128xf32, #tpu.memory_space<hbm>> -> memref<128x128xf32, #tpu.memory_space<hbm>>
      tpu.wait_indirect_dma semaphore(%arg16 : memref<!tpu.dma_semaphore, #tpu.memory_space<semaphore_mem>>) src(%dma_wait3A_619 : memref<128x128xf32, #tpu.memory_space<hbm>>) dst(%arg15 : memref<64x128xf32, #tpu.memory_space<vmem>>)
      %dma_start3A_620 = arith.constant 0 : i32
      %dma_start3A_621 = arith.constant 0 : i32
      %dma_start3A_622 = tpu.memref_slice %arg9[%dma_start3A_620, %dma_start3A_621] : memref<128x128xf32, #tpu.memory_space<vmem_shared>> -> memref<128x128xf32, #tpu.memory_space<vmem_shared>>
      tpu.enqueue_indirect_dma source(%arg15 : memref<64x128xf32, #tpu.memory_space<vmem>>) target(%dma_start3A_622 : memref<128x128xf32, #tpu.memory_space<vmem_shared>>) offsets(%arg12 : memref<64xi32, #tpu.memory_space<vmem>>) semaphore(%arg17 : memref<!tpu.dma_semaphore, #tpu.memory_space<semaphore_mem>>) {add = true}
      "tpu.region"() ({
        %run_scoped3A = tpu.sem_alloc : memref<!tpu.dma_semaphore, #tpu.memory_space<semaphore_mem>>
        %dma_start3A_638 = arith.constant 0 : i32
        %dma_start3A_639 = arith.constant 0 : i32
        %dma_start3A_640 = tpu.memref_slice %arg8[%dma_start3A_638, %dma_start3A_639] : memref<10240x128xf32, #tpu.memory_space<vmem_shared>> -> memref<10240x128xf32, #tpu.memory_space<vmem_shared>>
        tpu.enqueue_indirect_dma source(%arg14 : memref<64x128xf32, #tpu.memory_space<vmem>>) target(%dma_start3A_640 : memref<10240x128xf32, #tpu.memory_space<vmem_shared>>) offsets(%arg11 : memref<64xi32, #tpu.memory_space<vmem>>) semaphore(%run_scoped3A : memref<!tpu.dma_semaphore, #tpu.memory_space<semaphore_mem>>) {add = true}
        %dma_wait3A_641 = arith.constant 0 : i32
        %dma_wait3A_642 = arith.constant 0 : i32
        %dma_wait3A_643 = tpu.memref_slice %arg8[%dma_wait3A_641, %dma_wait3A_642] : memref<10240x128xf32, #tpu.memory_space<vmem_shared>> -> memref<10240x128xf32, #tpu.memory_space<vmem_shared>>
        tpu.wait_indirect_dma semaphore(%run_scoped3A : memref<!tpu.dma_semaphore, #tpu.memory_space<semaphore_mem>>) src(%arg14 : memref<64x128xf32, #tpu.memory_space<vmem>>) dst(%dma_wait3A_643 : memref<10240x128xf32, #tpu.memory_space<vmem_shared>>)
        tpu.yield
      }) : () -> ()
      %dma_wait3A_623 = arith.constant 0 : i32
      %dma_wait3A_624 = arith.constant 0 : i32
      %dma_wait3A_625 = tpu.memref_slice %arg9[%dma_wait3A_623, %dma_wait3A_624] : memref<128x128xf32, #tpu.memory_space<vmem_shared>> -> memref<128x128xf32, #tpu.memory_space<vmem_shared>>
      tpu.wait_indirect_dma semaphore(%arg17 : memref<!tpu.dma_semaphore, #tpu.memory_space<semaphore_mem>>) src(%arg15 : memref<64x128xf32, #tpu.memory_space<vmem>>) dst(%dma_wait3A_625 : memref<128x128xf32, #tpu.memory_space<vmem_shared>>)
      %dma_wait3A_626 = arith.constant 0 : i32
      %dma_wait3A_627 = arith.constant 0 : i32
      %dma_wait3A_628 = tpu.memref_slice %arg2[%dma_wait3A_626, %dma_wait3A_627] : memref<10000x128xf32, #tpu.memory_space<hbm>> -> memref<10000x128xf32, #tpu.memory_space<hbm>>
      tpu.wait_indirect_dma semaphore(%arg24 : memref<!tpu.dma_semaphore, #tpu.memory_space<semaphore_mem>>) src(%dma_wait3A_628 : memref<10000x128xf32, #tpu.memory_space<hbm>>) dst(%arg22 : memref<64x128xf32, #tpu.memory_space<vmem>>)
      %dma_wait3A_629 = arith.constant 0 : i32
      %dma_wait3A_630 = arith.constant 0 : i32
      %dma_wait3A_631 = tpu.memref_slice %arg5[%dma_wait3A_629, %dma_wait3A_630] : memref<128x128xf32, #tpu.memory_space<hbm>> -> memref<128x128xf32, #tpu.memory_space<hbm>>
      tpu.wait_indirect_dma semaphore(%arg24 : memref<!tpu.dma_semaphore, #tpu.memory_space<semaphore_mem>>) src(%dma_wait3A_631 : memref<128x128xf32, #tpu.memory_space<hbm>>) dst(%arg23 : memref<64x128xf32, #tpu.memory_space<vmem>>)
      %dma_start3A_632 = arith.constant 0 : i32
      %dma_start3A_633 = arith.constant 0 : i32
      %dma_start3A_634 = tpu.memref_slice %arg9[%dma_start3A_632, %dma_start3A_633] : memref<128x128xf32, #tpu.memory_space<vmem_shared>> -> memref<128x128xf32, #tpu.memory_space<vmem_shared>>
      tpu.enqueue_indirect_dma source(%arg23 : memref<64x128xf32, #tpu.memory_space<vmem>>) target(%dma_start3A_634 : memref<128x128xf32, #tpu.memory_space<vmem_shared>>) offsets(%arg20 : memref<64xi32, #tpu.memory_space<vmem>>) semaphore(%arg25 : memref<!tpu.dma_semaphore, #tpu.memory_space<semaphore_mem>>) {add = true}
      "tpu.region"() ({
        %run_scoped3A = tpu.sem_alloc : memref<!tpu.dma_semaphore, #tpu.memory_space<semaphore_mem>>
        %dma_start3A_638 = arith.constant 0 : i32
        %dma_start3A_639 = arith.constant 0 : i32
        %dma_start3A_640 = tpu.memref_slice %arg8[%dma_start3A_638, %dma_start3A_639] : memref<10240x128xf32, #tpu.memory_space<vmem_shared>> -> memref<10240x128xf32, #tpu.memory_space<vmem_shared>>
        tpu.enqueue_indirect_dma source(%arg22 : memref<64x128xf32, #tpu.memory_space<vmem>>) target(%dma_start3A_640 : memref<10240x128xf32, #tpu.memory_space<vmem_shared>>) offsets(%arg19 : memref<64xi32, #tpu.memory_space<vmem>>) semaphore(%run_scoped3A : memref<!tpu.dma_semaphore, #tpu.memory_space<semaphore_mem>>) {add = true}
        %dma_wait3A_641 = arith.constant 0 : i32
        %dma_wait3A_642 = arith.constant 0 : i32
        %dma_wait3A_643 = tpu.memref_slice %arg8[%dma_wait3A_641, %dma_wait3A_642] : memref<10240x128xf32, #tpu.memory_space<vmem_shared>> -> memref<10240x128xf32, #tpu.memory_space<vmem_shared>>
        tpu.wait_indirect_dma semaphore(%run_scoped3A : memref<!tpu.dma_semaphore, #tpu.memory_space<semaphore_mem>>) src(%arg22 : memref<64x128xf32, #tpu.memory_space<vmem>>) dst(%dma_wait3A_643 : memref<10240x128xf32, #tpu.memory_space<vmem_shared>>)
        tpu.yield
      }) : () -> ()
      %dma_wait3A_635 = arith.constant 0 : i32
      %dma_wait3A_636 = arith.constant 0 : i32
      %dma_wait3A_637 = tpu.memref_slice %arg9[%dma_wait3A_635, %dma_wait3A_636] : memref<128x128xf32, #tpu.memory_space<vmem_shared>> -> memref<128x128xf32, #tpu.memory_space<vmem_shared>>
      tpu.wait_indirect_dma semaphore(%arg25 : memref<!tpu.dma_semaphore, #tpu.memory_space<semaphore_mem>>) src(%arg23 : memref<64x128xf32, #tpu.memory_space<vmem>>) dst(%dma_wait3A_637 : memref<128x128xf32, #tpu.memory_space<vmem_shared>>)
    } else {
    }
    %barrier3A_155 = arith.constant 0 : index
    tpu.barrier barrier_id(%barrier3A_155)
    %add3A_156 = arith.constant 0 : i32
    %add3A_157 = arith.addi %mul3A_0, %add3A_156 : i32
    %dma_start3A_158 = arith.constant 0 : i32
    %dma_start3A_159 = tpu.memref_slice %arg8[%add3A_157, %dma_start3A_158] : memref<10240x128xf32, #tpu.memory_space<vmem_shared>> -> memref<64x128xf32, #tpu.memory_space<vmem_shared>>
    %dma_start3A_160 = arith.constant 0 : i32
    %dma_start3A_161 = tpu.memref_slice %arg8[%add3A_157, %dma_start3A_160] : memref<10240x128xf32, #tpu.memory_space<vmem_shared>> -> memref<64x128xf32, #tpu.memory_space<vmem_shared>>
    tpu.enqueue_dma source(%dma_start3A_161 : memref<64x128xf32, #tpu.memory_space<vmem_shared>>) target(%arg14 : memref<64x128xf32, #tpu.memory_space<vmem>>) target_semaphore(%arg16 : memref<!tpu.dma_semaphore, #tpu.memory_space<semaphore_mem>>)
    %add3A_162 = arith.constant 64 : i32
    %add3A_163 = arith.addi %mul3A_0, %add3A_162 : i32
    %dma_start3A_164 = arith.constant 0 : i32
    %dma_start3A_165 = tpu.memref_slice %arg8[%add3A_163, %dma_start3A_164] : memref<10240x128xf32, #tpu.memory_space<vmem_shared>> -> memref<64x128xf32, #tpu.memory_space<vmem_shared>>
    %dma_start3A_166 = arith.constant 0 : i32
    %dma_start3A_167 = tpu.memref_slice %arg8[%add3A_163, %dma_start3A_166] : memref<10240x128xf32, #tpu.memory_space<vmem_shared>> -> memref<64x128xf32, #tpu.memory_space<vmem_shared>>
    tpu.enqueue_dma source(%dma_start3A_167 : memref<64x128xf32, #tpu.memory_space<vmem_shared>>) target(%arg22 : memref<64x128xf32, #tpu.memory_space<vmem>>) target_semaphore(%arg24 : memref<!tpu.dma_semaphore, #tpu.memory_space<semaphore_mem>>)
    %add3A_168 = arith.constant 0 : i32
    %add3A_169 = arith.addi %mul3A_0, %add3A_168 : i32
    %dma_wait3A_170 = arith.constant 0 : i32
    %dma_wait3A_171 = tpu.memref_slice %arg8[%add3A_169, %dma_wait3A_170] : memref<10240x128xf32, #tpu.memory_space<vmem_shared>> -> memref<64x128xf32, #tpu.memory_space<vmem_shared>>
    %dma_wait3A_172 = arith.constant 0 : i32
    %dma_wait3A_173 = tpu.memref_slice %arg8[%add3A_169, %dma_wait3A_172] : memref<10240x128xf32, #tpu.memory_space<vmem_shared>> -> memref<64x128xf32, #tpu.memory_space<vmem_shared>>
    tpu.wait_dma2 semaphore(%arg16 : memref<!tpu.dma_semaphore, #tpu.memory_space<semaphore_mem>>) src(%dma_wait3A_173 : memref<64x128xf32, #tpu.memory_space<vmem_shared>>) dst(%arg14 : memref<64x128xf32, #tpu.memory_space<vmem>>)
    %add3A_174 = arith.constant 0 : i32
    %add3A_175 = arith.addi %mul3A_0, %add3A_174 : i32
    %dma_start3A_176 = arith.constant 0 : i32
    %dma_start3A_177 = tpu.memref_slice %arg6[%arg0, %add3A_175, %dma_start3A_176] : memref<2x10240x128xf32, #tpu.memory_space<hbm>> -> memref<1x64x128xf32, #tpu.memory_space<hbm>>
    %dma_start3A_178 = tpu.memref_squeeze %dma_start3A_177 : memref<1x64x128xf32, #tpu.memory_space<hbm>> -> memref<64x128xf32, #tpu.memory_space<hbm>>
    %dma_start3A_179 = arith.constant 0 : i32
    %dma_start3A_180 = tpu.memref_slice %arg6[%arg0, %add3A_175, %dma_start3A_179] : memref<2x10240x128xf32, #tpu.memory_space<hbm>> -> memref<1x64x128xf32, #tpu.memory_space<hbm>>
    %dma_start3A_181 = tpu.memref_squeeze %dma_start3A_180 : memref<1x64x128xf32, #tpu.memory_space<hbm>> -> memref<64x128xf32, #tpu.memory_space<hbm>>
    tpu.enqueue_dma source(%arg14 : memref<64x128xf32, #tpu.memory_space<vmem>>) target(%dma_start3A_181 : memref<64x128xf32, #tpu.memory_space<hbm>>) target_semaphore(%arg17 : memref<!tpu.dma_semaphore, #tpu.memory_space<semaphore_mem>>)
    %add3A_182 = arith.constant 0 : i32
    %add3A_183 = arith.addi %mul3A_0, %add3A_182 : i32
    %dma_wait3A_184 = arith.constant 0 : i32
    %dma_wait3A_185 = tpu.memref_slice %arg6[%arg0, %add3A_183, %dma_wait3A_184] : memref<2x10240x128xf32, #tpu.memory_space<hbm>> -> memref<1x64x128xf32, #tpu.memory_space<hbm>>
    %dma_wait3A_186 = tpu.memref_squeeze %dma_wait3A_185 : memref<1x64x128xf32, #tpu.memory_space<hbm>> -> memref<64x128xf32, #tpu.memory_space<hbm>>
    %dma_wait3A_187 = arith.constant 0 : i32
    %dma_wait3A_188 = tpu.memref_slice %arg6[%arg0, %add3A_183, %dma_wait3A_187] : memref<2x10240x128xf32, #tpu.memory_space<hbm>> -> memref<1x64x128xf32, #tpu.memory_space<hbm>>
    %dma_wait3A_189 = tpu.memref_squeeze %dma_wait3A_188 : memref<1x64x128xf32, #tpu.memory_space<hbm>> -> memref<64x128xf32, #tpu.memory_space<hbm>>
    tpu.wait_dma2 semaphore(%arg17 : memref<!tpu.dma_semaphore, #tpu.memory_space<semaphore_mem>>) src(%arg14 : memref<64x128xf32, #tpu.memory_space<vmem>>) dst(%dma_wait3A_189 : memref<64x128xf32, #tpu.memory_space<hbm>>)
    %add3A_190 = arith.constant 128 : i32
    %add3A_191 = arith.addi %mul3A_0, %add3A_190 : i32
    %dma_start3A_192 = arith.constant 0 : i32
    %dma_start3A_193 = tpu.memref_slice %arg8[%add3A_191, %dma_start3A_192] : memref<10240x128xf32, #tpu.memory_space<vmem_shared>> -> memref<64x128xf32, #tpu.memory_space<vmem_shared>>
    %dma_start3A_194 = arith.constant 0 : i32
    %dma_start3A_195 = tpu.memref_slice %arg8[%add3A_191, %dma_start3A_194] : memref<10240x128xf32, #tpu.memory_space<vmem_shared>> -> memref<64x128xf32, #tpu.memory_space<vmem_shared>>
    tpu.enqueue_dma source(%dma_start3A_195 : memref<64x128xf32, #tpu.memory_space<vmem_shared>>) target(%arg14 : memref<64x128xf32, #tpu.memory_space<vmem>>) target_semaphore(%arg16 : memref<!tpu.dma_semaphore, #tpu.memory_space<semaphore_mem>>)
    %add3A_196 = arith.constant 64 : i32
    %add3A_197 = arith.addi %mul3A_0, %add3A_196 : i32
    %dma_wait3A_198 = arith.constant 0 : i32
    %dma_wait3A_199 = tpu.memref_slice %arg8[%add3A_197, %dma_wait3A_198] : memref<10240x128xf32, #tpu.memory_space<vmem_shared>> -> memref<64x128xf32, #tpu.memory_space<vmem_shared>>
    %dma_wait3A_200 = arith.constant 0 : i32
    %dma_wait3A_201 = tpu.memref_slice %arg8[%add3A_197, %dma_wait3A_200] : memref<10240x128xf32, #tpu.memory_space<vmem_shared>> -> memref<64x128xf32, #tpu.memory_space<vmem_shared>>
    tpu.wait_dma2 semaphore(%arg24 : memref<!tpu.dma_semaphore, #tpu.memory_space<semaphore_mem>>) src(%dma_wait3A_201 : memref<64x128xf32, #tpu.memory_space<vmem_shared>>) dst(%arg22 : memref<64x128xf32, #tpu.memory_space<vmem>>)
    %add3A_202 = arith.constant 64 : i32
    %add3A_203 = arith.addi %mul3A_0, %add3A_202 : i32
    %dma_start3A_204 = arith.constant 0 : i32
    %dma_start3A_205 = tpu.memref_slice %arg6[%arg0, %add3A_203, %dma_start3A_204] : memref<2x10240x128xf32, #tpu.memory_space<hbm>> -> memref<1x64x128xf32, #tpu.memory_space<hbm>>
    %dma_start3A_206 = tpu.memref_squeeze %dma_start3A_205 : memref<1x64x128xf32, #tpu.memory_space<hbm>> -> memref<64x128xf32, #tpu.memory_space<hbm>>
    %dma_start3A_207 = arith.constant 0 : i32
    %dma_start3A_208 = tpu.memref_slice %arg6[%arg0, %add3A_203, %dma_start3A_207] : memref<2x10240x128xf32, #tpu.memory_space<hbm>> -> memref<1x64x128xf32, #tpu.memory_space<hbm>>
    %dma_start3A_209 = tpu.memref_squeeze %dma_start3A_208 : memref<1x64x128xf32, #tpu.memory_space<hbm>> -> memref<64x128xf32, #tpu.memory_space<hbm>>
    tpu.enqueue_dma source(%arg22 : memref<64x128xf32, #tpu.memory_space<vmem>>) target(%dma_start3A_209 : memref<64x128xf32, #tpu.memory_space<hbm>>) target_semaphore(%arg25 : memref<!tpu.dma_semaphore, #tpu.memory_space<semaphore_mem>>)
    %add3A_210 = arith.constant 64 : i32
    %add3A_211 = arith.addi %mul3A_0, %add3A_210 : i32
    %dma_wait3A_212 = arith.constant 0 : i32
    %dma_wait3A_213 = tpu.memref_slice %arg6[%arg0, %add3A_211, %dma_wait3A_212] : memref<2x10240x128xf32, #tpu.memory_space<hbm>> -> memref<1x64x128xf32, #tpu.memory_space<hbm>>
    %dma_wait3A_214 = tpu.memref_squeeze %dma_wait3A_213 : memref<1x64x128xf32, #tpu.memory_space<hbm>> -> memref<64x128xf32, #tpu.memory_space<hbm>>
    %dma_wait3A_215 = arith.constant 0 : i32
    %dma_wait3A_216 = tpu.memref_slice %arg6[%arg0, %add3A_211, %dma_wait3A_215] : memref<2x10240x128xf32, #tpu.memory_space<hbm>> -> memref<1x64x128xf32, #tpu.memory_space<hbm>>
    %dma_wait3A_217 = tpu.memref_squeeze %dma_wait3A_216 : memref<1x64x128xf32, #tpu.memory_space<hbm>> -> memref<64x128xf32, #tpu.memory_space<hbm>>
    tpu.wait_dma2 semaphore(%arg25 : memref<!tpu.dma_semaphore, #tpu.memory_space<semaphore_mem>>) src(%arg22 : memref<64x128xf32, #tpu.memory_space<vmem>>) dst(%dma_wait3A_217 : memref<64x128xf32, #tpu.memory_space<hbm>>)
    %add3A_218 = arith.constant 192 : i32
    %add3A_219 = arith.addi %mul3A_0, %add3A_218 : i32
    %dma_start3A_220 = arith.constant 0 : i32
    %dma_start3A_221 = tpu.memref_slice %arg8[%add3A_219, %dma_start3A_220] : memref<10240x128xf32, #tpu.memory_space<vmem_shared>> -> memref<64x128xf32, #tpu.memory_space<vmem_shared>>
    %dma_start3A_222 = arith.constant 0 : i32
    %dma_start3A_223 = tpu.memref_slice %arg8[%add3A_219, %dma_start3A_222] : memref<10240x128xf32, #tpu.memory_space<vmem_shared>> -> memref<64x128xf32, #tpu.memory_space<vmem_shared>>
    tpu.enqueue_dma source(%dma_start3A_223 : memref<64x128xf32, #tpu.memory_space<vmem_shared>>) target(%arg22 : memref<64x128xf32, #tpu.memory_space<vmem>>) target_semaphore(%arg24 : memref<!tpu.dma_semaphore, #tpu.memory_space<semaphore_mem>>)
    %add3A_224 = arith.constant 128 : i32
    %add3A_225 = arith.addi %mul3A_0, %add3A_224 : i32
    %dma_wait3A_226 = arith.constant 0 : i32
    %dma_wait3A_227 = tpu.memref_slice %arg8[%add3A_225, %dma_wait3A_226] : memref<10240x128xf32, #tpu.memory_space<vmem_shared>> -> memref<64x128xf32, #tpu.memory_space<vmem_shared>>
    %dma_wait3A_228 = arith.constant 0 : i32
    %dma_wait3A_229 = tpu.memref_slice %arg8[%add3A_225, %dma_wait3A_228] : memref<10240x128xf32, #tpu.memory_space<vmem_shared>> -> memref<64x128xf32, #tpu.memory_space<vmem_shared>>
    tpu.wait_dma2 semaphore(%arg16 : memref<!tpu.dma_semaphore, #tpu.memory_space<semaphore_mem>>) src(%dma_wait3A_229 : memref<64x128xf32, #tpu.memory_space<vmem_shared>>) dst(%arg14 : memref<64x128xf32, #tpu.memory_space<vmem>>)
    %add3A_230 = arith.constant 128 : i32
    %add3A_231 = arith.addi %mul3A_0, %add3A_230 : i32
    %dma_start3A_232 = arith.constant 0 : i32
    %dma_start3A_233 = tpu.memref_slice %arg6[%arg0, %add3A_231, %dma_start3A_232] : memref<2x10240x128xf32, #tpu.memory_space<hbm>> -> memref<1x64x128xf32, #tpu.memory_space<hbm>>
    %dma_start3A_234 = tpu.memref_squeeze %dma_start3A_233 : memref<1x64x128xf32, #tpu.memory_space<hbm>> -> memref<64x128xf32, #tpu.memory_space<hbm>>
    %dma_start3A_235 = arith.constant 0 : i32
    %dma_start3A_236 = tpu.memref_slice %arg6[%arg0, %add3A_231, %dma_start3A_235] : memref<2x10240x128xf32, #tpu.memory_space<hbm>> -> memref<1x64x128xf32, #tpu.memory_space<hbm>>
    %dma_start3A_237 = tpu.memref_squeeze %dma_start3A_236 : memref<1x64x128xf32, #tpu.memory_space<hbm>> -> memref<64x128xf32, #tpu.memory_space<hbm>>
    tpu.enqueue_dma source(%arg14 : memref<64x128xf32, #tpu.memory_space<vmem>>) target(%dma_start3A_237 : memref<64x128xf32, #tpu.memory_space<hbm>>) target_semaphore(%arg17 : memref<!tpu.dma_semaphore, #tpu.memory_space<semaphore_mem>>)
    %add3A_238 = arith.constant 128 : i32
    %add3A_239 = arith.addi %mul3A_0, %add3A_238 : i32
    %dma_wait3A_240 = arith.constant 0 : i32
    %dma_wait3A_241 = tpu.memref_slice %arg6[%arg0, %add3A_239, %dma_wait3A_240] : memref<2x10240x128xf32, #tpu.memory_space<hbm>> -> memref<1x64x128xf32, #tpu.memory_space<hbm>>
    %dma_wait3A_242 = tpu.memref_squeeze %dma_wait3A_241 : memref<1x64x128xf32, #tpu.memory_space<hbm>> -> memref<64x128xf32, #tpu.memory_space<hbm>>
    %dma_wait3A_243 = arith.constant 0 : i32
    %dma_wait3A_244 = tpu.memref_slice %arg6[%arg0, %add3A_239, %dma_wait3A_243] : memref<2x10240x128xf32, #tpu.memory_space<hbm>> -> memref<1x64x128xf32, #tpu.memory_space<hbm>>
    %dma_wait3A_245 = tpu.memref_squeeze %dma_wait3A_244 : memref<1x64x128xf32, #tpu.memory_space<hbm>> -> memref<64x128xf32, #tpu.memory_space<hbm>>
    tpu.wait_dma2 semaphore(%arg17 : memref<!tpu.dma_semaphore, #tpu.memory_space<semaphore_mem>>) src(%arg14 : memref<64x128xf32, #tpu.memory_space<vmem>>) dst(%dma_wait3A_245 : memref<64x128xf32, #tpu.memory_space<hbm>>)
    %add3A_246 = arith.constant 256 : i32
    %add3A_247 = arith.addi %mul3A_0, %add3A_246 : i32
    %dma_start3A_248 = arith.constant 0 : i32
    %dma_start3A_249 = tpu.memref_slice %arg8[%add3A_247, %dma_start3A_248] : memref<10240x128xf32, #tpu.memory_space<vmem_shared>> -> memref<64x128xf32, #tpu.memory_space<vmem_shared>>
    %dma_start3A_250 = arith.constant 0 : i32
    %dma_start3A_251 = tpu.memref_slice %arg8[%add3A_247, %dma_start3A_250] : memref<10240x128xf32, #tpu.memory_space<vmem_shared>> -> memref<64x128xf32, #tpu.memory_space<vmem_shared>>
    tpu.enqueue_dma source(%dma_start3A_251 : memref<64x128xf32, #tpu.memory_space<vmem_shared>>) target(%arg14 : memref<64x128xf32, #tpu.memory_space<vmem>>) target_semaphore(%arg16 : memref<!tpu.dma_semaphore, #tpu.memory_space<semaphore_mem>>)
    %add3A_252 = arith.constant 192 : i32
    %add3A_253 = arith.addi %mul3A_0, %add3A_252 : i32
    %dma_wait3A_254 = arith.constant 0 : i32
    %dma_wait3A_255 = tpu.memref_slice %arg8[%add3A_253, %dma_wait3A_254] : memref<10240x128xf32, #tpu.memory_space<vmem_shared>> -> memref<64x128xf32, #tpu.memory_space<vmem_shared>>
    %dma_wait3A_256 = arith.constant 0 : i32
    %dma_wait3A_257 = tpu.memref_slice %arg8[%add3A_253, %dma_wait3A_256] : memref<10240x128xf32, #tpu.memory_space<vmem_shared>> -> memref<64x128xf32, #tpu.memory_space<vmem_shared>>
    tpu.wait_dma2 semaphore(%arg24 : memref<!tpu.dma_semaphore, #tpu.memory_space<semaphore_mem>>) src(%dma_wait3A_257 : memref<64x128xf32, #tpu.memory_space<vmem_shared>>) dst(%arg22 : memref<64x128xf32, #tpu.memory_space<vmem>>)
    %add3A_258 = arith.constant 192 : i32
    %add3A_259 = arith.addi %mul3A_0, %add3A_258 : i32
    %dma_start3A_260 = arith.constant 0 : i32
    %dma_start3A_261 = tpu.memref_slice %arg6[%arg0, %add3A_259, %dma_start3A_260] : memref<2x10240x128xf32, #tpu.memory_space<hbm>> -> memref<1x64x128xf32, #tpu.memory_space<hbm>>
    %dma_start3A_262 = tpu.memref_squeeze %dma_start3A_261 : memref<1x64x128xf32, #tpu.memory_space<hbm>> -> memref<64x128xf32, #tpu.memory_space<hbm>>
    %dma_start3A_263 = arith.constant 0 : i32
    %dma_start3A_264 = tpu.memref_slice %arg6[%arg0, %add3A_259, %dma_start3A_263] : memref<2x10240x128xf32, #tpu.memory_space<hbm>> -> memref<1x64x128xf32, #tpu.memory_space<hbm>>
    %dma_start3A_265 = tpu.memref_squeeze %dma_start3A_264 : memref<1x64x128xf32, #tpu.memory_space<hbm>> -> memref<64x128xf32, #tpu.memory_space<hbm>>
    tpu.enqueue_dma source(%arg22 : memref<64x128xf32, #tpu.memory_space<vmem>>) target(%dma_start3A_265 : memref<64x128xf32, #tpu.memory_space<hbm>>) target_semaphore(%arg25 : memref<!tpu.dma_semaphore, #tpu.memory_space<semaphore_mem>>)
    %add3A_266 = arith.constant 192 : i32
    %add3A_267 = arith.addi %mul3A_0, %add3A_266 : i32
    %dma_wait3A_268 = arith.constant 0 : i32
    %dma_wait3A_269 = tpu.memref_slice %arg6[%arg0, %add3A_267, %dma_wait3A_268] : memref<2x10240x128xf32, #tpu.memory_space<hbm>> -> memref<1x64x128xf32, #tpu.memory_space<hbm>>
    %dma_wait3A_270 = tpu.memref_squeeze %dma_wait3A_269 : memref<1x64x128xf32, #tpu.memory_space<hbm>> -> memref<64x128xf32, #tpu.memory_space<hbm>>
    %dma_wait3A_271 = arith.constant 0 : i32
    %dma_wait3A_272 = tpu.memref_slice %arg6[%arg0, %add3A_267, %dma_wait3A_271] : memref<2x10240x128xf32, #tpu.memory_space<hbm>> -> memref<1x64x128xf32, #tpu.memory_space<hbm>>
    %dma_wait3A_273 = tpu.memref_squeeze %dma_wait3A_272 : memref<1x64x128xf32, #tpu.memory_space<hbm>> -> memref<64x128xf32, #tpu.memory_space<hbm>>
    tpu.wait_dma2 semaphore(%arg25 : memref<!tpu.dma_semaphore, #tpu.memory_space<semaphore_mem>>) src(%arg22 : memref<64x128xf32, #tpu.memory_space<vmem>>) dst(%dma_wait3A_273 : memref<64x128xf32, #tpu.memory_space<hbm>>)
    %add3A_274 = arith.constant 320 : i32
    %add3A_275 = arith.addi %mul3A_0, %add3A_274 : i32
    %dma_start3A_276 = arith.constant 0 : i32
    %dma_start3A_277 = tpu.memref_slice %arg8[%add3A_275, %dma_start3A_276] : memref<10240x128xf32, #tpu.memory_space<vmem_shared>> -> memref<64x128xf32, #tpu.memory_space<vmem_shared>>
    %dma_start3A_278 = arith.constant 0 : i32
    %dma_start3A_279 = tpu.memref_slice %arg8[%add3A_275, %dma_start3A_278] : memref<10240x128xf32, #tpu.memory_space<vmem_shared>> -> memref<64x128xf32, #tpu.memory_space<vmem_shared>>
    tpu.enqueue_dma source(%dma_start3A_279 : memref<64x128xf32, #tpu.memory_space<vmem_shared>>) target(%arg22 : memref<64x128xf32, #tpu.memory_space<vmem>>) target_semaphore(%arg24 : memref<!tpu.dma_semaphore, #tpu.memory_space<semaphore_mem>>)
    %add3A_280 = arith.constant 256 : i32
    %add3A_281 = arith.addi %mul3A_0, %add3A_280 : i32
    %dma_wait3A_282 = arith.constant 0 : i32
    %dma_wait3A_283 = tpu.memref_slice %arg8[%add3A_281, %dma_wait3A_282] : memref<10240x128xf32, #tpu.memory_space<vmem_shared>> -> memref<64x128xf32, #tpu.memory_space<vmem_shared>>
    %dma_wait3A_284 = arith.constant 0 : i32
    %dma_wait3A_285 = tpu.memref_slice %arg8[%add3A_281, %dma_wait3A_284] : memref<10240x128xf32, #tpu.memory_space<vmem_shared>> -> memref<64x128xf32, #tpu.memory_space<vmem_shared>>
    tpu.wait_dma2 semaphore(%arg16 : memref<!tpu.dma_semaphore, #tpu.memory_space<semaphore_mem>>) src(%dma_wait3A_285 : memref<64x128xf32, #tpu.memory_space<vmem_shared>>) dst(%arg14 : memref<64x128xf32, #tpu.memory_space<vmem>>)
    %add3A_286 = arith.constant 256 : i32
    %add3A_287 = arith.addi %mul3A_0, %add3A_286 : i32
    %dma_start3A_288 = arith.constant 0 : i32
    %dma_start3A_289 = tpu.memref_slice %arg6[%arg0, %add3A_287, %dma_start3A_288] : memref<2x10240x128xf32, #tpu.memory_space<hbm>> -> memref<1x64x128xf32, #tpu.memory_space<hbm>>
    %dma_start3A_290 = tpu.memref_squeeze %dma_start3A_289 : memref<1x64x128xf32, #tpu.memory_space<hbm>> -> memref<64x128xf32, #tpu.memory_space<hbm>>
    %dma_start3A_291 = arith.constant 0 : i32
    %dma_start3A_292 = tpu.memref_slice %arg6[%arg0, %add3A_287, %dma_start3A_291] : memref<2x10240x128xf32, #tpu.memory_space<hbm>> -> memref<1x64x128xf32, #tpu.memory_space<hbm>>
    %dma_start3A_293 = tpu.memref_squeeze %dma_start3A_292 : memref<1x64x128xf32, #tpu.memory_space<hbm>> -> memref<64x128xf32, #tpu.memory_space<hbm>>
    tpu.enqueue_dma source(%arg14 : memref<64x128xf32, #tpu.memory_space<vmem>>) target(%dma_start3A_293 : memref<64x128xf32, #tpu.memory_space<hbm>>) target_semaphore(%arg17 : memref<!tpu.dma_semaphore, #tpu.memory_space<semaphore_mem>>)
    %add3A_294 = arith.constant 256 : i32
    %add3A_295 = arith.addi %mul3A_0, %add3A_294 : i32
    %dma_wait3A_296 = arith.constant 0 : i32
    %dma_wait3A_297 = tpu.memref_slice %arg6[%arg0, %add3A_295, %dma_wait3A_296] : memref<2x10240x128xf32, #tpu.memory_space<hbm>> -> memref<1x64x128xf32, #tpu.memory_space<hbm>>
    %dma_wait3A_298 = tpu.memref_squeeze %dma_wait3A_297 : memref<1x64x128xf32, #tpu.memory_space<hbm>> -> memref<64x128xf32, #tpu.memory_space<hbm>>
    %dma_wait3A_299 = arith.constant 0 : i32
    %dma_wait3A_300 = tpu.memref_slice %arg6[%arg0, %add3A_295, %dma_wait3A_299] : memref<2x10240x128xf32, #tpu.memory_space<hbm>> -> memref<1x64x128xf32, #tpu.memory_space<hbm>>
    %dma_wait3A_301 = tpu.memref_squeeze %dma_wait3A_300 : memref<1x64x128xf32, #tpu.memory_space<hbm>> -> memref<64x128xf32, #tpu.memory_space<hbm>>
    tpu.wait_dma2 semaphore(%arg17 : memref<!tpu.dma_semaphore, #tpu.memory_space<semaphore_mem>>) src(%arg14 : memref<64x128xf32, #tpu.memory_space<vmem>>) dst(%dma_wait3A_301 : memref<64x128xf32, #tpu.memory_space<hbm>>)
    %add3A_302 = arith.constant 384 : i32
    %add3A_303 = arith.addi %mul3A_0, %add3A_302 : i32
    %dma_start3A_304 = arith.constant 0 : i32
    %dma_start3A_305 = tpu.memref_slice %arg8[%add3A_303, %dma_start3A_304] : memref<10240x128xf32, #tpu.memory_space<vmem_shared>> -> memref<64x128xf32, #tpu.memory_space<vmem_shared>>
    %dma_start3A_306 = arith.constant 0 : i32
    %dma_start3A_307 = tpu.memref_slice %arg8[%add3A_303, %dma_start3A_306] : memref<10240x128xf32, #tpu.memory_space<vmem_shared>> -> memref<64x128xf32, #tpu.memory_space<vmem_shared>>
    tpu.enqueue_dma source(%dma_start3A_307 : memref<64x128xf32, #tpu.memory_space<vmem_shared>>) target(%arg14 : memref<64x128xf32, #tpu.memory_space<vmem>>) target_semaphore(%arg16 : memref<!tpu.dma_semaphore, #tpu.memory_space<semaphore_mem>>)
    %add3A_308 = arith.constant 320 : i32
    %add3A_309 = arith.addi %mul3A_0, %add3A_308 : i32
    %dma_wait3A_310 = arith.constant 0 : i32
    %dma_wait3A_311 = tpu.memref_slice %arg8[%add3A_309, %dma_wait3A_310] : memref<10240x128xf32, #tpu.memory_space<vmem_shared>> -> memref<64x128xf32, #tpu.memory_space<vmem_shared>>
    %dma_wait3A_312 = arith.constant 0 : i32
    %dma_wait3A_313 = tpu.memref_slice %arg8[%add3A_309, %dma_wait3A_312] : memref<10240x128xf32, #tpu.memory_space<vmem_shared>> -> memref<64x128xf32, #tpu.memory_space<vmem_shared>>
    tpu.wait_dma2 semaphore(%arg24 : memref<!tpu.dma_semaphore, #tpu.memory_space<semaphore_mem>>) src(%dma_wait3A_313 : memref<64x128xf32, #tpu.memory_space<vmem_shared>>) dst(%arg22 : memref<64x128xf32, #tpu.memory_space<vmem>>)
    %add3A_314 = arith.constant 320 : i32
    %add3A_315 = arith.addi %mul3A_0, %add3A_314 : i32
    %dma_start3A_316 = arith.constant 0 : i32
    %dma_start3A_317 = tpu.memref_slice %arg6[%arg0, %add3A_315, %dma_start3A_316] : memref<2x10240x128xf32, #tpu.memory_space<hbm>> -> memref<1x64x128xf32, #tpu.memory_space<hbm>>
    %dma_start3A_318 = tpu.memref_squeeze %dma_start3A_317 : memref<1x64x128xf32, #tpu.memory_space<hbm>> -> memref<64x128xf32, #tpu.memory_space<hbm>>
    %dma_start3A_319 = arith.constant 0 : i32
    %dma_start3A_320 = tpu.memref_slice %arg6[%arg0, %add3A_315, %dma_start3A_319] : memref<2x10240x128xf32, #tpu.memory_space<hbm>> -> memref<1x64x128xf32, #tpu.memory_space<hbm>>
    %dma_start3A_321 = tpu.memref_squeeze %dma_start3A_320 : memref<1x64x128xf32, #tpu.memory_space<hbm>> -> memref<64x128xf32, #tpu.memory_space<hbm>>
    tpu.enqueue_dma source(%arg22 : memref<64x128xf32, #tpu.memory_space<vmem>>) target(%dma_start3A_321 : memref<64x128xf32, #tpu.memory_space<hbm>>) target_semaphore(%arg25 : memref<!tpu.dma_semaphore, #tpu.memory_space<semaphore_mem>>)
    %add3A_322 = arith.constant 320 : i32
    %add3A_323 = arith.addi %mul3A_0, %add3A_322 : i32
    %dma_wait3A_324 = arith.constant 0 : i32
    %dma_wait3A_325 = tpu.memref_slice %arg6[%arg0, %add3A_323, %dma_wait3A_324] : memref<2x10240x128xf32, #tpu.memory_space<hbm>> -> memref<1x64x128xf32, #tpu.memory_space<hbm>>
    %dma_wait3A_326 = tpu.memref_squeeze %dma_wait3A_325 : memref<1x64x128xf32, #tpu.memory_space<hbm>> -> memref<64x128xf32, #tpu.memory_space<hbm>>
    %dma_wait3A_327 = arith.constant 0 : i32
    %dma_wait3A_328 = tpu.memref_slice %arg6[%arg0, %add3A_323, %dma_wait3A_327] : memref<2x10240x128xf32, #tpu.memory_space<hbm>> -> memref<1x64x128xf32, #tpu.memory_space<hbm>>
    %dma_wait3A_329 = tpu.memref_squeeze %dma_wait3A_328 : memref<1x64x128xf32, #tpu.memory_space<hbm>> -> memref<64x128xf32, #tpu.memory_space<hbm>>
    tpu.wait_dma2 semaphore(%arg25 : memref<!tpu.dma_semaphore, #tpu.memory_space<semaphore_mem>>) src(%arg22 : memref<64x128xf32, #tpu.memory_space<vmem>>) dst(%dma_wait3A_329 : memref<64x128xf32, #tpu.memory_space<hbm>>)
    %add3A_330 = arith.constant 448 : i32
    %add3A_331 = arith.addi %mul3A_0, %add3A_330 : i32
    %dma_start3A_332 = arith.constant 0 : i32
    %dma_start3A_333 = tpu.memref_slice %arg8[%add3A_331, %dma_start3A_332] : memref<10240x128xf32, #tpu.memory_space<vmem_shared>> -> memref<64x128xf32, #tpu.memory_space<vmem_shared>>
    %dma_start3A_334 = arith.constant 0 : i32
    %dma_start3A_335 = tpu.memref_slice %arg8[%add3A_331, %dma_start3A_334] : memref<10240x128xf32, #tpu.memory_space<vmem_shared>> -> memref<64x128xf32, #tpu.memory_space<vmem_shared>>
    tpu.enqueue_dma source(%dma_start3A_335 : memref<64x128xf32, #tpu.memory_space<vmem_shared>>) target(%arg22 : memref<64x128xf32, #tpu.memory_space<vmem>>) target_semaphore(%arg24 : memref<!tpu.dma_semaphore, #tpu.memory_space<semaphore_mem>>)
    %add3A_336 = arith.constant 384 : i32
    %add3A_337 = arith.addi %mul3A_0, %add3A_336 : i32
    %dma_wait3A_338 = arith.constant 0 : i32
    %dma_wait3A_339 = tpu.memref_slice %arg8[%add3A_337, %dma_wait3A_338] : memref<10240x128xf32, #tpu.memory_space<vmem_shared>> -> memref<64x128xf32, #tpu.memory_space<vmem_shared>>
    %dma_wait3A_340 = arith.constant 0 : i32
    %dma_wait3A_341 = tpu.memref_slice %arg8[%add3A_337, %dma_wait3A_340] : memref<10240x128xf32, #tpu.memory_space<vmem_shared>> -> memref<64x128xf32, #tpu.memory_space<vmem_shared>>
    tpu.wait_dma2 semaphore(%arg16 : memref<!tpu.dma_semaphore, #tpu.memory_space<semaphore_mem>>) src(%dma_wait3A_341 : memref<64x128xf32, #tpu.memory_space<vmem_shared>>) dst(%arg14 : memref<64x128xf32, #tpu.memory_space<vmem>>)
    %add3A_342 = arith.constant 384 : i32
    %add3A_343 = arith.addi %mul3A_0, %add3A_342 : i32
    %dma_start3A_344 = arith.constant 0 : i32
    %dma_start3A_345 = tpu.memref_slice %arg6[%arg0, %add3A_343, %dma_start3A_344] : memref<2x10240x128xf32, #tpu.memory_space<hbm>> -> memref<1x64x128xf32, #tpu.memory_space<hbm>>
    %dma_start3A_346 = tpu.memref_squeeze %dma_start3A_345 : memref<1x64x128xf32, #tpu.memory_space<hbm>> -> memref<64x128xf32, #tpu.memory_space<hbm>>
    %dma_start3A_347 = arith.constant 0 : i32
    %dma_start3A_348 = tpu.memref_slice %arg6[%arg0, %add3A_343, %dma_start3A_347] : memref<2x10240x128xf32, #tpu.memory_space<hbm>> -> memref<1x64x128xf32, #tpu.memory_space<hbm>>
    %dma_start3A_349 = tpu.memref_squeeze %dma_start3A_348 : memref<1x64x128xf32, #tpu.memory_space<hbm>> -> memref<64x128xf32, #tpu.memory_space<hbm>>
    tpu.enqueue_dma source(%arg14 : memref<64x128xf32, #tpu.memory_space<vmem>>) target(%dma_start3A_349 : memref<64x128xf32, #tpu.memory_space<hbm>>) target_semaphore(%arg17 : memref<!tpu.dma_semaphore, #tpu.memory_space<semaphore_mem>>)
    %add3A_350 = arith.constant 384 : i32
    %add3A_351 = arith.addi %mul3A_0, %add3A_350 : i32
    %dma_wait3A_352 = arith.constant 0 : i32
    %dma_wait3A_353 = tpu.memref_slice %arg6[%arg0, %add3A_351, %dma_wait3A_352] : memref<2x10240x128xf32, #tpu.memory_space<hbm>> -> memref<1x64x128xf32, #tpu.memory_space<hbm>>
    %dma_wait3A_354 = tpu.memref_squeeze %dma_wait3A_353 : memref<1x64x128xf32, #tpu.memory_space<hbm>> -> memref<64x128xf32, #tpu.memory_space<hbm>>
    %dma_wait3A_355 = arith.constant 0 : i32
    %dma_wait3A_356 = tpu.memref_slice %arg6[%arg0, %add3A_351, %dma_wait3A_355] : memref<2x10240x128xf32, #tpu.memory_space<hbm>> -> memref<1x64x128xf32, #tpu.memory_space<hbm>>
    %dma_wait3A_357 = tpu.memref_squeeze %dma_wait3A_356 : memref<1x64x128xf32, #tpu.memory_space<hbm>> -> memref<64x128xf32, #tpu.memory_space<hbm>>
    tpu.wait_dma2 semaphore(%arg17 : memref<!tpu.dma_semaphore, #tpu.memory_space<semaphore_mem>>) src(%arg14 : memref<64x128xf32, #tpu.memory_space<vmem>>) dst(%dma_wait3A_357 : memref<64x128xf32, #tpu.memory_space<hbm>>)
    %add3A_358 = arith.constant 512 : i32
    %add3A_359 = arith.addi %mul3A_0, %add3A_358 : i32
    %dma_start3A_360 = arith.constant 0 : i32
    %dma_start3A_361 = tpu.memref_slice %arg8[%add3A_359, %dma_start3A_360] : memref<10240x128xf32, #tpu.memory_space<vmem_shared>> -> memref<64x128xf32, #tpu.memory_space<vmem_shared>>
    %dma_start3A_362 = arith.constant 0 : i32
    %dma_start3A_363 = tpu.memref_slice %arg8[%add3A_359, %dma_start3A_362] : memref<10240x128xf32, #tpu.memory_space<vmem_shared>> -> memref<64x128xf32, #tpu.memory_space<vmem_shared>>
    tpu.enqueue_dma source(%dma_start3A_363 : memref<64x128xf32, #tpu.memory_space<vmem_shared>>) target(%arg14 : memref<64x128xf32, #tpu.memory_space<vmem>>) target_semaphore(%arg16 : memref<!tpu.dma_semaphore, #tpu.memory_space<semaphore_mem>>)
    %add3A_364 = arith.constant 448 : i32
    %add3A_365 = arith.addi %mul3A_0, %add3A_364 : i32
    %dma_wait3A_366 = arith.constant 0 : i32
    %dma_wait3A_367 = tpu.memref_slice %arg8[%add3A_365, %dma_wait3A_366] : memref<10240x128xf32, #tpu.memory_space<vmem_shared>> -> memref<64x128xf32, #tpu.memory_space<vmem_shared>>
    %dma_wait3A_368 = arith.constant 0 : i32
    %dma_wait3A_369 = tpu.memref_slice %arg8[%add3A_365, %dma_wait3A_368] : memref<10240x128xf32, #tpu.memory_space<vmem_shared>> -> memref<64x128xf32, #tpu.memory_space<vmem_shared>>
    tpu.wait_dma2 semaphore(%arg24 : memref<!tpu.dma_semaphore, #tpu.memory_space<semaphore_mem>>) src(%dma_wait3A_369 : memref<64x128xf32, #tpu.memory_space<vmem_shared>>) dst(%arg22 : memref<64x128xf32, #tpu.memory_space<vmem>>)
    %add3A_370 = arith.constant 448 : i32
    %add3A_371 = arith.addi %mul3A_0, %add3A_370 : i32
    %dma_start3A_372 = arith.constant 0 : i32
    %dma_start3A_373 = tpu.memref_slice %arg6[%arg0, %add3A_371, %dma_start3A_372] : memref<2x10240x128xf32, #tpu.memory_space<hbm>> -> memref<1x64x128xf32, #tpu.memory_space<hbm>>
    %dma_start3A_374 = tpu.memref_squeeze %dma_start3A_373 : memref<1x64x128xf32, #tpu.memory_space<hbm>> -> memref<64x128xf32, #tpu.memory_space<hbm>>
    %dma_start3A_375 = arith.constant 0 : i32
    %dma_start3A_376 = tpu.memref_slice %arg6[%arg0, %add3A_371, %dma_start3A_375] : memref<2x10240x128xf32, #tpu.memory_space<hbm>> -> memref<1x64x128xf32, #tpu.memory_space<hbm>>
    %dma_start3A_377 = tpu.memref_squeeze %dma_start3A_376 : memref<1x64x128xf32, #tpu.memory_space<hbm>> -> memref<64x128xf32, #tpu.memory_space<hbm>>
    tpu.enqueue_dma source(%arg22 : memref<64x128xf32, #tpu.memory_space<vmem>>) target(%dma_start3A_377 : memref<64x128xf32, #tpu.memory_space<hbm>>) target_semaphore(%arg25 : memref<!tpu.dma_semaphore, #tpu.memory_space<semaphore_mem>>)
    %add3A_378 = arith.constant 448 : i32
    %add3A_379 = arith.addi %mul3A_0, %add3A_378 : i32
    %dma_wait3A_380 = arith.constant 0 : i32
    %dma_wait3A_381 = tpu.memref_slice %arg6[%arg0, %add3A_379, %dma_wait3A_380] : memref<2x10240x128xf32, #tpu.memory_space<hbm>> -> memref<1x64x128xf32, #tpu.memory_space<hbm>>
    %dma_wait3A_382 = tpu.memref_squeeze %dma_wait3A_381 : memref<1x64x128xf32, #tpu.memory_space<hbm>> -> memref<64x128xf32, #tpu.memory_space<hbm>>
    %dma_wait3A_383 = arith.constant 0 : i32
    %dma_wait3A_384 = tpu.memref_slice %arg6[%arg0, %add3A_379, %dma_wait3A_383] : memref<2x10240x128xf32, #tpu.memory_space<hbm>> -> memref<1x64x128xf32, #tpu.memory_space<hbm>>
    %dma_wait3A_385 = tpu.memref_squeeze %dma_wait3A_384 : memref<1x64x128xf32, #tpu.memory_space<hbm>> -> memref<64x128xf32, #tpu.memory_space<hbm>>
    tpu.wait_dma2 semaphore(%arg25 : memref<!tpu.dma_semaphore, #tpu.memory_space<semaphore_mem>>) src(%arg22 : memref<64x128xf32, #tpu.memory_space<vmem>>) dst(%dma_wait3A_385 : memref<64x128xf32, #tpu.memory_space<hbm>>)
    %add3A_386 = arith.constant 576 : i32
    %add3A_387 = arith.addi %mul3A_0, %add3A_386 : i32
    %dma_start3A_388 = arith.constant 0 : i32
    %dma_start3A_389 = tpu.memref_slice %arg8[%add3A_387, %dma_start3A_388] : memref<10240x128xf32, #tpu.memory_space<vmem_shared>> -> memref<64x128xf32, #tpu.memory_space<vmem_shared>>
    %dma_start3A_390 = arith.constant 0 : i32
    %dma_start3A_391 = tpu.memref_slice %arg8[%add3A_387, %dma_start3A_390] : memref<10240x128xf32, #tpu.memory_space<vmem_shared>> -> memref<64x128xf32, #tpu.memory_space<vmem_shared>>
    tpu.enqueue_dma source(%dma_start3A_391 : memref<64x128xf32, #tpu.memory_space<vmem_shared>>) target(%arg22 : memref<64x128xf32, #tpu.memory_space<vmem>>) target_semaphore(%arg24 : memref<!tpu.dma_semaphore, #tpu.memory_space<semaphore_mem>>)
    %add3A_392 = arith.constant 512 : i32
    %add3A_393 = arith.addi %mul3A_0, %add3A_392 : i32
    %dma_wait3A_394 = arith.constant 0 : i32
    %dma_wait3A_395 = tpu.memref_slice %arg8[%add3A_393, %dma_wait3A_394] : memref<10240x128xf32, #tpu.memory_space<vmem_shared>> -> memref<64x128xf32, #tpu.memory_space<vmem_shared>>
    %dma_wait3A_396 = arith.constant 0 : i32
    %dma_wait3A_397 = tpu.memref_slice %arg8[%add3A_393, %dma_wait3A_396] : memref<10240x128xf32, #tpu.memory_space<vmem_shared>> -> memref<64x128xf32, #tpu.memory_space<vmem_shared>>
    tpu.wait_dma2 semaphore(%arg16 : memref<!tpu.dma_semaphore, #tpu.memory_space<semaphore_mem>>) src(%dma_wait3A_397 : memref<64x128xf32, #tpu.memory_space<vmem_shared>>) dst(%arg14 : memref<64x128xf32, #tpu.memory_space<vmem>>)
    %add3A_398 = arith.constant 512 : i32
    %add3A_399 = arith.addi %mul3A_0, %add3A_398 : i32
    %dma_start3A_400 = arith.constant 0 : i32
    %dma_start3A_401 = tpu.memref_slice %arg6[%arg0, %add3A_399, %dma_start3A_400] : memref<2x10240x128xf32, #tpu.memory_space<hbm>> -> memref<1x64x128xf32, #tpu.memory_space<hbm>>
    %dma_start3A_402 = tpu.memref_squeeze %dma_start3A_401 : memref<1x64x128xf32, #tpu.memory_space<hbm>> -> memref<64x128xf32, #tpu.memory_space<hbm>>
    %dma_start3A_403 = arith.constant 0 : i32
    %dma_start3A_404 = tpu.memref_slice %arg6[%arg0, %add3A_399, %dma_start3A_403] : memref<2x10240x128xf32, #tpu.memory_space<hbm>> -> memref<1x64x128xf32, #tpu.memory_space<hbm>>
    %dma_start3A_405 = tpu.memref_squeeze %dma_start3A_404 : memref<1x64x128xf32, #tpu.memory_space<hbm>> -> memref<64x128xf32, #tpu.memory_space<hbm>>
    tpu.enqueue_dma source(%arg14 : memref<64x128xf32, #tpu.memory_space<vmem>>) target(%dma_start3A_405 : memref<64x128xf32, #tpu.memory_space<hbm>>) target_semaphore(%arg17 : memref<!tpu.dma_semaphore, #tpu.memory_space<semaphore_mem>>)
    %add3A_406 = arith.constant 576 : i32
    %add3A_407 = arith.addi %mul3A_0, %add3A_406 : i32
    %dma_wait3A_408 = arith.constant 0 : i32
    %dma_wait3A_409 = tpu.memref_slice %arg8[%add3A_407, %dma_wait3A_408] : memref<10240x128xf32, #tpu.memory_space<vmem_shared>> -> memref<64x128xf32, #tpu.memory_space<vmem_shared>>
    %dma_wait3A_410 = arith.constant 0 : i32
    %dma_wait3A_411 = tpu.memref_slice %arg8[%add3A_407, %dma_wait3A_410] : memref<10240x128xf32, #tpu.memory_space<vmem_shared>> -> memref<64x128xf32, #tpu.memory_space<vmem_shared>>
    tpu.wait_dma2 semaphore(%arg24 : memref<!tpu.dma_semaphore, #tpu.memory_space<semaphore_mem>>) src(%dma_wait3A_411 : memref<64x128xf32, #tpu.memory_space<vmem_shared>>) dst(%arg22 : memref<64x128xf32, #tpu.memory_space<vmem>>)
    %add3A_412 = arith.constant 576 : i32
    %add3A_413 = arith.addi %mul3A_0, %add3A_412 : i32
    %dma_start3A_414 = arith.constant 0 : i32
    %dma_start3A_415 = tpu.memref_slice %arg6[%arg0, %add3A_413, %dma_start3A_414] : memref<2x10240x128xf32, #tpu.memory_space<hbm>> -> memref<1x64x128xf32, #tpu.memory_space<hbm>>
    %dma_start3A_416 = tpu.memref_squeeze %dma_start3A_415 : memref<1x64x128xf32, #tpu.memory_space<hbm>> -> memref<64x128xf32, #tpu.memory_space<hbm>>
    %dma_start3A_417 = arith.constant 0 : i32
    %dma_start3A_418 = tpu.memref_slice %arg6[%arg0, %add3A_413, %dma_start3A_417] : memref<2x10240x128xf32, #tpu.memory_space<hbm>> -> memref<1x64x128xf32, #tpu.memory_space<hbm>>
    %dma_start3A_419 = tpu.memref_squeeze %dma_start3A_418 : memref<1x64x128xf32, #tpu.memory_space<hbm>> -> memref<64x128xf32, #tpu.memory_space<hbm>>
    tpu.enqueue_dma source(%arg22 : memref<64x128xf32, #tpu.memory_space<vmem>>) target(%dma_start3A_419 : memref<64x128xf32, #tpu.memory_space<hbm>>) target_semaphore(%arg25 : memref<!tpu.dma_semaphore, #tpu.memory_space<semaphore_mem>>)
    %add3A_420 = arith.constant 512 : i32
    %add3A_421 = arith.addi %mul3A_0, %add3A_420 : i32
    %dma_wait3A_422 = arith.constant 0 : i32
    %dma_wait3A_423 = tpu.memref_slice %arg6[%arg0, %add3A_421, %dma_wait3A_422] : memref<2x10240x128xf32, #tpu.memory_space<hbm>> -> memref<1x64x128xf32, #tpu.memory_space<hbm>>
    %dma_wait3A_424 = tpu.memref_squeeze %dma_wait3A_423 : memref<1x64x128xf32, #tpu.memory_space<hbm>> -> memref<64x128xf32, #tpu.memory_space<hbm>>
    %dma_wait3A_425 = arith.constant 0 : i32
    %dma_wait3A_426 = tpu.memref_slice %arg6[%arg0, %add3A_421, %dma_wait3A_425] : memref<2x10240x128xf32, #tpu.memory_space<hbm>> -> memref<1x64x128xf32, #tpu.memory_space<hbm>>
    %dma_wait3A_427 = tpu.memref_squeeze %dma_wait3A_426 : memref<1x64x128xf32, #tpu.memory_space<hbm>> -> memref<64x128xf32, #tpu.memory_space<hbm>>
    tpu.wait_dma2 semaphore(%arg17 : memref<!tpu.dma_semaphore, #tpu.memory_space<semaphore_mem>>) src(%arg14 : memref<64x128xf32, #tpu.memory_space<vmem>>) dst(%dma_wait3A_427 : memref<64x128xf32, #tpu.memory_space<hbm>>)
    %add3A_428 = arith.constant 576 : i32
    %add3A_429 = arith.addi %mul3A_0, %add3A_428 : i32
    %dma_wait3A_430 = arith.constant 0 : i32
    %dma_wait3A_431 = tpu.memref_slice %arg6[%arg0, %add3A_429, %dma_wait3A_430] : memref<2x10240x128xf32, #tpu.memory_space<hbm>> -> memref<1x64x128xf32, #tpu.memory_space<hbm>>
    %dma_wait3A_432 = tpu.memref_squeeze %dma_wait3A_431 : memref<1x64x128xf32, #tpu.memory_space<hbm>> -> memref<64x128xf32, #tpu.memory_space<hbm>>
    %dma_wait3A_433 = arith.constant 0 : i32
    %dma_wait3A_434 = tpu.memref_slice %arg6[%arg0, %add3A_429, %dma_wait3A_433] : memref<2x10240x128xf32, #tpu.memory_space<hbm>> -> memref<1x64x128xf32, #tpu.memory_space<hbm>>
    %dma_wait3A_435 = tpu.memref_squeeze %dma_wait3A_434 : memref<1x64x128xf32, #tpu.memory_space<hbm>> -> memref<64x128xf32, #tpu.memory_space<hbm>>
    tpu.wait_dma2 semaphore(%arg25 : memref<!tpu.dma_semaphore, #tpu.memory_space<semaphore_mem>>) src(%arg22 : memref<64x128xf32, #tpu.memory_space<vmem>>) dst(%dma_wait3A_435 : memref<64x128xf32, #tpu.memory_space<hbm>>)
    %mul3A_436 = arith.constant 8 : i32
    %mul3A_437 = arith.muli %arg1, %mul3A_436 : i32
    "tpu.region"() ({
      %run_scoped3A = tpu.sem_alloc : memref<!tpu.dma_semaphore, #tpu.memory_space<semaphore_mem>>
      %dma_start3A_438 = arith.constant 0 : i32
      %dma_start3A_439 = tpu.memref_slice %arg9[%mul3A_437, %dma_start3A_438] : memref<128x128xf32, #tpu.memory_space<vmem_shared>> -> memref<8x128xf32, #tpu.memory_space<vmem_shared>>
      %dma_start3A_440 = arith.constant 0 : i32
      %dma_start3A_441 = tpu.memref_slice %arg9[%mul3A_437, %dma_start3A_440] : memref<128x128xf32, #tpu.memory_space<vmem_shared>> -> memref<8x128xf32, #tpu.memory_space<vmem_shared>>
      tpu.enqueue_dma source(%dma_start3A_441 : memref<8x128xf32, #tpu.memory_space<vmem_shared>>) target(%arg26 : memref<8x128xf32, #tpu.memory_space<vmem>>) target_semaphore(%run_scoped3A : memref<!tpu.dma_semaphore, #tpu.memory_space<semaphore_mem>>)
      %dma_wait3A_442 = arith.constant 0 : i32
      %dma_wait3A_443 = tpu.memref_slice %arg9[%mul3A_437, %dma_wait3A_442] : memref<128x128xf32, #tpu.memory_space<vmem_shared>> -> memref<8x128xf32, #tpu.memory_space<vmem_shared>>
      %dma_wait3A_444 = arith.constant 0 : i32
      %dma_wait3A_445 = tpu.memref_slice %arg9[%mul3A_437, %dma_wait3A_444] : memref<128x128xf32, #tpu.memory_space<vmem_shared>> -> memref<8x128xf32, #tpu.memory_space<vmem_shared>>
      tpu.wait_dma2 semaphore(%run_scoped3A : memref<!tpu.dma_semaphore, #tpu.memory_space<semaphore_mem>>) src(%dma_wait3A_445 : memref<8x128xf32, #tpu.memory_space<vmem_shared>>) dst(%arg26 : memref<8x128xf32, #tpu.memory_space<vmem>>)
      tpu.yield
    }) : () -> ()
    "tpu.region"() ({
      %run_scoped3A = tpu.sem_alloc : memref<!tpu.dma_semaphore, #tpu.memory_space<semaphore_mem>>
      %dma_start3A_438 = arith.constant 0 : i32
      %dma_start3A_439 = tpu.memref_slice %arg7[%arg0, %mul3A_437, %dma_start3A_438] : memref<2x128x128xf32, #tpu.memory_space<hbm>> -> memref<1x8x128xf32, #tpu.memory_space<hbm>>
      %dma_start3A_440 = tpu.memref_squeeze %dma_start3A_439 : memref<1x8x128xf32, #tpu.memory_space<hbm>> -> memref<8x128xf32, #tpu.memory_space<hbm>>
      %dma_start3A_441 = arith.constant 0 : i32
      %dma_start3A_442 = tpu.memref_slice %arg7[%arg0, %mul3A_437, %dma_start3A_441] : memref<2x128x128xf32, #tpu.memory_space<hbm>> -> memref<1x8x128xf32, #tpu.memory_space<hbm>>
      %dma_start3A_443 = tpu.memref_squeeze %dma_start3A_442 : memref<1x8x128xf32, #tpu.memory_space<hbm>> -> memref<8x128xf32, #tpu.memory_space<hbm>>
      tpu.enqueue_dma source(%arg26 : memref<8x128xf32, #tpu.memory_space<vmem>>) target(%dma_start3A_443 : memref<8x128xf32, #tpu.memory_space<hbm>>) target_semaphore(%run_scoped3A : memref<!tpu.dma_semaphore, #tpu.memory_space<semaphore_mem>>)
      %dma_wait3A_444 = arith.constant 0 : i32
      %dma_wait3A_445 = tpu.memref_slice %arg7[%arg0, %mul3A_437, %dma_wait3A_444] : memref<2x128x128xf32, #tpu.memory_space<hbm>> -> memref<1x8x128xf32, #tpu.memory_space<hbm>>
      %dma_wait3A_446 = tpu.memref_squeeze %dma_wait3A_445 : memref<1x8x128xf32, #tpu.memory_space<hbm>> -> memref<8x128xf32, #tpu.memory_space<hbm>>
      %dma_wait3A_447 = arith.constant 0 : i32
      %dma_wait3A_448 = tpu.memref_slice %arg7[%arg0, %mul3A_437, %dma_wait3A_447] : memref<2x128x128xf32, #tpu.memory_space<hbm>> -> memref<1x8x128xf32, #tpu.memory_space<hbm>>
      %dma_wait3A_449 = tpu.memref_squeeze %dma_wait3A_448 : memref<1x8x128xf32, #tpu.memory_space<hbm>> -> memref<8x128xf32, #tpu.memory_space<hbm>>
      tpu.wait_dma2 semaphore(%run_scoped3A : memref<!tpu.dma_semaphore, #tpu.memory_space<semaphore_mem>>) src(%arg26 : memref<8x128xf32, #tpu.memory_space<vmem>>) dst(%dma_wait3A_449 : memref<8x128xf32, #tpu.memory_space<hbm>>)
      tpu.yield
    }) : () -> ()
    return
  }
}

module attributes {stable_mosaic.version = 14 : i64} {
  func.func @_combine_body(%arg0: i32, %arg1: memref<2x8x128x128xf32, #tpu.memory_space<vmem>>, %arg2: memref<2x8x128xf32, #tpu.memory_space<vmem>>, %arg3: memref<8x128x128xf32, #tpu.memory_space<vmem>>) attributes {dimension_semantics = [#tpu.dimension_semantics<arbitrary>], iteration_bounds = array<i64: 10>, scalar_prefetch = 0 : i64, scratch_operands = 0 : i64, tpu.core_type = #tpu.core_type<tc>, window_params = [{transform_indices = @transform_0, window_bounds = array<i64: 2, 8, 128, 128>}, {transform_indices = @transform_1, window_bounds = array<i64: 2, 8, 128>}, {transform_indices = @transform_2, window_bounds = array<i64: 8, 128, 128>}]} {
    %get3A = arith.constant 0 : index
    %get3A_0 = arith.constant 0 : index
    %get3A_1 = arith.constant 0 : index
    %get3A_2 = arith.constant 0 : index
    %get3A_3 = vector.load %arg1[%get3A, %get3A_0, %get3A_1, %get3A_2] : memref<2x8x128x128xf32, #tpu.memory_space<vmem>>, vector<1x8x128x128xf32>
    %get3A_4 = vector.shape_cast %get3A_3 : vector<1x8x128x128xf32> to vector<8x128x128xf32>
    %get3A_5 = arith.constant 1 : index
    %get3A_6 = arith.constant 0 : index
    %get3A_7 = arith.constant 0 : index
    %get3A_8 = arith.constant 0 : index
    %get3A_9 = vector.load %arg1[%get3A_5, %get3A_6, %get3A_7, %get3A_8] : memref<2x8x128x128xf32, #tpu.memory_space<vmem>>, vector<1x8x128x128xf32>
    %get3A_10 = vector.shape_cast %get3A_9 : vector<1x8x128x128xf32> to vector<8x128x128xf32>
    %add3A = arith.addf %get3A_4, %get3A_10 : vector<8x128x128xf32>
    %get3A_11 = arith.constant 0 : index
    %get3A_12 = arith.constant 0 : index
    %get3A_13 = arith.constant 0 : index
    %get3A_14 = vector.load %arg2[%get3A_11, %get3A_12, %get3A_13] : memref<2x8x128xf32, #tpu.memory_space<vmem>>, vector<1x8x128xf32>
    %get3A_15 = vector.shape_cast %get3A_14 : vector<1x8x128xf32> to vector<8x128xf32>
    %get3A_16 = arith.constant 1 : index
    %get3A_17 = arith.constant 0 : index
    %get3A_18 = arith.constant 0 : index
    %get3A_19 = vector.load %arg2[%get3A_16, %get3A_17, %get3A_18] : memref<2x8x128xf32, #tpu.memory_space<vmem>>, vector<1x8x128xf32>
    %get3A_20 = vector.shape_cast %get3A_19 : vector<1x8x128xf32> to vector<8x128xf32>
    %add3A_21 = arith.addf %get3A_15, %get3A_20 : vector<8x128xf32>
    %gt3A = arith.constant 0.000000e+00 : f32
    %gt3A_22 = vector.broadcast %gt3A : f32 to vector<8x128xf32>
    %gt3A_23 = arith.cmpf ogt, %add3A_21, %gt3A_22 : vector<8x128xf32>
    %max3A = arith.constant 1.000000e+00 : f32
    %max3A_24 = vector.broadcast %max3A : f32 to vector<8x128xf32>
    %max3A_25 = arith.maximumf %add3A_21, %max3A_24 : vector<8x128xf32>
    %div3A = arith.constant 1.000000e+00 : f32
    %div3A_26 = vector.broadcast %div3A : f32 to vector<8x128xf32>
    %div3A_27 = arith.divf %div3A_26, %max3A_25 : vector<8x128xf32>
    %jit3A = arith.constant 0.000000e+00 : f32
    %broadcast_in_dim3A = vector.broadcast %jit3A : f32 to vector<8x128xf32>
    %select_n3A = arith.select %gt3A_23, %div3A_27, %broadcast_in_dim3A : vector<8x128xi1>, vector<8x128xf32>
    %iota3A = tpu.iota {dimensions = array<i32: 1>} : vector<8x128x128xi32>
    %iota3A_28 = tpu.iota {dimensions = array<i32: 2>} : vector<8x128x128xi32>
    %eq3A = arith.cmpi eq, %iota3A, %iota3A_28 : vector<8x128x128xi32>
    %broadcast_in_dim3A_29 = vector.shape_cast %select_n3A : vector<8x128xf32> to vector<8x1x128xf32>
    %jit3A_30 = arith.constant 0.000000e+00 : f32
    %broadcast_in_dim3A_31 = vector.shape_cast %broadcast_in_dim3A_29 : vector<8x1x128xf32> to vector<8x1x128xf32>
    %broadcast_in_dim3A_32 = vector.broadcast %broadcast_in_dim3A_31 : vector<8x1x128xf32> to vector<8x128x128xf32>
    %broadcast_in_dim3A_33 = vector.broadcast %jit3A_30 : f32 to vector<8x128x128xf32>
    %select_n3A_34 = arith.select %eq3A, %broadcast_in_dim3A_32, %broadcast_in_dim3A_33 : vector<8x128x128xi1>, vector<8x128x128xf32>
    %dot_general3A = arith.constant dense<0.000000e+00> : vector<8x128x128xf32>
    %dot_general3A_35 = tpu.matmul %select_n3A_34, %add3A, %dot_general3A {dimension_numbers = #tpu.dot_dimension_numbers<[2], [1], [1], [2], [0, 0, 0, 1, 1, 2], [0], [0]>, transpose_lhs_hint = false} : vector<8x128x128xf32>, vector<8x128x128xf32>, vector<8x128x128xf32> -> vector<8x128x128xf32>
    %swap3A = arith.constant 0 : index
    %swap3A_36 = arith.constant 0 : index
    %swap3A_37 = arith.constant 0 : index
    %swap3A_38 = vector.load %arg3[%swap3A, %swap3A_36, %swap3A_37] : memref<8x128x128xf32, #tpu.memory_space<vmem>>, vector<8x128x128xf32>
    tpu.vector_store %arg3[%swap3A, %swap3A_36, %swap3A_37], %dot_general3A_35 {strides = array<i32>} : memref<8x128x128xf32, #tpu.memory_space<vmem>>, vector<8x128x128xf32>,
    return
  }
  func.func @transform_0(%arg0: i32) -> (i32, i32, i32, i32) {
    %c0_i32 = arith.constant 0 : i32
    %c0_i32_0 = arith.constant 0 : i32
    %c0_i32_1 = arith.constant 0 : i32
    %c0_i32_2 = arith.constant 0 : i32
    return %c0_i32, %arg0, %c0_i32_0, %c0_i32_1 : i32, i32, i32, i32
  }
  func.func @transform_1(%arg0: i32) -> (i32, i32, i32) {
    %c0_i32 = arith.constant 0 : i32
    %c0_i32_0 = arith.constant 0 : i32
    %c0_i32_1 = arith.constant 0 : i32
    return %c0_i32, %arg0, %c0_i32_0 : i32, i32, i32
  }
  func.func @transform_2(%arg0: i32) -> (i32, i32, i32) {
    %c0_i32 = arith.constant 0 : i32
    %c0_i32_0 = arith.constant 0 : i32
    %c0_i32_1 = arith.constant 0 : i32
    return %arg0, %c0_i32, %c0_i32_0 : i32, i32, i32
  }
}

</mosaic_0001>

<sc_bundles>
// kernel: sage_agg_sc.3.cloned.1.call-start
scs
__scs_entry_jumppad:
0x0: {  	(pc) =	sbr.rel $0x88, $3  }
0x1: {  	(tag) =	ssettag $0x0;
	lr =	simm.s32 $0x1  }
0x2: {  	[smem:$0x3F9F] =	sst lr;
	_ =	strace $0xD0000000  }
0x3: {  	_ = 	snop  }
0x4: {  	_ = 	snop  }
0x5: {  	_ = 	snop  }
0x6: {  	_ = 	snop  }
0x7: {  	_ = 	snop  }
__scs_overlays_trampoline_lowered:
0x8: {  	[smem:$0x3FAE] =	sst s0  }
0x9: {  	[smem:$0x3FAF] =	sst s1  }
0xa: {  	[smem:$0x3FB0] =	sst s2  }
0xb: {  	[smem:$0x3FB1] =	sst s3  }
0xc: {  	[smem:$0x3FB2] =	sst s4  }
0xd: {  	[smem:$0x3FB3] =	sst s5  }
0xe: {  	[smem:$0x3FB4] =	sst s6  }
0xf: {  	[smem:$0x3FB5] =	sst s7  }
0x10: {  	[smem:$0x3FB6] =	sst s8  }
0x11: {  	[smem:$0x3FB7] =	sst s9;
	s0 =	simm.s32 @!p0 $0x0  }
0x12: {  	s1 =	sld [smem:$0x3F9D];
	s0 =	simm.s32 @p0 $0x1  }
0x13: {  	[smem:$0x3FB8] =	sst s0;
	s0 =	simm.s32 @!p1 $0x0  }
0x14: {  	s2 =	sld [smem:$0x3F9C];
	s0 =	simm.s32 @p1 $0x1  }
0x15: {  	[smem:$0x3FB9] =	sst s0;
	s0 =	simm.s32 @!p2 $0x0  }
0x16: {  	s3 =	sld [smem:$0x3FDB];
	s0 =	simm.s32 @p2 $0x1  }
0x17: {  	s4 =	simm.s32 $0x1BF5;
	[smem:$0x3FBB] =	sst s0  }
0x18: {  	s0 =	sld [smem:$0x3F9E];
	_ =	swait.ge [sflag:s4], $0x0  }
0x19: {  	s7 =	sld [smem:$0x3F9F]  }
0x1a: {  	s8 =	sadd.s32 $0xFFFFE003, lr  }
0x1b: {  	s9 =	sadd.s32 $0xFFFFFEF7, lr;
	s5 =	simm.s32 $0xFFFFFFFF;
	p2 =	slt.u32 s8, $0xFFFFF086  }
0x1c: {  	p1 =	slt.u32 s9, $0xF7A;
	s5 =	simm.s32 @!p2 $0x0  }
0x1d: {  	s5 =	simm.s32 @p1 $0x1;
	p0 =	seq.s32 s7, s2  }
0x1e: {  	s7 =	smul.u32 @!p0 $0xF7A, s2;
	p2 =	seq.s32 @!p0 s5, $0x0  }
0x1f: {  	s9 =	smul.u32 $0xF7A, s1;
	s8 =	simm.s32 @!p0 $0x1BF5;
	p2 =	por !p2, p0  }
0x20: {  	[sflag:s8] =	ssyncset.s32 @!p0 $0xFFFFF086;
	s6 =	sadd.s32 @!p0 s3, s7;
	s7 =	simm.s32 @!p0 $0x108  }
0x21: {  	s3 =	sadd.s32 s3, s9;
	s6 =	sadd.s32 @!p0 $0x88, s6;
	s7 =	simm.s32 @p2 $0x1082  }
0x22: {  	[simem:s7], [sflag:s8] =	dma.local @!p0 [hbm:s6], $0xF7A  }
0x23: {  	s9 =	sor.u32 $0xD0000000, s2;
	s6 =	simm.s32 $0x108;
	_ =	swait.ge @!p0 [sflag:s8], $0x0  }
0x24: {  	s3 =	sadd.s32 $0x88, s3;
	s6 =	simm.s32 @!p1 $0x1082;
	[sflag:s4] =	ssyncset.s32 $0xFFFFF086  }
0x25: {  	[simem:s6], [sflag:s4] =	dma.local [hbm:s3], $0xF7A  }
0x26: {  	[smem:$0x3F9F] =	sst s1;
	(tag) =	ssettag s2;
	_ =	strace s9  }
0x27: {  	s1 =	sld [smem:$0x3FAF]  }
0x28: {  	s2 =	sld [smem:$0x3FB0]  }
0x29: {  	s4 =	sld [smem:$0x3FB2]  }
0x2a: {  	p0 =	seq.s32 s5, $0x0;
	s5 =	sld [smem:$0x3FB3]  }
0x2b: {  	s6 =	sld [smem:$0x3FB4]  }
0x2c: {  	s7 =	sld [smem:$0x3FB5]  }
0x2d: {  	s3 =	simm.s32 $0x108;
	s8 =	sld [smem:$0x3FB6]  }
0x2e: {  	s3 =	simm.s32 @!p0 $0x1082;
	s9 =	sld [smem:$0x3FB7]  }
0x2f: {  	lr =	sadd.s32 s0, s3;
	s0 =	sld [smem:$0x3FAE]  }
0x30: {  	s3 =	sld [smem:$0x3FB1]  }
0x31: {  	[smem:$0x3FBA] =	sst s10  }
0x32: {  	s10 =	sld [smem:$0x3FB8];
	_ =	sdelay $0x3  }
0x33: {  	p0 =	seq.s32 s10, $0x1;
	s10 =	sld [smem:$0x3FBA];
	_ =	sdelay $0x3  }
0x34: {  	[smem:$0x3FBA] =	sst s10  }
0x35: {  	s10 =	sld [smem:$0x3FB9];
	_ =	sdelay $0x3  }
0x36: {  	p1 =	seq.s32 s10, $0x1;
	s10 =	sld [smem:$0x3FBA];
	_ =	sdelay $0x3  }
0x37: {  	[smem:$0x3FBA] =	sst s10  }
0x38: {  	s10 =	sld [smem:$0x3FBB]  }
0x39: {  	_ = 	snop;
	(pc) =	sbr.ind lr, $3  }
0x3a: {  	_ = 	snop  }
0x3b: {  	_ = 	snop  }
0x3c: {  	p2 =	seq.s32 s10, $0x1;
	s10 =	sld [smem:$0x3FBA]  }
0x3d: {  	_ =	shalt  }
0x3e: {  	_ =	shalt  }
0x3f: {  	_ =	shalt  }
0x40: {  	_ =	shalt  }
0x41: {  	_ =	shalt  }
0x42: {  	_ =	shalt  }
0x43: {  	_ =	shalt  }
0x44: {  	_ =	shalt  }
0x45: {  	_ =	shalt  }
0x46: {  	_ =	shalt  }
0x47: {  	_ =	shalt  }
0x48: {  	_ =	shalt  }
0x49: {  	_ =	shalt  }
0x4a: {  	_ =	shalt  }
0x4b: {  	_ =	shalt  }
0x4c: {  	_ =	shalt  }
0x4d: {  	_ =	shalt  }
0x4e: {  	_ =	shalt  }
0x4f: {  	_ =	shalt  }
0x50: {  	_ =	shalt  }
0x51: {  	_ =	shalt  }
0x52: {  	_ =	shalt  }
0x53: {  	_ =	shalt  }
0x54: {  	_ =	shalt  }
0x55: {  	_ =	shalt  }
0x56: {  	_ =	shalt  }
0x57: {  	_ =	shalt  }
0x58: {  	_ =	shalt  }
0x59: {  	_ =	shalt  }
0x5a: {  	_ =	shalt  }
0x5b: {  	_ =	shalt  }
0x5c: {  	_ =	shalt  }
0x5d: {  	_ =	shalt  }
0x5e: {  	_ =	shalt  }
0x5f: {  	_ =	shalt  }
0x60: {  	_ =	shalt  }
0x61: {  	_ =	shalt  }
0x62: {  	_ =	shalt  }
0x63: {  	_ =	shalt  }
0x64: {  	_ =	shalt  }
0x65: {  	_ =	shalt  }
0x66: {  	_ =	shalt  }
0x67: {  	_ =	shalt  }
0x68: {  	_ =	shalt  }
0x69: {  	_ =	shalt  }
0x6a: {  	_ =	shalt  }
0x6b: {  	_ =	shalt  }
0x6c: {  	_ =	shalt  }
0x6d: {  	_ =	shalt  }
0x6e: {  	_ =	shalt  }
0x6f: {  	_ =	shalt  }
0x70: {  	_ =	shalt  }
0x71: {  	_ =	shalt  }
0x72: {  	_ =	shalt  }
0x73: {  	_ =	shalt  }
0x74: {  	_ =	shalt  }
0x75: {  	_ =	shalt  }
0x76: {  	_ =	shalt  }
0x77: {  	_ =	shalt  }
0x78: {  	_ =	shalt  }
0x79: {  	_ =	shalt  }
0x7a: {  	_ =	shalt  }
0x7b: {  	_ =	shalt  }
0x7c: {  	_ =	shalt  }
0x7d: {  	_ =	shalt  }
0x7e: {  	_ =	shalt  }
0x7f: {  	_ =	shalt  }
0x80: {  	_ =	shalt  }
0x81: {  	_ =	shalt  }
0x82: {  	_ =	shalt  }
0x83: {  	_ =	shalt  }
0x84: {  	_ =	shalt  }
0x85: {  	_ =	shalt  }
0x86: {  	_ =	shalt  }
0x87: {  	_ =	shalt  }
.Lfunc_end0:
.L_simem_size_0:
called_computation_lowered:
.L_overlay_start_0:
0x88: {  	s2 =	sld [smem:$0x3FD9]  }
0x89: {  	s3 =	sld [smem:$0x3FFE];
	_ =	sdelay $0x1  }
0x8a: {  	s1 =	srdreg.scid  }
0x8b: {  	s0 =	sand.u32 $0x1, s1  }
0x8c: {  	s17 =	sshll.u32 s0, $0xA;
	s2 =	sadd.s32 s3, s2  }
0x8d: {  	s2 =	sadd.s32 s2, s17  }
0x8e: {  	[smem:$0x3FC6] =	sst s2  }
0x8f: {  	_ = 	snop  }
0x90: {  	s2 =	sld [smem:$0x3FC9]  }
0x91: {  	s18 =	sld [smem:$0x3FD0];
	(tm) =	ssettm $0x1  }
0x92: {  	s4 =	sld [smem:$0x3FFB];
	_ =	sdelay $0x3  }
0x93: {  	_ =	strace s4  }
0x94: {  	s4 =	sld [smem:$0x3FFC];
	_ =	sdelay $0x3  }
0x95: {  	_ =	strace s4  }
0x96: {  	s4 =	sld [smem:$0x3FFD];
	_ =	sdelay $0x3  }
0x97: {  	_ =	strace s4  }
0x98: {  	_ =	strace $0x8FFFFFFF  }
0x99: {  	s19 =	sld [smem:$0x3FDB];
	_ =	sdelay $0x1  }
0x9a: {  	s5 =	simm.s32 $_scs_section_size  }
0x9b: {  	s6 =	simm.s32 $_size__tile_overlayer_lowered;
	s7 =	simm.s32 $_tile_overlayer_lowered  }
0x9c: {  	s22 =	simm.s32 $0x1BFF;
	s21 =	sshll.u32 s7, $0x1;
	s4 =	sadd.s32 s5, s19  }
0x9d: {  	s8 =	simm.s32 $0x0;
	s20 =	sshll.u32 s6, $0x1;
	s6 =	sadd.s32 s21, s4  }
0x9e: {  	[timem:s8], [sflag:s22] =	dma.local [hbm:s6], s20  }
0x9f: {  	_ =	swait.ge [sflag:s22], s20  }
0xa0: {  	s5 =	ssub.s32 $0x0, s20;
	[sflag:s22] =	ssyncset.done $0x0  }
0xa1: {  	[sflag:s22] =	ssyncadd.s32 s5;
	_ =	sdelay $0x1  }
0xa2: {  	s23 =	simm.s32 $0x1B8B  }
0xa3: {  	_ =	swait.ge [sflag:s23], $0x1  }
0xa4: {  	[sflag:s23] =	ssyncset.done $0x0  }
0xa5: {  	s25 =	simm.s32 $0x1B8E;
	s24 =	sld [smem:$0x3FFE];
	[sflag:s23] =	ssyncadd.s32 $0xFFFFFFFF  }
0xa6: {  	s26 =	simm.s32 $execute0_lowered;
	[smem:$0x3FD2] =	sst s25  }
0xa7: {  	s6 =	sshll.u32 s26, $0x1;
	_ =	strace $0x80000046;
	[dreg:$0x1] =	wrdreg $0xFFFFFFFF  }
0xa8: {  	s28 =	simm.s32 $_size_execute0_lowered;
	s4 =	sadd.s32 s4, s6;
	[dreg:$0x0] =	wrdreg $0x0  }
0xa9: {  	s6 =	sshll.u32 s28, $0x1;
	[dreg:$0x2] =	wrdreg s4  }
0xaa: {  	[dreg:$0x3] =	wrdreg s6  }
0xab: {  	[dreg:$0x4] =	wrdreg $0xC0  }
0xac: {  	_ =	task [dreg:s8], $0x5FFFF  }
0xad: {  	[dreg:$0x1] =	wrdreg $0xFFFFFFFF  }
0xae: {  	[dreg:$0x0] =	wrdreg $0x60  }
0xaf: {  	[dreg:$0x2] =	wrdreg s2  }
0xb0: {  	[dreg:$0x3] =	wrdreg s18  }
0xb1: {  	[dreg:$0x4] =	wrdreg s24  }
0xb2: {  	[dreg:$0x5] =	wrdreg $0x0  }
0xb3: {  	[dreg:$0x6] =	wrdreg $0x140000  }
0xb4: {  	[dreg:$0x7] =	wrdreg $0x9  }
0xb5: {  	_ =	task.clear_ibuf [dreg:s8], $0x8FFFF;
	_ =	strace $0x90000046  }
0xb6: {  	s29 =	simm.s32 $0x9;
	_ =	strace $0x80000048  }
0xb7: {  	_ =	swait.ge [sflag:s29], $0x1  }
0xb8: {  	[sflag:s29] =	ssyncadd.s32 $0xFFFFFFFF  }
0xb9: {  	_ =	strace $0x90000048  }
0xba: {  	_ =	sfence  }
0xbb: {  	s30 =	sld [smem:$0x0];
	_ =	sdelay $0x2  }
0xbc: {  	s31 =	sshll.u32 s1, $0xD;
	s1 =	sshrl.u32 s1, $0x2  }
0xbd: {  	s3 =	sand.u32 $0x4000, s31;
	s1 =	sadd.s32 s1, s30  }
0xbe: {  	s0 =	sor.u32 s3, s0;
	s1 =	sshll.u32 s1, $0x11  }
0xbf: {  	s0 =	sor.u32 s1, s0  }
0xc0: {  	s0 =	sadd.s32 $0x8F2B, s0  }
0xc1: {  	[sflag:s0] =	ssyncadd.remote.s32 $0x1  }
0xc2: {  	_ =	sfence.sel $0xFFFF  }
0xc3: {  	[dreg:$0x0] =	wrdreg $0xFFFFFFFF;
	(pc) =	sbr.abs _section_cstart, $3  }
0xc4: {  	[dreg:$0x1] =	wrdreg $0xFFFFFFFF  }
0xc5: {  	_ =	task.clear_ibuf [dreg:s8], $0x2FFFF;
	_ =	strace $0x9FFFFFFF  }
0xc6: {  	(tm) =	ssettm $0x7FFFFFFF  }
0xc7: {  	_ =	shalt  }
tec
execute0_lowered:
.L_overlay_start_1:
0x0: {  	(tag) =	ssettag $0x1  }
0x1: {  	s1 =	rddreg [dreg:$0x0];
	s0 =	srdreg.scid  }
0x2: {  	s3 =	rddreg [dreg:$0x2];
	s19 =	stileid.u32;
	s2 =	simm.s32 $0x0  }
0x3: {  	s31 =	simm.s32 $0x4;
	s4 =	sand.u32 $0x1, s0;
	s5 =	smul.u32 $0x14000, s19  }
0x4: {  	[smem:$0x7FF] =	sst s2;
	s7 =	sadd.s32 $0xAA00, s3;
	s0 =	ssub.s32 $0x2, s4  }
0x5: {  	s10 =	smul.u32 $0x140000, s4;
	s6 =	sshrl.u32 s0, $0x1;
	s8 =	sadd.s32 $0x4000, s5  }
0x6: {  	s9 =	sadd.s32 $0x6000, s5;
	s11 =	sadd.s32 $0x8000, s5;
	s12 =	sadd.s32 $0xA000, s5  }
0x7: {  	s13 =	sadd.s32 $0xC000, s5;
	s15 =	sadd.s32 $0xE000, s5;
	s17 =	sadd.s32 $0x10000, s5  }
0x8: {  	s0 =	ssub.s32 s0, s6;
	s6 =	sor.u32 $0x2000, s5;
	s14 =	sadd.s32 s5, s10  }
0x9: {  	s5 =	sadd.s32 $0x12000, s5;
	s21 =	sadd.s32 s10, s8;
	s23 =	sadd.s32 s10, s9  }
0xa: {  	s25 =	sadd.s32 s10, s11;
	s14 =	sshrl.u32 s14, $0x3;
	s16 =	sadd.s32 s10, s6  }
0xb: {  	s30 =	sadd.s32 s10, s12;
	s14 =	sadd.s32 s7, s14;
	s20 =	sshrl.u32 s16, $0x3  }
0xc: {  	s22 =	sshrl.u32 s21, $0x3;
	[dreg:$0x6] =	wrdreg s14;
	s14 =	sadd.s32 s7, s20  }
0xd: {  	s24 =	sshrl.u32 s23, $0x3;
	[dreg:$0x7] =	wrdreg s14;
	s14 =	sadd.s32 s7, s22  }
0xe: {  	s26 =	sshrl.u32 s25, $0x3;
	[dreg:$0x8] =	wrdreg s14;
	s14 =	sadd.s32 s7, s24  }
0xf: {  	s18 =	sadd.s32 s10, s13;
	[dreg:$0x9] =	wrdreg s14;
	s14 =	sadd.s32 s7, s26  }
0x10: {  	s21 =	sadd.s32 s10, s15;
	s16 =	sshrl.u32 s30, $0x3;
	[dreg:$0xa] =	wrdreg s14  }
0x11: {  	s23 =	sadd.s32 s10, s17;
	s14 =	sadd.s32 s7, s16;
	s16 =	rddreg [dreg:$0x4]  }
0x12: {  	s10 =	sadd.s32 s10, s5;
	s20 =	sshrl.u32 s18, $0x3;
	[dreg:$0xb] =	wrdreg s14  }
0x13: {  	s22 =	sshrl.u32 s21, $0x3;
	s14 =	sadd.s32 s7, s20;
	s20 =	rddreg [dreg:$0x1]  }
0x14: {  	s24 =	sshrl.u32 s23, $0x3;
	[dreg:$0xc] =	wrdreg s14;
	s14 =	sadd.s32 s7, s22  }
0x15: {  	s10 =	sshrl.u32 s10, $0x3;
	[dreg:$0xd] =	wrdreg s14;
	s14 =	sadd.s32 s7, s24  }
0x16: {  	p0 =	seq.s32 s4, $0x1;
	s7 =	sadd.s32 s7, s10;
	[dreg:$0xe] =	wrdreg s14  }
0x17: {  	s4 =	sshll.u32 s4, $0xB;
	s25 =	sshll.u32 s19, $0x7;
	[dreg:$0xf] =	wrdreg s7  }
0x18: {  	s0 =	smax.u32 s0, $0x1;
	s10 =	sadd.s32 $0xC00, s3;
	s14 =	rddreg [dreg:$0x3]  }
0x19: {  	s7 =	sadd.s32 s25, s3;
	_ =	strace $0x80000047;
	[smem:$0x7FD] =	sst s0  }
0x1a: {  	s29 =	sadd.s32 s6, s14;
	s6 =	sadd.s32 s8, s14;
	[dreg:$0x10] =	wrdreg s10  }
0x1b: {  	s4 =	sadd.s32 s4, s7;
	s7 =	sadd.s32 s9, s14;
	[dreg:$0x12] =	wrdreg s6  }
0x1c: {  	s26 =	smul.u32 $0x50000, s19;
	s8 =	sadd.s32 s11, s14;
	[dreg:$0x13] =	wrdreg s7  }
0x1d: {  	s18 =	sadd.s32 $0x400, s3;
	s9 =	sadd.s32 s12, s14;
	[dreg:$0x14] =	wrdreg s8  }
0x1e: {  	s30 =	sshrl.u32 s26, $0x2;
	s12 =	sadd.s32 s13, s14;
	[dreg:$0x15] =	wrdreg s9  }
0x1f: {  	s25 =	smul.u32 $0x9E0, s19;
	s13 =	sadd.s32 s15, s14;
	[dreg:$0x16] =	wrdreg s12  }
0x20: {  	s28 =	sadd.s32 s30, s14;
	s15 =	sadd.s32 s17, s14;
	[dreg:$0x17] =	wrdreg s13  }
0x21: {  	s11 =	smul.u32 $0x4F00, s19;
	s5 =	sadd.s32 s5, s14;
	[dreg:$0x18] =	wrdreg s15  }
0x22: {  	s17 =	sshll.u32 s19, $0xA;
	s19 =	simm.s32 $0x1A800;
	[dreg:$0x19] =	wrdreg s5  }
0x23: {  	s5 =	sadd.s32 s17, s16;
	s30 =	sadd.s32 $0x5AA00, s4;
	s0 =	sadd.s32 s25, s10  }
0x24: {  	s12 =	sadd.s32 s25, s20;
	s4 =	simm.s32 $0x1;
	s7 =	simm.s32 $0x2  }
0x25: {  	s8 =	simm.s32 $0x40;
	s9 =	simm.s32 $0x14580;
	s13 =	simm.s32 $0x18680  }
0x26: {  	s15 =	simm.s32 $0x18800;
	s17 =	simm.s32 $0x18780;
	[dreg:$0x11] =	wrdreg s29  }
0x27: {  	s21 =	sshrl.u32 s11, $0x3;
	[dreg:$0x1a] =	wrdreg s5;
	s26 =	sadd.s32 $0x33C0, s11  }
0x28: {  	s3 =	sadd.s32 $0x4EC0, s11;
	[smem:$0x7FC] =	sst s30;
	s11 =	simm.s32 $0x18600  }
0x29: {  	s22 =	sadd.s32 s20, s21;
	s23 =	sadd.s32 $0x680, s21;
	[dreg:$0x1f] =	wrdreg s26  }
0x2a: {  	s6 =	sadd.s32 s10, s21;
	[smem:$0x7FB] =	sst s3;
	s3 =	simm.s32 $0x14600  }
.Ltmp0:
0x2b: {  	s21 =	simm.s32 $0x5;
	[dreg:$0x1b] =	wrdreg s22;
	(pc) =	sbr.rel .LBB2_1-.Ltmp0, $4  }
0x2c: {  	[dreg:$0x1c] =	wrdreg s6;
	s24 =	sadd.s32 s20, s23;
	s5 =	sadd.s32 s10, s23  }
0x2d: {  	s6 =	simm.s32 $0x14480;
	s10 =	simm.s32 $0x16600;
	s20 =	simm.s32 $0x14500  }
0x2e: {  	s22 =	simm.s32 $0x3;
	s23 =	simm.s32 $0x18700;
	[dreg:$0x1d] =	wrdreg s24  }
0x2f: {  	v0 =	vimm.f32 $0.0e+00;
	[dreg:$0x1e] =	wrdreg s5;
	s5 =	simm.s32 $0x14400;
	s24 =	simm.s32 $0x0  }
.LBB2_6:
0x30: {  	_ =	swait.ge [sflag:s22], $0x2000  }
0x31: {  	[sflag:s22] =	ssyncset.done $0x0  }
0x32: {  	[sflag:s22] =	ssyncadd.s32 $0xFFFFE000  }
0x33: {  	_ =	swait.ge [sflag:s22], $0x2000  }
0x34: {  	[sflag:s22] =	ssyncset.done $0x0  }
0x35: {  	[sflag:s22] =	ssyncadd.s32 $0xFFFFE000  }
0x36: {  	[spmem:s16] =	stream.indirect.scatter.add.f32 [tilespmem:s19], [sflag:$0x4], $0x80, s23, s8, $0xb8;
	[tilespmem:$0x1CC00] =	vst v63  }
0x37: {  	_ = 	snop  }
0x38: {  	[spmem:s14] =	stream.indirect.scatter.add.f32 [tilespmem:s15], [sflag:$0x5], $0x80, s13, s8, $0xb8;
	[tilespmem:$0x1CC00] =	vst v63  }
0x39: {  	_ =	swait.ge [sflag:s21], $0x2000  }
0x3a: {  	[sflag:s21] =	ssyncset.done $0x0  }
0x3b: {  	[sflag:s21] =	ssyncadd.s32 $0xFFFFE000  }
0x3c: {  	_ =	swait.ge [sflag:s31], $0x2000  }
0x3d: {  	[sflag:s31] =	ssyncset.done $0x0  }
0x3e: {  	s28 =	smov.u32 s30;
	s25 =	rddreg [dreg:$0x1f];
	[sflag:s31] =	ssyncadd.s32 $0xFFFFE000  }
.LBB2_10:
0x3f: {  	s25 =	sshrl.u32 s25, $0x3;
	s26 =	rddreg [dreg:$0x1]  }
0x40: {  	s30 =	rddreg [dreg:$0x10];
	s26 =	sadd.s32 s26, s25  }
0x41: {  	[tilespmem:s11], [sflag:$0x4] =	stream.linear.gather [hbm4b:s26+s2], $0x40, $0x38;
	[tilespmem:$0x1CC00] =	vst v63  }
0x42: {  	s25 =	sadd.s32 s30, s25  }
0x43: {  	[tilespmem:s13], [sflag:$0x4] =	stream.linear.gather [hbm4b:s25+s2], $0x40, $0x38;
	[tilespmem:$0x1CC00] =	vst v63  }
0x44: {  	_ =	swait.ge [sflag:s31], $0x40  }
0x45: {  	[sflag:s31] =	ssyncset.done $0x0  }
0x46: {  	[sflag:s31] =	ssyncadd.s32 $0xFFFFFFC0  }
0x47: {  	_ =	swait.ge [sflag:s31], $0x40  }
0x48: {  	[sflag:s31] =	ssyncset.done $0x0  }
0x49: {  	[sflag:s31] =	ssyncadd.s32 $0xFFFFFFC0  }
0x4a: {  	v1 =	vld [tilespmem:$0x18680];
	_ =	sdelay $0x1  }
0x4b: {  	v2 =	vld [tilespmem:$0x18690];
	_ =	sdelay $0x1  }
0x4c: {  	v3 =	vld [tilespmem:$0x186A0]  }
0x4d: {  	v4 =	vshra.s32 v1, $0x7  }
0x4e: {  	v63 =	vld [tilespmem:$0x186B0];
	v1 =	vand.u32 $0x7F, v1;
	[tilespmem:$0x18700] =	vst v4  }
0x4f: {  	[tilespmem:$0x18780] =	vst v1;
	v1 =	vshra.s32 v2, $0x7  }
0x50: {  	[tilespmem:$0x18710] =	vst v1;
	v1 =	vand.u32 $0x7F, v2  }
0x51: {  	[tilespmem:$0x18790] =	vst v1;
	v1 =	vshra.s32 v3, $0x7  }
0x52: {  	[tilespmem:$0x18720] =	vst v1;
	v1 =	vand.u32 $0x7F, v3  }
0x53: {  	[tilespmem:$0x187A0] =	vst v1;
	v1 =	vshra.s32 v63, $0x7  }
0x54: {  	[tilespmem:$0x18730] =	vst v1;
	v1 =	vand.u32 $0x7F, v63  }
0x55: {  	[tilespmem:$0x187B0] =	vst v1  }
0x56: {  	[tilespmem:s15], [sflag:$0x3] =	stream.indirect.gather [hbm4b:s1+s8], $0x80, s11, s8, $0xb8;
	[tilespmem:$0x1CC00] =	vst v63  }
0x57: {  	_ = 	snop  }
0x58: {  	[tilespmem:s19], [sflag:$0x3] =	stream.indirect.gather [hbm4b:s18+s8], $0x80, s17, s8, $0xb8;
	[tilespmem:$0x1CC00] =	vst v63  }
0x59: {  	_ =	swait.ge [sflag:s4], $0x2000  }
0x5a: {  	[sflag:s4] =	ssyncset.done $0x0  }
0x5b: {  	[sflag:s4] =	ssyncadd.s32 $0xFFFFE000  }
0x5c: {  	_ =	swait.ge [sflag:s4], $0x2000  }
0x5d: {  	[sflag:s4] =	ssyncset.done $0x0  }
0x5e: {  	[sflag:s4] =	ssyncadd.s32 $0xFFFFE000  }
0x5f: {  	[spmem:s16] =	stream.indirect.scatter.add.f32 [tilespmem:s10], [sflag:$0x2], $0x80, s20, s8, $0xb8;
	[tilespmem:$0x1CC00] =	vst v63  }
0x60: {  	_ = 	snop  }
0x61: {  	[spmem:s14] =	stream.indirect.scatter.add.f32 [tilespmem:s3], [sflag:$0x5], $0x80, s6, s8, $0xb8;
	[tilespmem:$0x1CC00] =	vst v63  }
0x62: {  	_ =	swait.ge [sflag:s21], $0x2000  }
0x63: {  	[sflag:s21] =	ssyncset.done $0x0  }
0x64: {  	[sflag:s21] =	ssyncadd.s32 $0xFFFFE000  }
0x65: {  	_ =	swait.ge [sflag:s7], $0x2000  }
0x66: {  	[sflag:s7] =	ssyncset.done $0x0  }
0x67: {  	[sflag:s7] =	ssyncadd.s32 $0xFFFFE000  }
0x68: {  	_ =	swait.ge [sflag:s22], $0x2000  }
0x69: {  	[sflag:s22] =	ssyncset.done $0x0  }
0x6a: {  	[sflag:s22] =	ssyncadd.s32 $0xFFFFE000  }
0x6b: {  	_ =	swait.ge [sflag:s22], $0x2000  }
0x6c: {  	[sflag:s22] =	ssyncset.done $0x0  }
0x6d: {  	[sflag:s22] =	ssyncadd.s32 $0xFFFFE000  }
0x6e: {  	[spmem:s16] =	stream.indirect.scatter.add.f32 [tilespmem:s19], [sflag:$0x4], $0x80, s23, s8, $0xb8;
	[tilespmem:$0x1CC00] =	vst v63  }
0x6f: {  	_ = 	snop  }
0x70: {  	[spmem:s14] =	stream.indirect.scatter.add.f32 [tilespmem:s15], [sflag:$0x5], $0x80, s13, s8, $0xb8;
	[tilespmem:$0x1CC00] =	vst v63  }
0x71: {  	_ =	swait.ge [sflag:s21], $0x2000  }
0x72: {  	[sflag:s21] =	ssyncset.done $0x0  }
0x73: {  	[sflag:s21] =	ssyncadd.s32 $0xFFFFE000  }
0x74: {  	_ =	swait.ge [sflag:s31], $0x2000  }
0x75: {  	[sflag:s31] =	ssyncset.done $0x0  }
0x76: {  	[sflag:s31] =	ssyncadd.s32 $0xFFFFE000  }
0x77: {  	[bflag:$0x0] =	sbarrier.arrive $0xFFFF  }
0x78: {  	[tilespmem:s3], [sflag:$0x1] =	stream.linear.gather [spmem:s28], $0x2000, $0x38;
	[tilespmem:$0x1CC00] =	vst v63  }
0x79: {  	s29 =	rddreg [dreg:$0x11]  }
0x7a: {  	[tilespmem:s15], [sflag:$0x3] =	stream.linear.gather [spmem:s29], $0x2000, $0x38;
	[tilespmem:$0x1CC00] =	vst v63  }
0x7b: {  	_ =	swait.ge [sflag:s4], $0x2000  }
0x7c: {  	[sflag:s4] =	ssyncset.done $0x0  }
0x7d: {  	s30 =	rddreg [dreg:$0x6];
	[sflag:s4] =	ssyncadd.s32 $0xFFFFE000  }
0x7e: {  	[hbm4b:s30+s2] =	stream.linear.scatter [tilespmem:s3], [sflag:$0x2], $0x2000, $0x38;
	[tilespmem:$0x1CC00] =	vst v63  }
0x7f: {  	_ =	swait.ge [sflag:s7], $0x2000  }
0x80: {  	[sflag:s7] =	ssyncset.done $0x0  }
0x81: {  	s26 =	rddreg [dreg:$0x12];
	[sflag:s7] =	ssyncadd.s32 $0xFFFFE000  }
0x82: {  	[tilespmem:s3], [sflag:$0x1] =	stream.linear.gather [spmem:s26], $0x2000, $0x38;
	[tilespmem:$0x1CC00] =	vst v63  }
0x83: {  	_ =	swait.ge [sflag:s22], $0x2000  }
0x84: {  	[sflag:s22] =	ssyncset.done $0x0  }
0x85: {  	s30 =	rddreg [dreg:$0x7];
	[sflag:s22] =	ssyncadd.s32 $0xFFFFE000  }
0x86: {  	[hbm4b:s30+s2] =	stream.linear.scatter [tilespmem:s15], [sflag:$0x4], $0x2000, $0x38;
	[tilespmem:$0x1CC00] =	vst v63  }
0x87: {  	_ =	swait.ge [sflag:s31], $0x2000  }
0x88: {  	[sflag:s31] =	ssyncset.done $0x0  }
0x89: {  	s26 =	rddreg [dreg:$0x13];
	[sflag:s31] =	ssyncadd.s32 $0xFFFFE000  }
0x8a: {  	[tilespmem:s15], [sflag:$0x3] =	stream.linear.gather [spmem:s26], $0x2000, $0x38;
	[tilespmem:$0x1CC00] =	vst v63  }
0x8b: {  	_ =	swait.ge [sflag:s4], $0x2000  }
0x8c: {  	[sflag:s4] =	ssyncset.done $0x0  }
0x8d: {  	s30 =	rddreg [dreg:$0x8];
	[sflag:s4] =	ssyncadd.s32 $0xFFFFE000  }
0x8e: {  	[hbm4b:s30+s2] =	stream.linear.scatter [tilespmem:s3], [sflag:$0x2], $0x2000, $0x38;
	[tilespmem:$0x1CC00] =	vst v63  }
0x8f: {  	_ =	swait.ge [sflag:s7], $0x2000  }
0x90: {  	[sflag:s7] =	ssyncset.done $0x0  }
0x91: {  	s26 =	rddreg [dreg:$0x14];
	[sflag:s7] =	ssyncadd.s32 $0xFFFFE000  }
0x92: {  	[tilespmem:s3], [sflag:$0x1] =	stream.linear.gather [spmem:s26], $0x2000, $0x38;
	[tilespmem:$0x1CC00] =	vst v63  }
0x93: {  	_ =	swait.ge [sflag:s22], $0x2000  }
0x94: {  	[sflag:s22] =	ssyncset.done $0x0  }
0x95: {  	s30 =	rddreg [dreg:$0x9];
	[sflag:s22] =	ssyncadd.s32 $0xFFFFE000  }
0x96: {  	[hbm4b:s30+s2] =	stream.linear.scatter [tilespmem:s15], [sflag:$0x4], $0x2000, $0x38;
	[tilespmem:$0x1CC00] =	vst v63  }
0x97: {  	_ =	swait.ge [sflag:s31], $0x2000  }
0x98: {  	[sflag:s31] =	ssyncset.done $0x0  }
0x99: {  	s26 =	rddreg [dreg:$0x15];
	[sflag:s31] =	ssyncadd.s32 $0xFFFFE000  }
0x9a: {  	[tilespmem:s15], [sflag:$0x3] =	stream.linear.gather [spmem:s26], $0x2000, $0x38;
	[tilespmem:$0x1CC00] =	vst v63  }
0x9b: {  	_ =	swait.ge [sflag:s4], $0x2000  }
0x9c: {  	[sflag:s4] =	ssyncset.done $0x0  }
0x9d: {  	s30 =	rddreg [dreg:$0xa];
	[sflag:s4] =	ssyncadd.s32 $0xFFFFE000  }
0x9e: {  	[hbm4b:s30+s2] =	stream.linear.scatter [tilespmem:s3], [sflag:$0x2], $0x2000, $0x38;
	[tilespmem:$0x1CC00] =	vst v63  }
0x9f: {  	_ =	swait.ge [sflag:s7], $0x2000  }
0xa0: {  	[sflag:s7] =	ssyncset.done $0x0  }
0xa1: {  	s26 =	rddreg [dreg:$0x16];
	[sflag:s7] =	ssyncadd.s32 $0xFFFFE000  }
0xa2: {  	[tilespmem:s3], [sflag:$0x1] =	stream.linear.gather [spmem:s26], $0x2000, $0x38;
	[tilespmem:$0x1CC00] =	vst v63  }
0xa3: {  	_ =	swait.ge [sflag:s22], $0x2000  }
0xa4: {  	[sflag:s22] =	ssyncset.done $0x0  }
0xa5: {  	s30 =	rddreg [dreg:$0xb];
	[sflag:s22] =	ssyncadd.s32 $0xFFFFE000  }
0xa6: {  	[hbm4b:s30+s2] =	stream.linear.scatter [tilespmem:s15], [sflag:$0x4], $0x2000, $0x38;
	[tilespmem:$0x1CC00] =	vst v63  }
0xa7: {  	_ =	swait.ge [sflag:s31], $0x2000  }
0xa8: {  	[sflag:s31] =	ssyncset.done $0x0  }
0xa9: {  	s26 =	rddreg [dreg:$0x17];
	[sflag:s31] =	ssyncadd.s32 $0xFFFFE000  }
0xaa: {  	[tilespmem:s15], [sflag:$0x3] =	stream.linear.gather [spmem:s26], $0x2000, $0x38;
	[tilespmem:$0x1CC00] =	vst v63  }
0xab: {  	_ =	swait.ge [sflag:s4], $0x2000  }
0xac: {  	[sflag:s4] =	ssyncset.done $0x0  }
0xad: {  	s30 =	rddreg [dreg:$0xc];
	[sflag:s4] =	ssyncadd.s32 $0xFFFFE000  }
0xae: {  	[hbm4b:s30+s2] =	stream.linear.scatter [tilespmem:s3], [sflag:$0x2], $0x2000, $0x38;
	[tilespmem:$0x1CC00] =	vst v63  }
0xaf: {  	_ =	swait.ge [sflag:s7], $0x2000  }
0xb0: {  	[sflag:s7] =	ssyncset.done $0x0  }
0xb1: {  	s26 =	rddreg [dreg:$0x18];
	[sflag:s7] =	ssyncadd.s32 $0xFFFFE000  }
0xb2: {  	[tilespmem:s3], [sflag:$0x1] =	stream.linear.gather [spmem:s26], $0x2000, $0x38;
	[tilespmem:$0x1CC00] =	vst v63  }
0xb3: {  	_ =	swait.ge [sflag:s22], $0x2000  }
0xb4: {  	[sflag:s22] =	ssyncset.done $0x0  }
0xb5: {  	s30 =	rddreg [dreg:$0xd];
	[sflag:s22] =	ssyncadd.s32 $0xFFFFE000  }
0xb6: {  	[hbm4b:s30+s2] =	stream.linear.scatter [tilespmem:s15], [sflag:$0x4], $0x2000, $0x38;
	[tilespmem:$0x1CC00] =	vst v63  }
0xb7: {  	_ =	swait.ge [sflag:s31], $0x2000  }
0xb8: {  	[sflag:s31] =	ssyncset.done $0x0  }
0xb9: {  	s26 =	rddreg [dreg:$0x19];
	[sflag:s31] =	ssyncadd.s32 $0xFFFFE000  }
0xba: {  	[tilespmem:s15], [sflag:$0x3] =	stream.linear.gather [spmem:s26], $0x2000, $0x38;
	[tilespmem:$0x1CC00] =	vst v63  }
0xbb: {  	_ =	swait.ge [sflag:s4], $0x2000  }
0xbc: {  	[sflag:s4] =	ssyncset.done $0x0  }
0xbd: {  	s30 =	rddreg [dreg:$0xe];
	[sflag:s4] =	ssyncadd.s32 $0xFFFFE000  }
0xbe: {  	[hbm4b:s30+s2] =	stream.linear.scatter [tilespmem:s3], [sflag:$0x2], $0x2000, $0x38;
	[tilespmem:$0x1CC00] =	vst v63  }
0xbf: {  	_ =	swait.ge [sflag:s22], $0x2000  }
0xc0: {  	[sflag:s22] =	ssyncset.done $0x0  }
0xc1: {  	s26 =	rddreg [dreg:$0xf];
	[sflag:s22] =	ssyncadd.s32 $0xFFFFE000  }
0xc2: {  	[hbm4b:s26+s2] =	stream.linear.scatter [tilespmem:s15], [sflag:$0x4], $0x2000, $0x38;
	[tilespmem:$0x1CC00] =	vst v63  }
0xc3: {  	_ =	swait.ge [sflag:s7], $0x2000  }
0xc4: {  	[sflag:s7] =	ssyncset.done $0x0  }
0xc5: {  	[sflag:s7] =	ssyncadd.s32 $0xFFFFE000  }
0xc6: {  	_ =	swait.ge [sflag:s31], $0x2000  }
0xc7: {  	[sflag:s31] =	ssyncset.done $0x0  }
0xc8: {  	s26 =	simm.s32 $0x1C800;
	s30 =	rddreg [dreg:$0x1a];
	[sflag:s31] =	ssyncadd.s32 $0xFFFFE000  }
0xc9: {  	[tilespmem:s26], [sflag:$0x5] =	stream.linear.gather [spmem:s30], $0x400, $0x38;
	[tilespmem:$0x1CC00] =	vst v63  }
0xca: {  	_ =	swait.ge [sflag:s21], $0x400  }
0xcb: {  	s30 =	sld [smem:$0x7FC]  }
0xcc: {  	[sflag:s21] =	ssyncset.done $0x0  }
0xcd: {  	[sflag:s21] =	ssyncadd.s32 $0xFFFFFC00  }
0xce: {  	[hbm4b:s30+s2] =	stream.linear.scatter [tilespmem:s26], [sflag:$0x5], $0x400, $0x38;
	[tilespmem:$0x1CC00] =	vst v63  }
0xcf: {  	_ =	swait.ge [sflag:s21], $0x400  }
0xd0: {  	s30 =	sld [smem:$0x7FD];
	_ =	sdelay $0x1  }
0xd1: {  	s24 =	sadd.s32 $0x1, s24  }
0xd2: {  	p1 =	sne.s32 s24, s30  }
.Ltmp1:
0xd3: {  	_ = 	snop;
	(pc) =	sbr.rel @!p1 .LBB2_11-.Ltmp1, $3  }
0xd4: {  	_ =	sdelay $0x1  }
0xd5: {  	[sflag:s21] =	ssyncset.done $0x0  }
0xd6: {  	[sflag:s21] =	ssyncadd.s32 $0xFFFFFC00  }
.LBB2_1:
0xd7: {  	s25 =	simm.s32 $0x0;
	s26 =	simm.s32 $0x200  }
.LBB2_2:
0xd8: {  	p1 =	sne.s32 s26, $0x7E00;
	[tilespmem:s25+$0x14670] =	vst v0  }
0xd9: {  	[tilespmem:s25+$0x14600] =	vst v0  }
0xda: {  	[tilespmem:s25+$0x14610] =	vst v0  }
.Ltmp2:
0xdb: {  	[tilespmem:s25+$0x14620] =	vst v0;
	(pc) =	sbr.rel @p1 .LBB2_2-.Ltmp2, $4  }
0xdc: {  	[tilespmem:s25+$0x14630] =	vst v0  }
0xdd: {  	[tilespmem:s25+$0x14640] =	vst v0  }
0xde: {  	[tilespmem:s25+$0x14650] =	vst v0  }
0xdf: {  	[tilespmem:s25+$0x14660] =	vst v0;
	s25 =	sshra.s32 s26, $0x2;
	s26 =	sadd.s32 $0x200, s26  }
0xe0: {  	[tilespmem:s25+$0x14670] =	vst v0  }
0xe1: {  	[tilespmem:s25+$0x14600] =	vst v0  }
0xe2: {  	[tilespmem:s25+$0x14610] =	vst v0  }
0xe3: {  	[tilespmem:s25+$0x14620] =	vst v0  }
0xe4: {  	[tilespmem:s25+$0x14630] =	vst v0  }
0xe5: {  	[tilespmem:s25+$0x14640] =	vst v0  }
0xe6: {  	[tilespmem:s25+$0x14650] =	vst v0  }
0xe7: {  	[tilespmem:s25+$0x14660] =	vst v0  }
0xe8: {  	[spmem:s28] =	stream.linear.scatter [tilespmem:s3], [sflag:$0x1], $0x2000, $0x38;
	[tilespmem:$0x1CC00] =	vst v63  }
0xe9: {  	_ = 	snop  }
0xea: {  	[spmem:s29] =	stream.linear.scatter [tilespmem:s3], [sflag:$0x1], $0x2000, $0x38;
	[tilespmem:$0x1CC00] =	vst v63  }
0xeb: {  	s26 =	rddreg [dreg:$0x12]  }
0xec: {  	[spmem:s26] =	stream.linear.scatter [tilespmem:s3], [sflag:$0x1], $0x2000, $0x38;
	[tilespmem:$0x1CC00] =	vst v63  }
0xed: {  	s30 =	smov.u32 s28;
	s28 =	rddreg [dreg:$0x13]  }
0xee: {  	[spmem:s28] =	stream.linear.scatter [tilespmem:s3], [sflag:$0x1], $0x2000, $0x38;
	[tilespmem:$0x1CC00] =	vst v63  }
0xef: {  	s29 =	rddreg [dreg:$0x14]  }
0xf0: {  	[spmem:s29] =	stream.linear.scatter [tilespmem:s3], [sflag:$0x1], $0x2000, $0x38;
	[tilespmem:$0x1CC00] =	vst v63  }
0xf1: {  	s26 =	rddreg [dreg:$0x15]  }
0xf2: {  	[spmem:s26] =	stream.linear.scatter [tilespmem:s3], [sflag:$0x1], $0x2000, $0x38;
	[tilespmem:$0x1CC00] =	vst v63  }
0xf3: {  	s28 =	rddreg [dreg:$0x16]  }
0xf4: {  	[spmem:s28] =	stream.linear.scatter [tilespmem:s3], [sflag:$0x1], $0x2000, $0x38;
	[tilespmem:$0x1CC00] =	vst v63  }
0xf5: {  	s29 =	rddreg [dreg:$0x17]  }
0xf6: {  	[spmem:s29] =	stream.linear.scatter [tilespmem:s3], [sflag:$0x1], $0x2000, $0x38;
	[tilespmem:$0x1CC00] =	vst v63  }
0xf7: {  	s26 =	rddreg [dreg:$0x18]  }
0xf8: {  	[spmem:s26] =	stream.linear.scatter [tilespmem:s3], [sflag:$0x1], $0x2000, $0x38;
	[tilespmem:$0x1CC00] =	vst v63  }
0xf9: {  	s28 =	rddreg [dreg:$0x19]  }
0xfa: {  	[spmem:s28] =	stream.linear.scatter [tilespmem:s3], [sflag:$0x1], $0x2000, $0x38;
	[tilespmem:$0x1CC00] =	vst v63  }
0xfb: {  	s29 =	rddreg [dreg:$0x1a]  }
0xfc: {  	[spmem:s29] =	stream.linear.scatter [tilespmem:s3], [sflag:$0x1], $0x400, $0x38;
	[tilespmem:$0x1CC00] =	vst v63  }
0xfd: {  	_ =	swait.ge [sflag:s4], $0x2000  }
0xfe: {  	[sflag:s4] =	ssyncset.done $0x0  }
0xff: {  	[sflag:s4] =	ssyncadd.s32 $0xFFFFE000  }
0x100: {  	_ =	swait.ge [sflag:s4], $0x2000  }
0x101: {  	[sflag:s4] =	ssyncset.done $0x0  }
0x102: {  	[sflag:s4] =	ssyncadd.s32 $0xFFFFE000  }
0x103: {  	_ =	swait.ge [sflag:s4], $0x2000  }
0x104: {  	[sflag:s4] =	ssyncset.done $0x0  }
0x105: {  	[sflag:s4] =	ssyncadd.s32 $0xFFFFE000  }
0x106: {  	_ =	swait.ge [sflag:s4], $0x2000  }
0x107: {  	[sflag:s4] =	ssyncset.done $0x0  }
0x108: {  	[sflag:s4] =	ssyncadd.s32 $0xFFFFE000  }
0x109: {  	_ =	swait.ge [sflag:s4], $0x2000  }
0x10a: {  	[sflag:s4] =	ssyncset.done $0x0  }
0x10b: {  	[sflag:s4] =	ssyncadd.s32 $0xFFFFE000  }
0x10c: {  	_ =	swait.ge [sflag:s4], $0x2000  }
0x10d: {  	[sflag:s4] =	ssyncset.done $0x0  }
0x10e: {  	[sflag:s4] =	ssyncadd.s32 $0xFFFFE000  }
0x10f: {  	_ =	swait.ge [sflag:s4], $0x2000  }
0x110: {  	[sflag:s4] =	ssyncset.done $0x0  }
0x111: {  	[sflag:s4] =	ssyncadd.s32 $0xFFFFE000  }
0x112: {  	_ =	swait.ge [sflag:s4], $0x2000  }
0x113: {  	[sflag:s4] =	ssyncset.done $0x0  }
0x114: {  	[sflag:s4] =	ssyncadd.s32 $0xFFFFE000  }
0x115: {  	_ =	swait.ge [sflag:s4], $0x2000  }
0x116: {  	[sflag:s4] =	ssyncset.done $0x0  }
0x117: {  	[sflag:s4] =	ssyncadd.s32 $0xFFFFE000  }
0x118: {  	_ =	swait.ge [sflag:s4], $0x2000  }
0x119: {  	[sflag:s4] =	ssyncset.done $0x0  }
0x11a: {  	[sflag:s4] =	ssyncadd.s32 $0xFFFFE000  }
.Ltmp3:
0x11b: {  	_ =	swait.ge [sflag:s4], $0x400;
	(pc) =	sbr.rel @!p0 .LBB2_4-.Ltmp3, $3  }
0x11c: {  	[sflag:s4] =	ssyncset.done $0x0  }
0x11d: {  	[sflag:s4] =	ssyncadd.s32 $0xFFFFFC00  }
0x11e: {  	[bflag:$0x0] =	sbarrier.arrive $0xFFFF;
	_ =	sdelay $0x1  }
0x11f: {  	s25 =	rddreg [dreg:$0x1d]  }
0x120: {  	[tilespmem:s5], [sflag:$0x2] =	stream.linear.gather [hbm4b:s25+s2], $0x40, $0x38;
	[tilespmem:$0x1CC00] =	vst v63  }
0x121: {  	s28 =	rddreg [dreg:$0x1e]  }
0x122: {  	[tilespmem:s6], [sflag:$0x2] =	stream.linear.gather [hbm4b:s28+s2], $0x40, $0x38;
	[tilespmem:$0x1CC00] =	vst v63  }
0x123: {  	_ =	swait.ge [sflag:s7], $0x40  }
0x124: {  	[sflag:s7] =	ssyncset.done $0x0  }
0x125: {  	[sflag:s7] =	ssyncadd.s32 $0xFFFFFFC0  }
0x126: {  	_ =	swait.ge [sflag:s7], $0x40  }
0x127: {  	[sflag:s7] =	ssyncset.done $0x0  }
0x128: {  	[sflag:s7] =	ssyncadd.s32 $0xFFFFFFC0  }
0x129: {  	v1 =	vld [tilespmem:$0x14480];
	_ =	sdelay $0x1  }
0x12a: {  	v2 =	vld [tilespmem:$0x14490];
	_ =	sdelay $0x1  }
0x12b: {  	v3 =	vld [tilespmem:$0x144A0]  }
0x12c: {  	v4 =	vshra.s32 v1, $0x7  }
0x12d: {  	v59 =	vld [tilespmem:$0x144B0];
	v1 =	vand.u32 $0x7F, v1;
	[tilespmem:$0x14500] =	vst v4  }
0x12e: {  	[tilespmem:$0x14580] =	vst v1;
	v1 =	vshra.s32 v2, $0x7  }
0x12f: {  	[tilespmem:$0x14510] =	vst v1;
	v1 =	vand.u32 $0x7F, v2  }
0x130: {  	[tilespmem:$0x14590] =	vst v1;
	v1 =	vshra.s32 v3, $0x7  }
0x131: {  	[tilespmem:$0x14520] =	vst v1;
	v1 =	vand.u32 $0x7F, v3  }
0x132: {  	[tilespmem:$0x145A0] =	vst v1;
	v1 =	vshra.s32 v59, $0x7  }
0x133: {  	[tilespmem:$0x14530] =	vst v1;
	v1 =	vand.u32 $0x7F, v59  }
0x134: {  	[tilespmem:$0x145B0] =	vst v1  }
0x135: {  	[tilespmem:s3], [sflag:$0x1] =	stream.indirect.gather [hbm4b:s1+s8], $0x80, s5, s8, $0xb8;
	[tilespmem:$0x1CC00] =	vst v63  }
0x136: {  	s25 =	sadd.s32 $0xFFFFFCB0, s12  }
0x137: {  	[tilespmem:s10], [sflag:$0x1] =	stream.indirect.gather [hbm4b:s18+s8], $0x80, s9, s8, $0xb8;
	[tilespmem:$0x1CC00] =	vst v63  }
0x138: {  	s26 =	sadd.s32 $0x9D8, s25;
	s28 =	sadd.s32 $0xFFFFFCB0, s0  }
0x139: {  	[tilespmem:s11], [sflag:$0x4] =	stream.linear.gather [hbm4b:s26+s2], $0x40, $0x38;
	[tilespmem:$0x1CC00] =	vst v63  }
0x13a: {  	s29 =	sadd.s32 $0x9D8, s28  }
0x13b: {  	[tilespmem:s13], [sflag:$0x4] =	stream.linear.gather [hbm4b:s29+s2], $0x40, $0x38;
	[tilespmem:$0x1CC00] =	vst v63  }
0x13c: {  	_ =	swait.ge [sflag:s31], $0x40  }
0x13d: {  	[sflag:s31] =	ssyncset.done $0x0  }
0x13e: {  	[sflag:s31] =	ssyncadd.s32 $0xFFFFFFC0  }
0x13f: {  	_ =	swait.ge [sflag:s31], $0x40  }
0x140: {  	[sflag:s31] =	ssyncset.done $0x0  }
0x141: {  	[sflag:s31] =	ssyncadd.s32 $0xFFFFFFC0  }
0x142: {  	v1 =	vld [tilespmem:$0x186B0];
	_ =	sdelay $0x1  }
0x143: {  	v2 =	vld [tilespmem:$0x186A0];
	_ =	sdelay $0x1  }
0x144: {  	v3 =	vld [tilespmem:$0x18680]  }
0x145: {  	v5 =	vshra.s32 v1, $0x7  }
0x146: {  	v60 =	vld [tilespmem:$0x18690];
	v1 =	vand.u32 $0x7F, v1;
	[tilespmem:$0x18730] =	vst v5  }
0x147: {  	v61 =	vshra.s32 v2, $0x7;
	[tilespmem:$0x187B0] =	vst v1  }
0x148: {  	v2 =	vand.u32 $0x7F, v2;
	[tilespmem:$0x18720] =	vst v61  }
0x149: {  	v1 =	vshra.s32 v3, $0x7;
	[tilespmem:$0x187A0] =	vst v2  }
0x14a: {  	v3 =	vand.u32 $0x7F, v3;
	[tilespmem:$0x18700] =	vst v1  }
0x14b: {  	v1 =	vand.u32 $0x7F, v60;
	[tilespmem:$0x18780] =	vst v3  }
0x14c: {  	[tilespmem:$0x18790] =	vst v1;
	v1 =	vshra.s32 v60, $0x7  }
0x14d: {  	[tilespmem:$0x18710] =	vst v1  }
0x14e: {  	[tilespmem:s15], [sflag:$0x3] =	stream.indirect.gather [hbm4b:s1+s8], $0x80, s11, s8, $0xb8;
	[tilespmem:$0x1CC00] =	vst v63  }
0x14f: {  	_ = 	snop  }
0x150: {  	[tilespmem:s19], [sflag:$0x3] =	stream.indirect.gather [hbm4b:s18+s8], $0x80, s17, s8, $0xb8;
	[tilespmem:$0x1CC00] =	vst v63  }
0x151: {  	_ =	swait.ge [sflag:s4], $0x2000  }
0x152: {  	[sflag:s4] =	ssyncset.done $0x0  }
0x153: {  	[sflag:s4] =	ssyncadd.s32 $0xFFFFE000  }
0x154: {  	_ =	swait.ge [sflag:s4], $0x2000  }
0x155: {  	[sflag:s4] =	ssyncset.done $0x0  }
0x156: {  	[sflag:s4] =	ssyncadd.s32 $0xFFFFE000  }
0x157: {  	[spmem:s16] =	stream.indirect.scatter.add.f32 [tilespmem:s10], [sflag:$0x2], $0x80, s20, s8, $0xb8;
	[tilespmem:$0x1CC00] =	vst v63  }
0x158: {  	_ = 	snop  }
0x159: {  	[spmem:s14] =	stream.indirect.scatter.add.f32 [tilespmem:s3], [sflag:$0x5], $0x80, s6, s8, $0xb8;
	[tilespmem:$0x1CC00] =	vst v63  }
0x15a: {  	_ =	swait.ge [sflag:s21], $0x2000  }
0x15b: {  	[sflag:s21] =	ssyncset.done $0x0  }
0x15c: {  	[sflag:s21] =	ssyncadd.s32 $0xFFFFE000  }
0x15d: {  	_ =	swait.ge [sflag:s7], $0x2000  }
0x15e: {  	[sflag:s7] =	ssyncset.done $0x0  }
0x15f: {  	s25 =	sadd.s32 $0x9E0, s25;
	[sflag:s7] =	ssyncadd.s32 $0xFFFFE000  }
0x160: {  	[tilespmem:s5], [sflag:$0x2] =	stream.linear.gather [hbm4b:s25+s2], $0x40, $0x38;
	[tilespmem:$0x1CC00] =	vst v63  }
0x161: {  	s29 =	sadd.s32 $0x9E0, s28  }
0x162: {  	[tilespmem:s6], [sflag:$0x2] =	stream.linear.gather [hbm4b:s29+s2], $0x40, $0x38;
	[tilespmem:$0x1CC00] =	vst v63  }
0x163: {  	_ =	swait.ge [sflag:s7], $0x40  }
0x164: {  	[sflag:s7] =	ssyncset.done $0x0  }
0x165: {  	[sflag:s7] =	ssyncadd.s32 $0xFFFFFFC0  }
0x166: {  	_ =	swait.ge [sflag:s7], $0x40  }
0x167: {  	[sflag:s7] =	ssyncset.done $0x0  }
0x168: {  	[sflag:s7] =	ssyncadd.s32 $0xFFFFFFC0  }
0x169: {  	v1 =	vld [tilespmem:$0x144A0]  }
0x16a: {  	v2 =	vld [tilespmem:$0x14490];
	_ =	sdelay $0x2  }
0x16b: {  	v3 =	vld [tilespmem:$0x144B0]  }
0x16c: {  	v62 =	vld [tilespmem:$0x14480];
	v63 =	vshra.s32 v1, $0x7  }
0x16d: {  	v6 =	vshra.s32 v2, $0x7;
	[tilespmem:$0x14520] =	vst v63  }
0x16e: {  	v2 =	vand.u32 $0x7F, v2;
	[tilespmem:$0x14510] =	vst v6  }
0x16f: {  	v1 =	vand.u32 $0x7F, v1;
	[tilespmem:$0x14590] =	vst v2  }
0x170: {  	[tilespmem:$0x145A0] =	vst v1;
	v1 =	vand.u32 $0x7F, v3  }
0x171: {  	v2 =	vand.u32 $0x7F, v62;
	[tilespmem:$0x145B0] =	vst v1  }
0x172: {  	v1 =	vshra.s32 v3, $0x7;
	[tilespmem:$0x14580] =	vst v2  }
0x173: {  	v2 =	vshra.s32 v62, $0x7;
	[tilespmem:$0x14530] =	vst v1  }
0x174: {  	[tilespmem:$0x14500] =	vst v2  }
0x175: {  	[tilespmem:s3], [sflag:$0x1] =	stream.indirect.gather [hbm4b:s1+s8], $0x80, s5, s8, $0xb8;
	[tilespmem:$0x1CC00] =	vst v63  }
0x176: {  	s25 =	simm.s32 $0xFFFFFCC0  }
0x177: {  	[tilespmem:s10], [sflag:$0x1] =	stream.indirect.gather [hbm4b:s18+s8], $0x80, s9, s8, $0xb8;
	[tilespmem:$0x1CC00] =	vst v63  }
.LBB2_8:
0x178: {  	p1 =	sne.s32 s25, $0xFFFFFFF0  }
0x179: {  	_ =	swait.ge [sflag:s22], $0x2000;
	s28 =	smov.u32 s25;
	s25 =	sadd.s32 $0x10, s25  }
0x17a: {  	[sflag:s22] =	ssyncset.done $0x0  }
0x17b: {  	[sflag:s22] =	ssyncadd.s32 $0xFFFFE000  }
0x17c: {  	_ =	swait.ge [sflag:s22], $0x2000  }
0x17d: {  	[sflag:s22] =	ssyncset.done $0x0  }
0x17e: {  	[sflag:s22] =	ssyncadd.s32 $0xFFFFE000  }
0x17f: {  	[spmem:s16] =	stream.indirect.scatter.add.f32 [tilespmem:s19], [sflag:$0x4], $0x80, s23, s8, $0xb8;
	[tilespmem:$0x1CC00] =	vst v63  }
0x180: {  	_ = 	snop  }
0x181: {  	[spmem:s14] =	stream.indirect.scatter.add.f32 [tilespmem:s15], [sflag:$0x5], $0x80, s13, s8, $0xb8;
	[tilespmem:$0x1CC00] =	vst v63  }
0x182: {  	_ =	swait.ge [sflag:s21], $0x2000  }
0x183: {  	[sflag:s21] =	ssyncset.done $0x0  }
0x184: {  	[sflag:s21] =	ssyncadd.s32 $0xFFFFE000  }
0x185: {  	_ =	swait.ge [sflag:s31], $0x2000  }
0x186: {  	s26 =	sadd.s32 s28, s12;
	[sflag:s31] =	ssyncset.done $0x0  }
0x187: {  	s28 =	sadd.s32 s28, s0;
	s29 =	sadd.s32 $0x9D8, s26;
	[sflag:s31] =	ssyncadd.s32 $0xFFFFE000  }
0x188: {  	[tilespmem:s11], [sflag:$0x4] =	stream.linear.gather [hbm4b:s29+s2], $0x40, $0x38;
	[tilespmem:$0x1CC00] =	vst v63  }
0x189: {  	s29 =	sadd.s32 $0x9D8, s28  }
0x18a: {  	[tilespmem:s13], [sflag:$0x4] =	stream.linear.gather [hbm4b:s29+s2], $0x40, $0x38;
	[tilespmem:$0x1CC00] =	vst v63  }
0x18b: {  	_ =	swait.ge [sflag:s31], $0x40  }
0x18c: {  	[sflag:s31] =	ssyncset.done $0x0  }
0x18d: {  	[sflag:s31] =	ssyncadd.s32 $0xFFFFFFC0  }
0x18e: {  	_ =	swait.ge [sflag:s31], $0x40  }
0x18f: {  	[sflag:s31] =	ssyncset.done $0x0  }
0x190: {  	[sflag:s31] =	ssyncadd.s32 $0xFFFFFFC0  }
0x191: {  	v1 =	vld [tilespmem:$0x186B0]  }
0x192: {  	v2 =	vld [tilespmem:$0x186A0]  }
0x193: {  	v3 =	vld [tilespmem:$0x18680];
	_ =	sdelay $0x1  }
0x194: {  	v4 =	vld [tilespmem:$0x18690]  }
0x195: {  	v5 =	vshra.s32 v1, $0x7;
	v1 =	vand.u32 $0x7F, v1  }
0x196: {  	v6 =	vshra.s32 v2, $0x7;
	v2 =	vand.u32 $0x7F, v2;
	[tilespmem:$0x18730] =	vst v5  }
0x197: {  	v5 =	vshra.s32 v3, $0x7;
	v3 =	vand.u32 $0x7F, v3;
	[tilespmem:$0x187B0] =	vst v1  }
0x198: {  	[tilespmem:$0x18720] =	vst v6  }
0x199: {  	[tilespmem:$0x18700] =	vst v5;
	v1 =	vshra.s32 v4, $0x7;
	v4 =	vand.u32 $0x7F, v4  }
0x19a: {  	[tilespmem:$0x18780] =	vst v3  }
0x19b: {  	[tilespmem:$0x18790] =	vst v4  }
0x19c: {  	[tilespmem:$0x187A0] =	vst v2  }
0x19d: {  	[tilespmem:$0x18710] =	vst v1  }
0x19e: {  	[tilespmem:s15], [sflag:$0x3] =	stream.indirect.gather [hbm4b:s1+s8], $0x80, s11, s8, $0xb8;
	[tilespmem:$0x1CC00] =	vst v63  }
0x19f: {  	_ = 	snop  }
0x1a0: {  	[tilespmem:s19], [sflag:$0x3] =	stream.indirect.gather [hbm4b:s18+s8], $0x80, s17, s8, $0xb8;
	[tilespmem:$0x1CC00] =	vst v63  }
0x1a1: {  	_ =	swait.ge [sflag:s4], $0x2000  }
0x1a2: {  	[sflag:s4] =	ssyncset.done $0x0  }
0x1a3: {  	[sflag:s4] =	ssyncadd.s32 $0xFFFFE000  }
0x1a4: {  	_ =	swait.ge [sflag:s4], $0x2000  }
0x1a5: {  	[sflag:s4] =	ssyncset.done $0x0  }
0x1a6: {  	[sflag:s4] =	ssyncadd.s32 $0xFFFFE000  }
0x1a7: {  	[spmem:s16] =	stream.indirect.scatter.add.f32 [tilespmem:s10], [sflag:$0x2], $0x80, s20, s8, $0xb8;
	[tilespmem:$0x1CC00] =	vst v63  }
0x1a8: {  	_ = 	snop  }
0x1a9: {  	[spmem:s14] =	stream.indirect.scatter.add.f32 [tilespmem:s3], [sflag:$0x5], $0x80, s6, s8, $0xb8;
	[tilespmem:$0x1CC00] =	vst v63  }
0x1aa: {  	_ =	swait.ge [sflag:s21], $0x2000  }
0x1ab: {  	[sflag:s21] =	ssyncset.done $0x0  }
0x1ac: {  	[sflag:s21] =	ssyncadd.s32 $0xFFFFE000  }
0x1ad: {  	_ =	swait.ge [sflag:s7], $0x2000  }
0x1ae: {  	[sflag:s7] =	ssyncset.done $0x0  }
0x1af: {  	s26 =	sadd.s32 $0x9E0, s26;
	[sflag:s7] =	ssyncadd.s32 $0xFFFFE000  }
0x1b0: {  	[tilespmem:s5], [sflag:$0x2] =	stream.linear.gather [hbm4b:s26+s2], $0x40, $0x38;
	[tilespmem:$0x1CC00] =	vst v63  }
0x1b1: {  	s26 =	sadd.s32 $0x9E0, s28  }
0x1b2: {  	[tilespmem:s6], [sflag:$0x2] =	stream.linear.gather [hbm4b:s26+s2], $0x40, $0x38;
	[tilespmem:$0x1CC00] =	vst v63  }
0x1b3: {  	_ =	swait.ge [sflag:s7], $0x40  }
0x1b4: {  	[sflag:s7] =	ssyncset.done $0x0  }
0x1b5: {  	[sflag:s7] =	ssyncadd.s32 $0xFFFFFFC0  }
0x1b6: {  	_ =	swait.ge [sflag:s7], $0x40  }
0x1b7: {  	[sflag:s7] =	ssyncset.done $0x0  }
0x1b8: {  	[sflag:s7] =	ssyncadd.s32 $0xFFFFFFC0  }
0x1b9: {  	v1 =	vld [tilespmem:$0x144A0]  }
0x1ba: {  	v2 =	vld [tilespmem:$0x14490];
	_ =	sdelay $0x2  }
0x1bb: {  	v3 =	vld [tilespmem:$0x144B0]  }
0x1bc: {  	v4 =	vld [tilespmem:$0x14480];
	v5 =	vshra.s32 v1, $0x7;
	v1 =	vand.u32 $0x7F, v1  }
0x1bd: {  	v6 =	vshra.s32 v2, $0x7;
	v2 =	vand.u32 $0x7F, v2;
	[tilespmem:$0x14520] =	vst v5  }
0x1be: {  	[tilespmem:$0x14510] =	vst v6  }
0x1bf: {  	[tilespmem:$0x14590] =	vst v2  }
0x1c0: {  	[tilespmem:$0x145A0] =	vst v1;
	v1 =	vshra.s32 v3, $0x7;
	v2 =	vand.u32 $0x7F, v3  }
0x1c1: {  	v3 =	vshra.s32 v4, $0x7;
	v4 =	vand.u32 $0x7F, v4;
	[tilespmem:$0x145B0] =	vst v2  }
0x1c2: {  	[tilespmem:$0x14580] =	vst v4  }
.Ltmp4:
0x1c3: {  	[tilespmem:$0x14530] =	vst v1;
	(pc) =	sbr.rel @p1 .LBB2_8-.Ltmp4, $4  }
0x1c4: {  	[tilespmem:$0x14500] =	vst v3  }
0x1c5: {  	[tilespmem:s3], [sflag:$0x1] =	stream.indirect.gather [hbm4b:s1+s8], $0x80, s5, s8, $0xb8;
	[tilespmem:$0x1CC00] =	vst v63  }
0x1c6: {  	_ = 	snop  }
0x1c7: {  	[tilespmem:s10], [sflag:$0x1] =	stream.indirect.gather [hbm4b:s18+s8], $0x80, s9, s8, $0xb8;
	[tilespmem:$0x1CC00] =	vst v63  }
0x1c8: {  	_ =	swait.ge [sflag:s22], $0x2000  }
0x1c9: {  	[sflag:s22] =	ssyncset.done $0x0  }
0x1ca: {  	[sflag:s22] =	ssyncadd.s32 $0xFFFFE000  }
0x1cb: {  	_ =	swait.ge [sflag:s22], $0x2000  }
0x1cc: {  	[sflag:s22] =	ssyncset.done $0x0  }
0x1cd: {  	[sflag:s22] =	ssyncadd.s32 $0xFFFFE000  }
0x1ce: {  	[spmem:s16] =	stream.indirect.scatter.add.f32 [tilespmem:s19], [sflag:$0x4], $0x80, s23, s8, $0xb8;
	[tilespmem:$0x1CC00] =	vst v63  }
0x1cf: {  	_ = 	snop  }
0x1d0: {  	[spmem:s14] =	stream.indirect.scatter.add.f32 [tilespmem:s15], [sflag:$0x5], $0x80, s13, s8, $0xb8;
	[tilespmem:$0x1CC00] =	vst v63  }
0x1d1: {  	_ =	swait.ge [sflag:s21], $0x2000  }
0x1d2: {  	[sflag:s21] =	ssyncset.done $0x0  }
.Ltmp5:
0x1d3: {  	[sflag:s21] =	ssyncadd.s32 $0xFFFFE000;
	(pc) =	sbr.rel .LBB2_10-.Ltmp5, $4  }
0x1d4: {  	_ =	swait.ge [sflag:s31], $0x2000  }
0x1d5: {  	s25 =	sld [smem:$0x7FB]  }
0x1d6: {  	[sflag:s31] =	ssyncset.done $0x0  }
0x1d7: {  	s28 =	smov.u32 s30;
	[sflag:s31] =	ssyncadd.s32 $0xFFFFE000  }
.LBB2_4:
0x1d8: {  	s25 =	rddreg [dreg:$0x1b]  }
0x1d9: {  	[tilespmem:s5], [sflag:$0x2] =	stream.linear.gather [hbm4b:s25+s2], $0x40, $0x38;
	[tilespmem:$0x1CC00] =	vst v63  }
0x1da: {  	s28 =	rddreg [dreg:$0x1c]  }
0x1db: {  	[tilespmem:s6], [sflag:$0x2] =	stream.linear.gather [hbm4b:s28+s2], $0x40, $0x38;
	[tilespmem:$0x1CC00] =	vst v63  }
0x1dc: {  	_ =	swait.ge [sflag:s7], $0x40  }
0x1dd: {  	[sflag:s7] =	ssyncset.done $0x0  }
0x1de: {  	[sflag:s7] =	ssyncadd.s32 $0xFFFFFFC0  }
0x1df: {  	_ =	swait.ge [sflag:s7], $0x40  }
0x1e0: {  	[sflag:s7] =	ssyncset.done $0x0  }
0x1e1: {  	[sflag:s7] =	ssyncadd.s32 $0xFFFFFFC0  }
0x1e2: {  	v1 =	vld [tilespmem:$0x14480];
	_ =	sdelay $0x1  }
0x1e3: {  	v2 =	vld [tilespmem:$0x14490];
	_ =	sdelay $0x1  }
0x1e4: {  	v3 =	vld [tilespmem:$0x144A0]  }
0x1e5: {  	v4 =	vshra.s32 v1, $0x7  }
0x1e6: {  	v59 =	vld [tilespmem:$0x144B0];
	v1 =	vand.u32 $0x7F, v1;
	[tilespmem:$0x14500] =	vst v4  }
0x1e7: {  	[tilespmem:$0x14580] =	vst v1;
	v1 =	vshra.s32 v2, $0x7  }
0x1e8: {  	[tilespmem:$0x14510] =	vst v1;
	v1 =	vand.u32 $0x7F, v2  }
0x1e9: {  	[tilespmem:$0x14590] =	vst v1;
	v1 =	vshra.s32 v3, $0x7  }
0x1ea: {  	[tilespmem:$0x14520] =	vst v1;
	v1 =	vand.u32 $0x7F, v3  }
0x1eb: {  	[tilespmem:$0x145A0] =	vst v1;
	v1 =	vshra.s32 v59, $0x7  }
0x1ec: {  	[tilespmem:$0x14530] =	vst v1;
	v1 =	vand.u32 $0x7F, v59  }
0x1ed: {  	[tilespmem:$0x145B0] =	vst v1  }
0x1ee: {  	[tilespmem:s3], [sflag:$0x1] =	stream.indirect.gather [hbm4b:s1+s8], $0x80, s5, s8, $0xb8;
	[tilespmem:$0x1CC00] =	vst v63  }
0x1ef: {  	s25 =	sadd.s32 $0xFFFFF990, s12  }
0x1f0: {  	[tilespmem:s10], [sflag:$0x1] =	stream.indirect.gather [hbm4b:s18+s8], $0x80, s9, s8, $0xb8;
	[tilespmem:$0x1CC00] =	vst v63  }
0x1f1: {  	s26 =	sadd.s32 $0x678, s25;
	s28 =	sadd.s32 $0xFFFFF990, s0  }
0x1f2: {  	[tilespmem:s11], [sflag:$0x4] =	stream.linear.gather [hbm4b:s26+s2], $0x40, $0x38;
	[tilespmem:$0x1CC00] =	vst v63  }
0x1f3: {  	s29 =	sadd.s32 $0x678, s28  }
0x1f4: {  	[tilespmem:s13], [sflag:$0x4] =	stream.linear.gather [hbm4b:s29+s2], $0x40, $0x38;
	[tilespmem:$0x1CC00] =	vst v63  }
0x1f5: {  	_ =	swait.ge [sflag:s31], $0x40  }
0x1f6: {  	[sflag:s31] =	ssyncset.done $0x0  }
0x1f7: {  	[sflag:s31] =	ssyncadd.s32 $0xFFFFFFC0  }
0x1f8: {  	_ =	swait.ge [sflag:s31], $0x40  }
0x1f9: {  	[sflag:s31] =	ssyncset.done $0x0  }
0x1fa: {  	[sflag:s31] =	ssyncadd.s32 $0xFFFFFFC0  }
0x1fb: {  	v1 =	vld [tilespmem:$0x186B0];
	_ =	sdelay $0x1  }
0x1fc: {  	v2 =	vld [tilespmem:$0x186A0];
	_ =	sdelay $0x1  }
0x1fd: {  	v3 =	vld [tilespmem:$0x18680]  }
0x1fe: {  	v5 =	vshra.s32 v1, $0x7  }
0x1ff: {  	v60 =	vld [tilespmem:$0x18690];
	v1 =	vand.u32 $0x7F, v1;
	[tilespmem:$0x18730] =	vst v5  }
0x200: {  	v61 =	vshra.s32 v2, $0x7;
	[tilespmem:$0x187B0] =	vst v1  }
0x201: {  	v2 =	vand.u32 $0x7F, v2;
	[tilespmem:$0x18720] =	vst v61  }
0x202: {  	v1 =	vshra.s32 v3, $0x7;
	[tilespmem:$0x187A0] =	vst v2  }
0x203: {  	v3 =	vand.u32 $0x7F, v3;
	[tilespmem:$0x18700] =	vst v1  }
0x204: {  	v1 =	vand.u32 $0x7F, v60;
	[tilespmem:$0x18780] =	vst v3  }
0x205: {  	[tilespmem:$0x18790] =	vst v1;
	v1 =	vshra.s32 v60, $0x7  }
0x206: {  	[tilespmem:$0x18710] =	vst v1  }
0x207: {  	[tilespmem:s15], [sflag:$0x3] =	stream.indirect.gather [hbm4b:s1+s8], $0x80, s11, s8, $0xb8;
	[tilespmem:$0x1CC00] =	vst v63  }
0x208: {  	_ = 	snop  }
0x209: {  	[tilespmem:s19], [sflag:$0x3] =	stream.indirect.gather [hbm4b:s18+s8], $0x80, s17, s8, $0xb8;
	[tilespmem:$0x1CC00] =	vst v63  }
0x20a: {  	_ =	swait.ge [sflag:s4], $0x2000  }
0x20b: {  	[sflag:s4] =	ssyncset.done $0x0  }
0x20c: {  	[sflag:s4] =	ssyncadd.s32 $0xFFFFE000  }
0x20d: {  	_ =	swait.ge [sflag:s4], $0x2000  }
0x20e: {  	[sflag:s4] =	ssyncset.done $0x0  }
0x20f: {  	[sflag:s4] =	ssyncadd.s32 $0xFFFFE000  }
0x210: {  	[spmem:s16] =	stream.indirect.scatter.add.f32 [tilespmem:s10], [sflag:$0x2], $0x80, s20, s8, $0xb8;
	[tilespmem:$0x1CC00] =	vst v63  }
0x211: {  	_ = 	snop  }
0x212: {  	[spmem:s14] =	stream.indirect.scatter.add.f32 [tilespmem:s3], [sflag:$0x5], $0x80, s6, s8, $0xb8;
	[tilespmem:$0x1CC00] =	vst v63  }
0x213: {  	_ =	swait.ge [sflag:s21], $0x2000  }
0x214: {  	[sflag:s21] =	ssyncset.done $0x0  }
0x215: {  	[sflag:s21] =	ssyncadd.s32 $0xFFFFE000  }
0x216: {  	_ =	swait.ge [sflag:s7], $0x2000  }
0x217: {  	[sflag:s7] =	ssyncset.done $0x0  }
0x218: {  	s25 =	sadd.s32 $0x680, s25;
	[sflag:s7] =	ssyncadd.s32 $0xFFFFE000  }
0x219: {  	[tilespmem:s5], [sflag:$0x2] =	stream.linear.gather [hbm4b:s25+s2], $0x40, $0x38;
	[tilespmem:$0x1CC00] =	vst v63  }
0x21a: {  	s29 =	sadd.s32 $0x680, s28  }
0x21b: {  	[tilespmem:s6], [sflag:$0x2] =	stream.linear.gather [hbm4b:s29+s2], $0x40, $0x38;
	[tilespmem:$0x1CC00] =	vst v63  }
0x21c: {  	_ =	swait.ge [sflag:s7], $0x40  }
0x21d: {  	[sflag:s7] =	ssyncset.done $0x0  }
0x21e: {  	[sflag:s7] =	ssyncadd.s32 $0xFFFFFFC0  }
0x21f: {  	_ =	swait.ge [sflag:s7], $0x40  }
0x220: {  	[sflag:s7] =	ssyncset.done $0x0  }
0x221: {  	[sflag:s7] =	ssyncadd.s32 $0xFFFFFFC0  }
0x222: {  	v1 =	vld [tilespmem:$0x144A0]  }
0x223: {  	v2 =	vld [tilespmem:$0x14490];
	_ =	sdelay $0x2  }
0x224: {  	v3 =	vld [tilespmem:$0x144B0]  }
0x225: {  	v62 =	vld [tilespmem:$0x14480];
	v63 =	vshra.s32 v1, $0x7  }
0x226: {  	v6 =	vshra.s32 v2, $0x7;
	[tilespmem:$0x14520] =	vst v63  }
0x227: {  	v2 =	vand.u32 $0x7F, v2;
	[tilespmem:$0x14510] =	vst v6  }
0x228: {  	v1 =	vand.u32 $0x7F, v1;
	[tilespmem:$0x14590] =	vst v2  }
0x229: {  	[tilespmem:$0x145A0] =	vst v1;
	v1 =	vand.u32 $0x7F, v3  }
0x22a: {  	v2 =	vand.u32 $0x7F, v62;
	[tilespmem:$0x145B0] =	vst v1  }
0x22b: {  	v1 =	vshra.s32 v3, $0x7;
	[tilespmem:$0x14580] =	vst v2  }
0x22c: {  	v2 =	vshra.s32 v62, $0x7;
	[tilespmem:$0x14530] =	vst v1  }
0x22d: {  	[tilespmem:$0x14500] =	vst v2  }
0x22e: {  	[tilespmem:s3], [sflag:$0x1] =	stream.indirect.gather [hbm4b:s1+s8], $0x80, s5, s8, $0xb8;
	[tilespmem:$0x1CC00] =	vst v63  }
0x22f: {  	s25 =	simm.s32 $0xFFFFF9A0  }
0x230: {  	[tilespmem:s10], [sflag:$0x1] =	stream.indirect.gather [hbm4b:s18+s8], $0x80, s9, s8, $0xb8;
	[tilespmem:$0x1CC00] =	vst v63  }
.LBB2_5:
0x231: {  	p1 =	seq.s32 s25, $0xFFFFFFF0  }
0x232: {  	_ =	swait.ge [sflag:s22], $0x2000;
	s28 =	smov.u32 s25;
	s25 =	sadd.s32 $0x10, s25  }
0x233: {  	[sflag:s22] =	ssyncset.done $0x0  }
0x234: {  	[sflag:s22] =	ssyncadd.s32 $0xFFFFE000  }
0x235: {  	_ =	swait.ge [sflag:s22], $0x2000  }
0x236: {  	[sflag:s22] =	ssyncset.done $0x0  }
0x237: {  	[sflag:s22] =	ssyncadd.s32 $0xFFFFE000  }
0x238: {  	[spmem:s16] =	stream.indirect.scatter.add.f32 [tilespmem:s19], [sflag:$0x4], $0x80, s23, s8, $0xb8;
	[tilespmem:$0x1CC00] =	vst v63  }
0x239: {  	_ = 	snop  }
0x23a: {  	[spmem:s14] =	stream.indirect.scatter.add.f32 [tilespmem:s15], [sflag:$0x5], $0x80, s13, s8, $0xb8;
	[tilespmem:$0x1CC00] =	vst v63  }
0x23b: {  	_ =	swait.ge [sflag:s21], $0x2000  }
0x23c: {  	[sflag:s21] =	ssyncset.done $0x0  }
0x23d: {  	[sflag:s21] =	ssyncadd.s32 $0xFFFFE000  }
0x23e: {  	_ =	swait.ge [sflag:s31], $0x2000  }
0x23f: {  	s26 =	sadd.s32 s28, s12;
	[sflag:s31] =	ssyncset.done $0x0  }
0x240: {  	s28 =	sadd.s32 s28, s0;
	s29 =	sadd.s32 $0x678, s26;
	[sflag:s31] =	ssyncadd.s32 $0xFFFFE000  }
0x241: {  	[tilespmem:s11], [sflag:$0x4] =	stream.linear.gather [hbm4b:s29+s2], $0x40, $0x38;
	[tilespmem:$0x1CC00] =	vst v63  }
0x242: {  	s29 =	sadd.s32 $0x678, s28  }
0x243: {  	[tilespmem:s13], [sflag:$0x4] =	stream.linear.gather [hbm4b:s29+s2], $0x40, $0x38;
	[tilespmem:$0x1CC00] =	vst v63  }
0x244: {  	_ =	swait.ge [sflag:s31], $0x40  }
0x245: {  	[sflag:s31] =	ssyncset.done $0x0  }
0x246: {  	[sflag:s31] =	ssyncadd.s32 $0xFFFFFFC0  }
0x247: {  	_ =	swait.ge [sflag:s31], $0x40  }
0x248: {  	[sflag:s31] =	ssyncset.done $0x0  }
0x249: {  	[sflag:s31] =	ssyncadd.s32 $0xFFFFFFC0  }
0x24a: {  	v1 =	vld [tilespmem:$0x186B0]  }
0x24b: {  	v2 =	vld [tilespmem:$0x186A0]  }
0x24c: {  	v3 =	vld [tilespmem:$0x18680];
	_ =	sdelay $0x1  }
0x24d: {  	v4 =	vld [tilespmem:$0x18690]  }
0x24e: {  	v5 =	vshra.s32 v1, $0x7;
	v1 =	vand.u32 $0x7F, v1  }
0x24f: {  	v6 =	vshra.s32 v2, $0x7;
	v2 =	vand.u32 $0x7F, v2;
	[tilespmem:$0x18730] =	vst v5  }
0x250: {  	v5 =	vshra.s32 v3, $0x7;
	v3 =	vand.u32 $0x7F, v3;
	[tilespmem:$0x187B0] =	vst v1  }
0x251: {  	[tilespmem:$0x18720] =	vst v6  }
0x252: {  	[tilespmem:$0x18700] =	vst v5;
	v1 =	vshra.s32 v4, $0x7;
	v4 =	vand.u32 $0x7F, v4  }
0x253: {  	[tilespmem:$0x18780] =	vst v3  }
0x254: {  	[tilespmem:$0x18790] =	vst v4  }
0x255: {  	[tilespmem:$0x187A0] =	vst v2  }
0x256: {  	[tilespmem:$0x18710] =	vst v1  }
0x257: {  	[tilespmem:s15], [sflag:$0x3] =	stream.indirect.gather [hbm4b:s1+s8], $0x80, s11, s8, $0xb8;
	[tilespmem:$0x1CC00] =	vst v63  }
0x258: {  	_ = 	snop  }
0x259: {  	[tilespmem:s19], [sflag:$0x3] =	stream.indirect.gather [hbm4b:s18+s8], $0x80, s17, s8, $0xb8;
	[tilespmem:$0x1CC00] =	vst v63  }
0x25a: {  	_ =	swait.ge [sflag:s4], $0x2000  }
0x25b: {  	[sflag:s4] =	ssyncset.done $0x0  }
0x25c: {  	[sflag:s4] =	ssyncadd.s32 $0xFFFFE000  }
0x25d: {  	_ =	swait.ge [sflag:s4], $0x2000  }
0x25e: {  	[sflag:s4] =	ssyncset.done $0x0  }
0x25f: {  	[sflag:s4] =	ssyncadd.s32 $0xFFFFE000  }
0x260: {  	[spmem:s16] =	stream.indirect.scatter.add.f32 [tilespmem:s10], [sflag:$0x2], $0x80, s20, s8, $0xb8;
	[tilespmem:$0x1CC00] =	vst v63  }
0x261: {  	_ = 	snop  }
0x262: {  	[spmem:s14] =	stream.indirect.scatter.add.f32 [tilespmem:s3], [sflag:$0x5], $0x80, s6, s8, $0xb8;
	[tilespmem:$0x1CC00] =	vst v63  }
0x263: {  	_ =	swait.ge [sflag:s21], $0x2000  }
0x264: {  	[sflag:s21] =	ssyncset.done $0x0  }
0x265: {  	[sflag:s21] =	ssyncadd.s32 $0xFFFFE000  }
0x266: {  	_ =	swait.ge [sflag:s7], $0x2000  }
0x267: {  	[sflag:s7] =	ssyncset.done $0x0  }
0x268: {  	s26 =	sadd.s32 $0x680, s26;
	[sflag:s7] =	ssyncadd.s32 $0xFFFFE000  }
0x269: {  	[tilespmem:s5], [sflag:$0x2] =	stream.linear.gather [hbm4b:s26+s2], $0x40, $0x38;
	[tilespmem:$0x1CC00] =	vst v63  }
0x26a: {  	s26 =	sadd.s32 $0x680, s28  }
0x26b: {  	[tilespmem:s6], [sflag:$0x2] =	stream.linear.gather [hbm4b:s26+s2], $0x40, $0x38;
	[tilespmem:$0x1CC00] =	vst v63  }
0x26c: {  	_ =	swait.ge [sflag:s7], $0x40  }
0x26d: {  	[sflag:s7] =	ssyncset.done $0x0  }
0x26e: {  	[sflag:s7] =	ssyncadd.s32 $0xFFFFFFC0  }
0x26f: {  	_ =	swait.ge [sflag:s7], $0x40  }
0x270: {  	[sflag:s7] =	ssyncset.done $0x0  }
0x271: {  	[sflag:s7] =	ssyncadd.s32 $0xFFFFFFC0  }
0x272: {  	v1 =	vld [tilespmem:$0x144A0]  }
0x273: {  	v2 =	vld [tilespmem:$0x14490];
	_ =	sdelay $0x2  }
0x274: {  	v3 =	vld [tilespmem:$0x144B0]  }
0x275: {  	v4 =	vld [tilespmem:$0x14480];
	v5 =	vshra.s32 v1, $0x7;
	v1 =	vand.u32 $0x7F, v1  }
0x276: {  	v6 =	vshra.s32 v2, $0x7;
	v2 =	vand.u32 $0x7F, v2;
	[tilespmem:$0x14520] =	vst v5  }
0x277: {  	[tilespmem:$0x14510] =	vst v6  }
0x278: {  	[tilespmem:$0x14590] =	vst v2  }
0x279: {  	[tilespmem:$0x145A0] =	vst v1;
	v1 =	vshra.s32 v3, $0x7;
	v2 =	vand.u32 $0x7F, v3  }
0x27a: {  	v3 =	vshra.s32 v4, $0x7;
	v4 =	vand.u32 $0x7F, v4;
	[tilespmem:$0x145B0] =	vst v2  }
0x27b: {  	[tilespmem:$0x14580] =	vst v4  }
.Ltmp6:
0x27c: {  	[tilespmem:$0x14530] =	vst v1;
	(pc) =	sbr.rel @!p1 .LBB2_5-.Ltmp6, $4  }
0x27d: {  	[tilespmem:$0x14500] =	vst v3  }
0x27e: {  	[tilespmem:s3], [sflag:$0x1] =	stream.indirect.gather [hbm4b:s1+s8], $0x80, s5, s8, $0xb8;
	[tilespmem:$0x1CC00] =	vst v63  }
0x27f: {  	_ = 	snop  }
0x280: {  	[tilespmem:s10], [sflag:$0x1] =	stream.indirect.gather [hbm4b:s18+s8], $0x80, s9, s8, $0xb8;
	[tilespmem:$0x1CC00] =	vst v63  }
.Ltmp7:
0x281: {  	_ = 	snop;
	(pc) =	sbr.rel .LBB2_6-.Ltmp7, $1  }
0x282: {  	_ =	sdelay $0x3  }
.LBB2_11:
0x283: {  	_ =	sfence.sel $0x180000  }
0x284: {  	[bflag:$0x0] =	sbarrier.arrive $0xFFFF  }
0x285: {  	_ =	strace $0x90000047  }
0x286: {  	s0 =	stileid.u32;
	[bflag:$0x2] =	sbarrier.arrive $0xFFFF  }
0x287: {  	p0 =	sne.s32 s0, $0x0;
	s0 =	rddreg [dreg:$0x5]  }
0x288: {  	s0 =	sadd.s32 @!p0 $0x100000, s0  }
0x289: {  	[sflag:s0] =	ssyncadd.tile.s32 @!p0 $0x1;
	_ =	shalt  }
.Lfunc_end2:
_tile_overlayer_lowered:
.L_overlay_start_2:
0x28a: {  	(tag) =	ssettag $0x2  }
0x28b: {  	s0 =	rddreg [dreg:$0x0];
	s2 =	stileid.u32  }
0x28c: {  	s1 =	rddreg [dreg:$0x1];
	p0 =	sne.s32 s2, $0x0  }
0x28d: {  	s3 =	rddreg [dreg:$0x2];
	[bflag:$0x3] =	sbarrier.arrive $0xFFFF;
	s2 =	simm.s32 @!p0 $0x1C05  }
0x28e: {  	[timem:s3], [sflag:s2] =	dma.local @!p0 [hbm:s0], s1  }
0x28f: {  	s0 =	simm.s32 @!p0 $0x5  }
0x290: {  	_ =	swait.ge @!p0 [sflag:s0], s1  }
0x291: {  	s1 =	ssub.s32 @!p0 $0x0, s1;
	[sflag:s0] =	ssyncset.done @!p0 $0x0  }
0x292: {  	[sflag:s0] =	ssyncadd.s32 @!p0 s1  }
0x293: {  	[bflag:$0x3] =	sbarrier.arrive $0xFFFF  }
0x294: {  	_ =	shalt  }

</sc_bundles>
